<compile_context>
chip_gen: v7x
topology: tpu7x:2x2x1
jax: 0.10.2.dev20260603
libtpu: 0.0.44.dev20260713+nightly
codegen_flags: <defaults>
</compile_context>

<pallas_src>
import functools

import jax
import jax.numpy as jnp
import numpy as np
from jax import lax
from jax.experimental import pallas as pl
from jax.experimental.pallas import tpu as pltpu
from jax.experimental.pallas import tpu_sc as plsc

B = 16384
F = 26
D = 16
VOCAB_PER_FIELD = 100000
N = B * F
NC, NS = 2, 16
NW = NC * NS
PER_W = N // NW
CHUNK = 832
ROWS = CHUNK // F
CHUNKS = PER_W // CHUNK
D_IN = F * D
WIDE = 512
H1, H2 = 256, 128
BB = 1024


V = 2600000
NGRP = V // 8
VC = 1024
VCHUNKS = -(-V // VC)
W_CHUNKS = -(-VCHUNKS // NW)
V_TAIL = (V // 128) * 128
V_LAST = V - V_TAIL


def _sc_untile(embT, linT):
    mesh = plsc.VectorSubcoreMesh(core_axis_name="c", subcore_axis_name="s")

    @functools.partial(
        pl.kernel,
        out_type=(jax.ShapeDtypeStruct((NGRP, 128), jnp.float32),
                  jax.ShapeDtypeStruct((V,), jnp.float32)),
        mesh=mesh,
        scratch_types=(
            pltpu.VMEM((D, VC), jnp.float32),
            pltpu.VMEM((D, VC), jnp.float32),
            pltpu.VMEM((VC // 8, 128), jnp.float32),
            pltpu.VMEM((VC // 8, 128), jnp.float32),
            pltpu.VMEM((40960,), jnp.float32),
            pltpu.SemaphoreType.DMA,
            pltpu.SemaphoreType.DMA,
            pltpu.SemaphoreType.DMA,
        ),
        compiler_params=pltpu.CompilerParams(use_tc_tiling_on_sc=True,
                                             needs_layout_passes=False),
    )
    def k(embT_hbm, linT_hbm, out_hbm, lout_hbm,
          tbuf_a, tbuf_b, obuf_a, obuf_b, lbuf, sem_a, sem_b, sem_l):
        wid = lax.axis_index("s") * NC + lax.axis_index("c")
        lane_iota = lax.iota(jnp.int32, 16)

        lv0 = pl.multiple_of(jnp.minimum(wid * 81280, 2518656), 128)
        LSZ = (40960, 40320)

        def lin_in(part):
            off, sz = (0, LSZ[0]) if part == 0 else (LSZ[0], LSZ[1])
            lo = pl.multiple_of(lv0 + off, 128)
            return pltpu.async_copy(linT_hbm.at[0, pl.ds(lo, sz)],
                                    lbuf.at[pl.ds(0, sz)], sem_l)

        def lin_out(part):
            off, sz = (0, LSZ[0]) if part == 0 else (LSZ[0], LSZ[1])
            lo = pl.multiple_of(lv0 + off, 128)
            return pltpu.async_copy(lbuf.at[pl.ds(0, sz)],
                                    lout_hbm.at[pl.ds(lo, sz)], sem_l)

        def lin_in_wait(part):
            off, sz = (0, LSZ[0]) if part == 0 else (LSZ[0], LSZ[1])
            lo = pl.multiple_of(lv0 + off, 128)
            pltpu.make_async_copy(linT_hbm.at[0, pl.ds(lo, sz)],
                                  lbuf.at[pl.ds(0, sz)], sem_l).wait()

        def lin_out_wait(part):
            off, sz = (0, LSZ[0]) if part == 0 else (LSZ[0], LSZ[1])
            lo = pl.multiple_of(lv0 + off, 128)
            pltpu.make_async_copy(lbuf.at[pl.ds(0, sz)],
                                  lout_hbm.at[pl.ds(lo, sz)], sem_l).wait()

        lin_in(0)

        def v_of(t):
            c = wid + t * NW
            return pl.multiple_of(jnp.minimum(c * VC, V_TAIL - VC), 128)

        def fire(t, tbuf, sem):
            return pltpu.async_copy(embT_hbm.at[:, pl.ds(v_of(t), VC)],
                                    tbuf, sem)

        def process(t, tbuf, obuf):
            def tr(i, cc):
                vv = lane_iota + i * 16
                orow = lax.shift_right_logical(vv, 3)
                ocol0 = lax.bitwise_and(vv, 7) * 16
                for d in range(D):
                    vals = tbuf[d, pl.ds(pl.multiple_of(i * 16, 16), 16)]
                    plsc.store_scatter(obuf, [orow, ocol0 + d], vals)
                return cc

            lax.fori_loop(0, VC // 16, tr, 0)
            r0 = pl.multiple_of(lax.shift_right_logical(v_of(t), 3), 8)
            pltpu.sync_copy(obuf, out_hbm.at[pl.ds(r0, VC // 8)])

        fire(0, tbuf_a, sem_a)

        def pair(u, carry):
            t = u * 2
            cb = fire(t + 1, tbuf_b, sem_b)
            pltpu.make_async_copy(embT_hbm.at[:, pl.ds(v_of(t), VC)],
                                  tbuf_a, sem_a).wait()
            process(t, tbuf_a, obuf_a)
            fire(t + 2, tbuf_a, sem_a)
            cb.wait()
            process(t + 1, tbuf_b, obuf_b)

            @pl.when(u == 1)
            def _():
                lin_in_wait(0)
                lin_out(0)

            @pl.when(u == 18)
            def _():
                lin_out_wait(0)
                lin_in(1)

            @pl.when(u == 36)
            def _():
                lin_in_wait(1)
                lin_out(1)

            return carry

        lax.fori_loop(0, W_CHUNKS // 2, pair, 0)
        lin_out_wait(1)
        pltpu.make_async_copy(embT_hbm.at[:, pl.ds(v_of(W_CHUNKS), VC)],
                              tbuf_a, sem_a).wait()


    return k(embT, linT)


def _sc_gather(x_flat, emb_table, lin16, off_flat, tail16):
    mesh = plsc.VectorSubcoreMesh(core_axis_name="c", subcore_axis_name="s")

    @functools.partial(
        pl.kernel,
        out_type=jax.ShapeDtypeStruct((B, WIDE), jnp.float32),
        mesh=mesh,
        scratch_types=(
            pltpu.VMEM((CHUNK,), jnp.int32),
            pltpu.VMEM((CHUNK,), jnp.int32),
            pltpu.VMEM((CHUNK,), jnp.int32),
            pltpu.VMEM((CHUNK,), jnp.int32),
            pltpu.VMEM((CHUNK,), jnp.int32),
            pltpu.VMEM((CHUNK, D), jnp.float32),
            pltpu.VMEM((CHUNK, D), jnp.float32),
            pltpu.VMEM((CHUNK, 16), jnp.float32),
            pltpu.VMEM((CHUNK, 16), jnp.float32),
            pltpu.VMEM((ROWS, WIDE), jnp.float32),
            pltpu.VMEM((V_LAST, D + 1), jnp.float32),
            pltpu.SemaphoreType.DMA,
            pltpu.SemaphoreType.DMA,
            pltpu.SemaphoreType.DMA,
            pltpu.SemaphoreType.DMA,
        ),
        compiler_params=pltpu.CompilerParams(use_tc_tiling_on_sc=False,
                                             needs_layout_passes=False),
    )
    def k(x_hbm, emb_hbm, lin_hbm, off_hbm, tail_hbm, out_hbm,
          idx_a, idx_b, lidx_a, lidx_b, offb, ebuf_a, ebuf_b, lbuf_a, lbuf_b,
          obuf, tailbuf, sem_ea, sem_eb, sem_la, sem_lb):
        wid = lax.axis_index("s") * NC + lax.axis_index("c")
        base = pl.multiple_of(wid * PER_W, 8)
        row_base = pl.multiple_of(wid * (PER_W // F), 8)
        pltpu.sync_copy(off_hbm, offb)
        pltpu.sync_copy(tail_hbm, tailbuf)
        lane_iota = lax.iota(jnp.int32, 16)
        zeros16 = jnp.zeros((16,), jnp.float32)

        def zinit(r, c):
            for col in range(D_IN, WIDE, 16):
                obuf[r, pl.ds(col, 16)] = zeros16
            return c

        lax.fori_loop(0, ROWS, zinit, 0)

        def s_of(j):
            return pl.multiple_of(
                jnp.minimum(base + j * CHUNK, N - CHUNK), 8)

        def prep(j, idxb, lidxb, ebuf, lbuf, sem_e, sem_l):
            pltpu.sync_copy(x_hbm.at[pl.ds(s_of(j), CHUNK)], idxb)

            def add(i, c):
                s = pl.ds(pl.multiple_of(i * 16, 16), 16)
                xi = idxb[s] + offb[s]
                idxb[s] = xi
                lidxb[s] = lax.shift_right_logical(xi, 4)
                return c

            lax.fori_loop(0, CHUNK // 16, add, 0)
            pltpu.async_copy(emb_hbm.at[idxb], ebuf, sem_e)
            pltpu.async_copy(lin_hbm.at[lidxb], lbuf, sem_l)

        def drain(idxb, lidxb, ebuf, lbuf, sem_e, sem_l):
            pltpu.make_async_copy(emb_hbm.at[idxb], ebuf, sem_e).wait()
            pltpu.make_async_copy(lin_hbm.at[lidxb], lbuf, sem_l).wait()

        def process(j, idxb, ebuf, lbuf):
            def sel(i, c):
                s = pl.ds(pl.multiple_of(i * 16, 16), 16)
                col = lax.bitwise_and(idxb[s], 15)
                row = lane_iota + i * 16
                vals = plsc.load_gather(lbuf, [row, col])
                p = lane_iota + i * 16
                orow = lax.div(p, jnp.int32(F))
                ocol = D_IN + lax.rem(p, jnp.int32(F))
                plsc.store_scatter(obuf, [orow, ocol], vals)
                return c

            lax.fori_loop(0, CHUNK // 16, sel, 0)

            def repack(r, c):
                for kf in range(F):
                    obuf[r, pl.ds(kf * 16, 16)] = ebuf[r * F + kf, :]
                return c

            lax.fori_loop(0, ROWS, repack, 0)

            def fixup(i, c):
                s = pl.ds(pl.multiple_of(i * 16, 16), 16)
                xi = idxb[s]
                m = xi >= V_TAIL
                cnt = jnp.max(m.astype(jnp.int32))

                @pl.when(cnt > 0)
                def _():
                    p = lane_iota + i * 16
                    orow = lax.div(p, jnp.int32(F))
                    ocol0 = lax.rem(p, jnp.int32(F)) * 16
                    t = jnp.clip(xi - V_TAIL, 0, V_LAST - 1)
                    for d in range(D):
                        dv = jnp.full((16,), d, jnp.int32)
                        vals = plsc.load_gather(tailbuf, [t, dv], mask=m)
                        plsc.store_scatter(obuf, [orow, ocol0 + d], vals,
                                           mask=m)
                    dv = jnp.full((16,), D, jnp.int32)
                    lvals = plsc.load_gather(tailbuf, [t, dv], mask=m)
                    lcol = D_IN + lax.rem(p, jnp.int32(F))
                    plsc.store_scatter(obuf, [orow, lcol], lvals, mask=m)
                return c

            lax.fori_loop(0, CHUNK // 16, fixup, 0)
            r0 = pl.multiple_of(row_base + j * ROWS, 8)
            pltpu.sync_copy(obuf, out_hbm.at[pl.ds(r0, ROWS)])

        prep(0, idx_a, lidx_a, ebuf_a, lbuf_a, sem_ea, sem_la)

        def pair(u, carry):
            j = u * 2
            prep(j + 1, idx_b, lidx_b, ebuf_b, lbuf_b, sem_eb, sem_lb)
            drain(idx_a, lidx_a, ebuf_a, lbuf_a, sem_ea, sem_la)
            process(j, idx_a, ebuf_a, lbuf_a)
            prep(j + 2, idx_a, lidx_a, ebuf_a, lbuf_a, sem_ea, sem_la)
            drain(idx_b, lidx_b, ebuf_b, lbuf_b, sem_eb, sem_lb)
            process(j + 1, idx_b, ebuf_b, lbuf_b)
            return carry

        lax.fori_loop(0, CHUNKS // 2, pair, 0)
        drain(idx_a, lidx_a, ebuf_a, lbuf_a, sem_ea, sem_la)

    return k(x_flat, emb_table, lin16, off_flat, tail16)


def _tc_body(h_ref, w1_ref, b1_ref, w2_ref, b2_ref, w3_ref, b3_ref,
             s_ref, m_ref, out_ref):
    h = h_ref[...]
    se = jnp.dot(h, s_ref[...], preferred_element_type=jnp.float32)
    msel = jnp.dot(h * h, m_ref[...], preferred_element_type=jnp.float32)
    ysel = jnp.dot(h, m_ref[...], preferred_element_type=jnp.float32)
    sum_sq = msel[:, 0:1]
    ylin = ysel[:, 1:2]
    inter = 0.5 * (jnp.sum(se * se, axis=1, keepdims=True) - sum_sq)
    a = jnp.dot(h, w1_ref[...], preferred_element_type=jnp.float32) + b1_ref[...]
    a = jnp.maximum(a, 0.0)
    a = jnp.dot(a, w2_ref[...], preferred_element_type=jnp.float32) + b2_ref[...]
    a = jnp.maximum(a, 0.0)
    yd = jnp.dot(a, w3_ref[...], preferred_element_type=jnp.float32)
    out_ref[...] = yd + inter + ylin + b3_ref[...]


def _tc_mlp(h, W1p, b1, W2, b2, W3, b3c, Sp, Mp):
    grid = (B // BB,)
    return pl.pallas_call(
        _tc_body,
        grid=grid,
        in_specs=[
            pl.BlockSpec((BB, WIDE), lambda i: (i, 0)),
            pl.BlockSpec((WIDE, H1), lambda i: (0, 0)),
            pl.BlockSpec((1, H1), lambda i: (0, 0)),
            pl.BlockSpec((H1, H2), lambda i: (0, 0)),
            pl.BlockSpec((1, H2), lambda i: (0, 0)),
            pl.BlockSpec((H2, 1), lambda i: (0, 0)),
            pl.BlockSpec((1, 1), lambda i: (0, 0)),
            pl.BlockSpec((WIDE, D), lambda i: (0, 0)),
            pl.BlockSpec((WIDE, 2), lambda i: (0, 0)),
        ],
        out_specs=pl.BlockSpec((BB, 1), lambda i: (i, 0)),
        out_shape=jax.ShapeDtypeStruct((B, 1), jnp.float32),
    )(h, W1p, b1, W2, b2, W3, b3c, Sp, Mp)


def kernel(x, emb_table, lin_table, lin_bias, W1, b1, W2, b2, W3, b3):
    x_flat = x.reshape(N)
    pos = np.arange(CHUNK, dtype=np.int64)
    off_flat = jnp.asarray(((pos % F) * VOCAB_PER_FIELD).astype(np.int32))
    emb_wide, lin_flat = _sc_untile(emb_table.T, lin_table.T)
    emb16 = emb_wide.reshape(-1, D)
    lin16 = lin_flat.reshape(-1, 16)
    tail16 = jnp.concatenate([emb_table[V_TAIL:, :], lin_table[V_TAIL:, :]],
                             axis=1)
    h = _sc_gather(x_flat, emb16, lin16, off_flat, tail16)
    W1p = jnp.concatenate([W1, jnp.zeros((WIDE - D_IN, H1), jnp.float32)], axis=0)
    s_np = np.zeros((WIDE, D), np.float32)
    s_np[:D_IN] = np.tile(np.eye(D, dtype=np.float32), (F, 1))
    m_np = np.zeros((WIDE, 2), np.float32)
    m_np[:D_IN, 0] = 1.0
    m_np[D_IN:D_IN + F, 1] = 1.0
    y = _tc_mlp(h, W1p, b1.reshape(1, H1), W2, b2.reshape(1, H2), W3,
                (b3 + lin_bias).reshape(1, 1), jnp.asarray(s_np),
                jnp.asarray(m_np))
    return y.reshape(B)

# --- scband reference (transcript-rebuilt; emitter-appended) ---
"""Pipeline reference for scband-deep-fm-45320494907448 (READ-ONLY COPY).

The authoritative reference and input builder live on the scoring server;
editing this copy changes nothing except your own understanding.
"""

import jax, jax.numpy as jnp
import numpy as np

FIELD_DIMS = [100000] * 26
EMBED_DIM = 16
MLP_DIMS = [256, 128]
BATCH = 16384
NUM_FIELDS = len(FIELD_DIMS)
INPUT_DIM = sum(FIELD_DIMS)


def setup_inputs(seed: int = 0) -> dict:
    key = jax.random.key(seed)
    ks = jax.random.split(key, 10)
    x = jax.random.randint(ks[0], (BATCH, NUM_FIELDS), 0, 100000, dtype=jnp.int32)
    emb_table = jax.random.normal(ks[1], (INPUT_DIM, EMBED_DIM), dtype=jnp.float32) * 0.01
    lin_table = jax.random.normal(ks[2], (INPUT_DIM, 1), dtype=jnp.float32) * 0.01
    lin_bias = jnp.zeros((1,), dtype=jnp.float32)
    d_in = NUM_FIELDS * EMBED_DIM
    W1 = jax.random.normal(ks[3], (d_in, MLP_DIMS[0]), dtype=jnp.float32) * (1.0 / np.sqrt(d_in))
    b1 = jnp.zeros((MLP_DIMS[0],), dtype=jnp.float32)
    W2 = jax.random.normal(ks[4], (MLP_DIMS[0], MLP_DIMS[1]), dtype=jnp.float32) * (1.0 / np.sqrt(MLP_DIMS[0]))
    b2 = jnp.zeros((MLP_DIMS[1],), dtype=jnp.float32)
    W3 = jax.random.normal(ks[5], (MLP_DIMS[1], 1), dtype=jnp.float32) * (1.0 / np.sqrt(MLP_DIMS[1]))
    b3 = jnp.zeros((1,), dtype=jnp.float32)
    return {"x": x, "emb_table": emb_table, "lin_table": lin_table, "lin_bias": lin_bias,
            "W1": W1, "b1": b1, "W2": W2, "b2": b2, "W3": W3, "b3": b3}


def reference(x, emb_table, lin_table, lin_bias, W1, b1, W2, b2, W3, b3):
    offsets = jnp.asarray(np.array((0, *np.cumsum(FIELD_DIMS)[:-1])), dtype=x.dtype)
    xi = x + offsets[None, :]
    # FeaturesLinear: first-order term
    y_linear = jnp.take(lin_table, xi, axis=0).sum(axis=1) + lin_bias  # (B, 1)
    # FieldAwareFeaturesEmbedding -> list of per-field (B, D); stacked == (B, F, D)
    embed_x = jnp.take(emb_table, xi, axis=0)  # (B, F, D)
    # PairwiseInteraction (FM second-order)
    sum_of_emb = embed_x.sum(axis=1)                    # (B, D)
    square_of_sum = sum_of_emb * sum_of_emb             # (B, D)
    sum_of_square = (embed_x * embed_x).sum(axis=1)     # (B, D)
    y_interaction = 0.5 * (square_of_sum - sum_of_square).sum(axis=1, keepdims=True)  # (B, 1)
    y_ffm = y_linear + y_interaction
    # DNNLayer on concatenated embeddings (dropout=0, use_bn=False)
    h = embed_x.reshape(embed_x.shape[0], NUM_FIELDS * EMBED_DIM)
    h = jax.nn.relu(h @ W1 + b1)
    h = jax.nn.relu(h @ W2 + b2)
    y_dnn = h @ W3 + b3  # (B, 1)
    y = y_ffm + y_dnn
    return y.squeeze(1)

if __name__ == "__main__":
    import jax
    _d = setup_inputs()
    print(jax.jit(kernel)(*tuple(_d.values())))

</pallas_src>

<mosaic_0001>
#map = affine_map<(d0, d1) -> (0)>
#map1 = affine_map<(d0, d1) -> (0, 0)>
module attributes {stable_mosaic.version = 14 : i64} {
  func.func @k(%arg0: i32, %arg1: i32, %arg2: memref<425984xi32, #tpu.memory_space<hbm>>, %arg3: memref<2600000x16xf32, #tpu.memory_space<hbm>>, %arg4: memref<162500x16xf32, #tpu.memory_space<hbm>>, %arg5: memref<832xi32, #tpu.memory_space<hbm>>, %arg6: memref<64x17xf32, #tpu.memory_space<hbm>>, %arg7: memref<16384x512xf32, #tpu.memory_space<hbm>>, %arg8: memref<832xi32, #tpu.memory_space<vmem>>, %arg9: memref<832xi32, #tpu.memory_space<vmem>>, %arg10: memref<832xi32, #tpu.memory_space<vmem>>, %arg11: memref<832xi32, #tpu.memory_space<vmem>>, %arg12: memref<832xi32, #tpu.memory_space<vmem>>, %arg13: memref<832x16xf32, #tpu.memory_space<vmem>>, %arg14: memref<832x16xf32, #tpu.memory_space<vmem>>, %arg15: memref<832x16xf32, #tpu.memory_space<vmem>>, %arg16: memref<832x16xf32, #tpu.memory_space<vmem>>, %arg17: memref<32x512xf32, #tpu.memory_space<vmem>>, %arg18: memref<64x17xf32, #tpu.memory_space<vmem>>, %arg19: memref<!tpu.dma_semaphore, #tpu.memory_space<semaphore_mem>>, %arg20: memref<!tpu.dma_semaphore, #tpu.memory_space<semaphore_mem>>, %arg21: memref<!tpu.dma_semaphore, #tpu.memory_space<semaphore_mem>>, %arg22: memref<!tpu.dma_semaphore, #tpu.memory_space<semaphore_mem>>) attributes {dimension_semantics = [#tpu.dimension_semantics<core_parallel>, #tpu.dimension_semantics<subcore_parallel>], iteration_bounds = array<i64: 2, 16>, scalar_prefetch = 0 : i64, scratch_operands = 15 : i64, tpu.core_type = #tpu.core_type<sc_vector_subcore>, window_params = [{transform_indices = #map}, {transform_indices = #map1}, {transform_indices = #map1}, {transform_indices = #map}, {transform_indices = #map1}, {transform_indices = #map1}]} {
    %mul3A = arith.constant 2 : i32
    %mul3A_0 = arith.muli %arg1, %mul3A : i32
    %add3A = arith.addi %mul3A_0, %arg0 : i32
    %mul3A_1 = arith.constant 13312 : i32
    %mul3A_2 = arith.muli %add3A, %mul3A_1 : i32
    %multiple_of3A = tpu.assume_multiple %mul3A_2, 8 : i32
    %mul3A_3 = arith.constant 512 : i32
    %mul3A_4 = arith.muli %add3A, %mul3A_3 : i32
    %multiple_of3A_5 = tpu.assume_multiple %mul3A_4, 8 : i32
    "tpu.region"() ({
      %run_scoped3A = tpu.sem_alloc : memref<!tpu.dma_semaphore, #tpu.memory_space<semaphore_mem>>
      tpu.enqueue_dma source(%arg5 : memref<832xi32, #tpu.memory_space<hbm>>) target(%arg12 : memref<832xi32, #tpu.memory_space<vmem>>) target_semaphore(%run_scoped3A : memref<!tpu.dma_semaphore, #tpu.memory_space<semaphore_mem>>)
      tpu.wait_dma2 semaphore(%run_scoped3A : memref<!tpu.dma_semaphore, #tpu.memory_space<semaphore_mem>>) src(%arg5 : memref<832xi32, #tpu.memory_space<hbm>>) dst(%arg12 : memref<832xi32, #tpu.memory_space<vmem>>)
      tpu.yield
    }) : () -> ()
    "tpu.region"() ({
      %run_scoped3A = tpu.sem_alloc : memref<!tpu.dma_semaphore, #tpu.memory_space<semaphore_mem>>
      tpu.enqueue_dma source(%arg6 : memref<64x17xf32, #tpu.memory_space<hbm>>) target(%arg18 : memref<64x17xf32, #tpu.memory_space<vmem>>) target_semaphore(%run_scoped3A : memref<!tpu.dma_semaphore, #tpu.memory_space<semaphore_mem>>)
      tpu.wait_dma2 semaphore(%run_scoped3A : memref<!tpu.dma_semaphore, #tpu.memory_space<semaphore_mem>>) src(%arg6 : memref<64x17xf32, #tpu.memory_space<hbm>>) dst(%arg18 : memref<64x17xf32, #tpu.memory_space<vmem>>)
      tpu.yield
    }) : () -> ()
    %iota3A = tpu.iota {dimensions = array<i32: 0>} : vector<16xi32>
    %broadcast_in_dim3A = arith.constant 0.000000e+00 : f32
    %broadcast_in_dim3A_6 = vector.broadcast %broadcast_in_dim3A : f32 to vector<16xf32>
    %scan3A = arith.constant 0 : i32
    %scan3A_7 = arith.constant 0 : i32
    %scan3A_8 = arith.constant 32 : i32
    %scan3A_9 = arith.addi %scan3A_7, %scan3A_8 : i32
    %scan3A_10 = arith.constant 1 : i32
    scf.for %scan3A_38 = %scan3A_7 to %scan3A_9 step %scan3A_10  : i32 {
      %swap3A = arith.index_cast %scan3A_38 : i32 to index
      %swap3A_39 = arith.constant 416 : index
      %swap3A_40 = tpu.vector_load %arg17[%swap3A, %swap3A_39] {strides = array<i32>} : memref<32x512xf32, #tpu.memory_space<vmem>>, vector<16xf32>,
      tpu.vector_store %arg17[%swap3A, %swap3A_39], %broadcast_in_dim3A_6 {strides = array<i32>} : memref<32x512xf32, #tpu.memory_space<vmem>>, vector<16xf32>,
      %swap3A_41 = arith.index_cast %scan3A_38 : i32 to index
      %swap3A_42 = arith.constant 432 : index
      %swap3A_43 = tpu.vector_load %arg17[%swap3A_41, %swap3A_42] {strides = array<i32>} : memref<32x512xf32, #tpu.memory_space<vmem>>, vector<16xf32>,
      tpu.vector_store %arg17[%swap3A_41, %swap3A_42], %broadcast_in_dim3A_6 {strides = array<i32>} : memref<32x512xf32, #tpu.memory_space<vmem>>, vector<16xf32>,
      %swap3A_44 = arith.index_cast %scan3A_38 : i32 to index
      %swap3A_45 = arith.constant 448 : index
      %swap3A_46 = tpu.vector_load %arg17[%swap3A_44, %swap3A_45] {strides = array<i32>} : memref<32x512xf32, #tpu.memory_space<vmem>>, vector<16xf32>,
      tpu.vector_store %arg17[%swap3A_44, %swap3A_45], %broadcast_in_dim3A_6 {strides = array<i32>} : memref<32x512xf32, #tpu.memory_space<vmem>>, vector<16xf32>,
      %swap3A_47 = arith.index_cast %scan3A_38 : i32 to index
      %swap3A_48 = arith.constant 464 : index
      %swap3A_49 = tpu.vector_load %arg17[%swap3A_47, %swap3A_48] {strides = array<i32>} : memref<32x512xf32, #tpu.memory_space<vmem>>, vector<16xf32>,
      tpu.vector_store %arg17[%swap3A_47, %swap3A_48], %broadcast_in_dim3A_6 {strides = array<i32>} : memref<32x512xf32, #tpu.memory_space<vmem>>, vector<16xf32>,
      %swap3A_50 = arith.index_cast %scan3A_38 : i32 to index
      %swap3A_51 = arith.constant 480 : index
      %swap3A_52 = tpu.vector_load %arg17[%swap3A_50, %swap3A_51] {strides = array<i32>} : memref<32x512xf32, #tpu.memory_space<vmem>>, vector<16xf32>,
      tpu.vector_store %arg17[%swap3A_50, %swap3A_51], %broadcast_in_dim3A_6 {strides = array<i32>} : memref<32x512xf32, #tpu.memory_space<vmem>>, vector<16xf32>,
      %swap3A_53 = arith.index_cast %scan3A_38 : i32 to index
      %swap3A_54 = arith.constant 496 : index
      %swap3A_55 = tpu.vector_load %arg17[%swap3A_53, %swap3A_54] {strides = array<i32>} : memref<32x512xf32, #tpu.memory_space<vmem>>, vector<16xf32>,
      tpu.vector_store %arg17[%swap3A_53, %swap3A_54], %broadcast_in_dim3A_6 {strides = array<i32>} : memref<32x512xf32, #tpu.memory_space<vmem>>, vector<16xf32>,
    }
    %scan3A_11 = arith.constant 32 : i32
    %add3A_12 = arith.constant 0 : i32
    %add3A_13 = arith.addi %multiple_of3A, %add3A_12 : i32
    %min3A = arith.constant 425152 : i32
    %min3A_14 = arith.minsi %add3A_13, %min3A : i32
    %multiple_of3A_15 = tpu.assume_multiple %min3A_14, 8 : i32
    "tpu.region"() ({
      %run_scoped3A = tpu.sem_alloc : memref<!tpu.dma_semaphore, #tpu.memory_space<semaphore_mem>>
      %dma_start3A_38 = tpu.memref_slice %arg2[%multiple_of3A_15] : memref<425984xi32, #tpu.memory_space<hbm>> -> memref<832xi32, #tpu.memory_space<hbm>>
      %dma_start3A_39 = tpu.memref_slice %arg2[%multiple_of3A_15] : memref<425984xi32, #tpu.memory_space<hbm>> -> memref<832xi32, #tpu.memory_space<hbm>>
      tpu.enqueue_dma source(%dma_start3A_39 : memref<832xi32, #tpu.memory_space<hbm>>) target(%arg8 : memref<832xi32, #tpu.memory_space<vmem>>) target_semaphore(%run_scoped3A : memref<!tpu.dma_semaphore, #tpu.memory_space<semaphore_mem>>)
      %dma_wait3A_40 = tpu.memref_slice %arg2[%multiple_of3A_15] : memref<425984xi32, #tpu.memory_space<hbm>> -> memref<832xi32, #tpu.memory_space<hbm>>
      %dma_wait3A_41 = tpu.memref_slice %arg2[%multiple_of3A_15] : memref<425984xi32, #tpu.memory_space<hbm>> -> memref<832xi32, #tpu.memory_space<hbm>>
      tpu.wait_dma2 semaphore(%run_scoped3A : memref<!tpu.dma_semaphore, #tpu.memory_space<semaphore_mem>>) src(%dma_wait3A_41 : memref<832xi32, #tpu.memory_space<hbm>>) dst(%arg8 : memref<832xi32, #tpu.memory_space<vmem>>)
      tpu.yield
    }) : () -> ()
    %scan3A_16 = arith.constant 0 : i32
    %scan3A_17 = arith.constant 0 : i32
    %scan3A_18 = arith.constant 52 : i32
    %scan3A_19 = arith.addi %scan3A_17, %scan3A_18 : i32
    %scan3A_20 = arith.constant 1 : i32
    scf.for %scan3A_38 = %scan3A_17 to %scan3A_19 step %scan3A_20  : i32 {
      %mul3A_39 = arith.constant 16 : i32
      %mul3A_40 = arith.muli %scan3A_38, %mul3A_39 : i32
      %multiple_of3A_41 = tpu.assume_multiple %mul3A_40, 16 : i32
      %get3A = arith.index_cast %multiple_of3A_41 : i32 to index
      %get3A_42 = tpu.vector_load %arg8[%get3A] {strides = array<i32>} : memref<832xi32, #tpu.memory_space<vmem>>, vector<16xi32>,
      %get3A_43 = arith.index_cast %multiple_of3A_41 : i32 to index
      %get3A_44 = tpu.vector_load %arg12[%get3A_43] {strides = array<i32>} : memref<832xi32, #tpu.memory_space<vmem>>, vector<16xi32>,
      %add3A_45 = arith.addi %get3A_42, %get3A_44 : vector<16xi32>
      %swap3A = arith.index_cast %multiple_of3A_41 : i32 to index
      %swap3A_46 = tpu.vector_load %arg8[%swap3A] {strides = array<i32>} : memref<832xi32, #tpu.memory_space<vmem>>, vector<16xi32>,
      tpu.vector_store %arg8[%swap3A], %add3A_45 {strides = array<i32>} : memref<832xi32, #tpu.memory_space<vmem>>, vector<16xi32>,
      %shift_right_logical3A = arith.constant 4 : i32
      %shift_right_logical3A_47 = vector.broadcast %shift_right_logical3A : i32 to vector<16xi32>
      %shift_right_logical3A_48 = arith.shrui %add3A_45, %shift_right_logical3A_47 : vector<16xi32>
      %swap3A_49 = arith.index_cast %multiple_of3A_41 : i32 to index
      %swap3A_50 = tpu.vector_load %arg10[%swap3A_49] {strides = array<i32>} : memref<832xi32, #tpu.memory_space<vmem>>, vector<16xi32>,
      tpu.vector_store %arg10[%swap3A_49], %shift_right_logical3A_48 {strides = array<i32>} : memref<832xi32, #tpu.memory_space<vmem>>, vector<16xi32>,
    }
    %scan3A_21 = arith.constant 52 : i32
    %dma_start3A = arith.constant 0 : i32
    %dma_start3A_22 = arith.constant 0 : i32
    %dma_start3A_23 = tpu.memref_slice %arg3[%dma_start3A, %dma_start3A_22] : memref<2600000x16xf32, #tpu.memory_space<hbm>> -> memref<2600000x16xf32, #tpu.memory_space<hbm>>
    tpu.enqueue_indirect_dma source(%dma_start3A_23 : memref<2600000x16xf32, #tpu.memory_space<hbm>>) target(%arg13 : memref<832x16xf32, #tpu.memory_space<vmem>>) offsets(%arg8 : memref<832xi32, #tpu.memory_space<vmem>>) semaphore(%arg19 : memref<!tpu.dma_semaphore, #tpu.memory_space<semaphore_mem>>)
    %dma_start3A_24 = arith.constant 0 : i32
    %dma_start3A_25 = arith.constant 0 : i32
    %dma_start3A_26 = tpu.memref_slice %arg4[%dma_start3A_24, %dma_start3A_25] : memref<162500x16xf32, #tpu.memory_space<hbm>> -> memref<162500x16xf32, #tpu.memory_space<hbm>>
    tpu.enqueue_indirect_dma source(%dma_start3A_26 : memref<162500x16xf32, #tpu.memory_space<hbm>>) target(%arg15 : memref<832x16xf32, #tpu.memory_space<vmem>>) offsets(%arg10 : memref<832xi32, #tpu.memory_space<vmem>>) semaphore(%arg21 : memref<!tpu.dma_semaphore, #tpu.memory_space<semaphore_mem>>)
    %scan3A_27 = arith.constant 0 : i32
    %scan3A_28 = arith.constant 0 : i32
    %scan3A_29 = arith.constant 8 : i32
    %scan3A_30 = arith.addi %scan3A_28, %scan3A_29 : i32
    %scan3A_31 = arith.constant 1 : i32
    scf.for %scan3A_38 = %scan3A_28 to %scan3A_30 step %scan3A_31  : i32 {
      %mul3A_39 = arith.constant 2 : i32
      %mul3A_40 = arith.muli %scan3A_38, %mul3A_39 : i32
      %add3A_41 = arith.constant 1 : i32
      %add3A_42 = arith.addi %mul3A_40, %add3A_41 : i32
      %mul3A_43 = arith.constant 832 : i32
      %mul3A_44 = arith.muli %add3A_42, %mul3A_43 : i32
      %add3A_45 = arith.addi %multiple_of3A, %mul3A_44 : i32
      %min3A_46 = arith.constant 425152 : i32
      %min3A_47 = arith.minsi %add3A_45, %min3A_46 : i32
      %multiple_of3A_48 = tpu.assume_multiple %min3A_47, 8 : i32
      "tpu.region"() ({
        %run_scoped3A = tpu.sem_alloc : memref<!tpu.dma_semaphore, #tpu.memory_space<semaphore_mem>>
        %dma_start3A_139 = tpu.memref_slice %arg2[%multiple_of3A_48] : memref<425984xi32, #tpu.memory_space<hbm>> -> memref<832xi32, #tpu.memory_space<hbm>>
        %dma_start3A_140 = tpu.memref_slice %arg2[%multiple_of3A_48] : memref<425984xi32, #tpu.memory_space<hbm>> -> memref<832xi32, #tpu.memory_space<hbm>>
        tpu.enqueue_dma source(%dma_start3A_140 : memref<832xi32, #tpu.memory_space<hbm>>) target(%arg9 : memref<832xi32, #tpu.memory_space<vmem>>) target_semaphore(%run_scoped3A : memref<!tpu.dma_semaphore, #tpu.memory_space<semaphore_mem>>)
        %dma_wait3A_141 = tpu.memref_slice %arg2[%multiple_of3A_48] : memref<425984xi32, #tpu.memory_space<hbm>> -> memref<832xi32, #tpu.memory_space<hbm>>
        %dma_wait3A_142 = tpu.memref_slice %arg2[%multiple_of3A_48] : memref<425984xi32, #tpu.memory_space<hbm>> -> memref<832xi32, #tpu.memory_space<hbm>>
        tpu.wait_dma2 semaphore(%run_scoped3A : memref<!tpu.dma_semaphore, #tpu.memory_space<semaphore_mem>>) src(%dma_wait3A_142 : memref<832xi32, #tpu.memory_space<hbm>>) dst(%arg9 : memref<832xi32, #tpu.memory_space<vmem>>)
        tpu.yield
      }) : () -> ()
      %scan3A_49 = arith.constant 0 : i32
      %scan3A_50 = arith.constant 0 : i32
      %scan3A_51 = arith.constant 52 : i32
      %scan3A_52 = arith.addi %scan3A_50, %scan3A_51 : i32
      %scan3A_53 = arith.constant 1 : i32
      scf.for %scan3A_139 = %scan3A_50 to %scan3A_52 step %scan3A_53  : i32 {
        %mul3A_140 = arith.constant 16 : i32
        %mul3A_141 = arith.muli %scan3A_139, %mul3A_140 : i32
        %multiple_of3A_142 = tpu.assume_multiple %mul3A_141, 16 : i32
        %get3A = arith.index_cast %multiple_of3A_142 : i32 to index
        %get3A_143 = tpu.vector_load %arg9[%get3A] {strides = array<i32>} : memref<832xi32, #tpu.memory_space<vmem>>, vector<16xi32>,
        %get3A_144 = arith.index_cast %multiple_of3A_142 : i32 to index
        %get3A_145 = tpu.vector_load %arg12[%get3A_144] {strides = array<i32>} : memref<832xi32, #tpu.memory_space<vmem>>, vector<16xi32>,
        %add3A_146 = arith.addi %get3A_143, %get3A_145 : vector<16xi32>
        %swap3A = arith.index_cast %multiple_of3A_142 : i32 to index
        %swap3A_147 = tpu.vector_load %arg9[%swap3A] {strides = array<i32>} : memref<832xi32, #tpu.memory_space<vmem>>, vector<16xi32>,
        tpu.vector_store %arg9[%swap3A], %add3A_146 {strides = array<i32>} : memref<832xi32, #tpu.memory_space<vmem>>, vector<16xi32>,
        %shift_right_logical3A = arith.constant 4 : i32
        %shift_right_logical3A_148 = vector.broadcast %shift_right_logical3A : i32 to vector<16xi32>
        %shift_right_logical3A_149 = arith.shrui %add3A_146, %shift_right_logical3A_148 : vector<16xi32>
        %swap3A_150 = arith.index_cast %multiple_of3A_142 : i32 to index
        %swap3A_151 = tpu.vector_load %arg11[%swap3A_150] {strides = array<i32>} : memref<832xi32, #tpu.memory_space<vmem>>, vector<16xi32>,
        tpu.vector_store %arg11[%swap3A_150], %shift_right_logical3A_149 {strides = array<i32>} : memref<832xi32, #tpu.memory_space<vmem>>, vector<16xi32>,
      }
      %scan3A_54 = arith.constant 52 : i32
      %dma_start3A_55 = arith.constant 0 : i32
      %dma_start3A_56 = arith.constant 0 : i32
      %dma_start3A_57 = tpu.memref_slice %arg3[%dma_start3A_55, %dma_start3A_56] : memref<2600000x16xf32, #tpu.memory_space<hbm>> -> memref<2600000x16xf32, #tpu.memory_space<hbm>>
      tpu.enqueue_indirect_dma source(%dma_start3A_57 : memref<2600000x16xf32, #tpu.memory_space<hbm>>) target(%arg14 : memref<832x16xf32, #tpu.memory_space<vmem>>) offsets(%arg9 : memref<832xi32, #tpu.memory_space<vmem>>) semaphore(%arg20 : memref<!tpu.dma_semaphore, #tpu.memory_space<semaphore_mem>>)
      %dma_start3A_58 = arith.constant 0 : i32
      %dma_start3A_59 = arith.constant 0 : i32
      %dma_start3A_60 = tpu.memref_slice %arg4[%dma_start3A_58, %dma_start3A_59] : memref<162500x16xf32, #tpu.memory_space<hbm>> -> memref<162500x16xf32, #tpu.memory_space<hbm>>
      tpu.enqueue_indirect_dma source(%dma_start3A_60 : memref<162500x16xf32, #tpu.memory_space<hbm>>) target(%arg16 : memref<832x16xf32, #tpu.memory_space<vmem>>) offsets(%arg11 : memref<832xi32, #tpu.memory_space<vmem>>) semaphore(%arg22 : memref<!tpu.dma_semaphore, #tpu.memory_space<semaphore_mem>>)
      %dma_wait3A_61 = arith.constant 0 : i32
      %dma_wait3A_62 = arith.constant 0 : i32
      %dma_wait3A_63 = tpu.memref_slice %arg3[%dma_wait3A_61, %dma_wait3A_62] : memref<2600000x16xf32, #tpu.memory_space<hbm>> -> memref<2600000x16xf32, #tpu.memory_space<hbm>>
      tpu.wait_indirect_dma semaphore(%arg19 : memref<!tpu.dma_semaphore, #tpu.memory_space<semaphore_mem>>) src(%dma_wait3A_63 : memref<2600000x16xf32, #tpu.memory_space<hbm>>) dst(%arg13 : memref<832x16xf32, #tpu.memory_space<vmem>>)
      %dma_wait3A_64 = arith.constant 0 : i32
      %dma_wait3A_65 = arith.constant 0 : i32
      %dma_wait3A_66 = tpu.memref_slice %arg4[%dma_wait3A_64, %dma_wait3A_65] : memref<162500x16xf32, #tpu.memory_space<hbm>> -> memref<162500x16xf32, #tpu.memory_space<hbm>>
      tpu.wait_indirect_dma semaphore(%arg21 : memref<!tpu.dma_semaphore, #tpu.memory_space<semaphore_mem>>) src(%dma_wait3A_66 : memref<162500x16xf32, #tpu.memory_space<hbm>>) dst(%arg15 : memref<832x16xf32, #tpu.memory_space<vmem>>)
      %scan3A_67 = arith.constant 0 : i32
      %scan3A_68 = arith.constant 0 : i32
      %scan3A_69 = arith.constant 52 : i32
      %scan3A_70 = arith.addi %scan3A_68, %scan3A_69 : i32
      %scan3A_71 = arith.constant 1 : i32
      scf.for %scan3A_139 = %scan3A_68 to %scan3A_70 step %scan3A_71  : i32 {
        %mul3A_140 = arith.constant 16 : i32
        %mul3A_141 = arith.muli %scan3A_139, %mul3A_140 : i32
        %multiple_of3A_142 = tpu.assume_multiple %mul3A_141, 16 : i32
        %get3A = arith.index_cast %multiple_of3A_142 : i32 to index
        %get3A_143 = tpu.vector_load %arg8[%get3A] {strides = array<i32>} : memref<832xi32, #tpu.memory_space<vmem>>, vector<16xi32>,
        %and3A = arith.constant 15 : i32
        %and3A_144 = vector.broadcast %and3A : i32 to vector<16xi32>
        %and3A_145 = arith.andi %get3A_143, %and3A_144 : vector<16xi32>
        %mul3A_146 = arith.constant 16 : i32
        %mul3A_147 = arith.muli %scan3A_139, %mul3A_146 : i32
        %add3A_148 = vector.broadcast %mul3A_147 : i32 to vector<16xi32>
        %add3A_149 = arith.addi %iota3A, %add3A_148 : vector<16xi32>
        %gather3A = tpu.vector_load_idx %arg15[%add3A_149, %and3A_145] : memref<832x16xf32, #tpu.memory_space<vmem>>[vector<16xi32>, vector<16xi32>], vector<16xf32>,
        %mul3A_150 = arith.constant 16 : i32
        %mul3A_151 = arith.muli %scan3A_139, %mul3A_150 : i32
        %add3A_152 = vector.broadcast %mul3A_151 : i32 to vector<16xi32>
        %add3A_153 = arith.addi %iota3A, %add3A_152 : vector<16xi32>
        %div3A = arith.constant 26 : i32
        %div3A_154 = vector.broadcast %div3A : i32 to vector<16xi32>
        %div3A_155 = arith.divsi %add3A_153, %div3A_154 : vector<16xi32>
        %rem3A = arith.constant 26 : i32
        %rem3A_156 = vector.broadcast %rem3A : i32 to vector<16xi32>
        %rem3A_157 = arith.remsi %add3A_153, %rem3A_156 : vector<16xi32>
        %add3A_158 = arith.constant 416 : i32
        %add3A_159 = vector.broadcast %add3A_158 : i32 to vector<16xi32>
        %add3A_160 = arith.addi %add3A_159, %rem3A_157 : vector<16xi32>
        tpu.vector_store_idx %arg17[%div3A_155, %add3A_160], %gather3A : memref<32x512xf32, #tpu.memory_space<vmem>>[vector<16xi32>, vector<16xi32>], vector<16xf32>,
      }
      %scan3A_72 = arith.constant 52 : i32
      %scan3A_73 = arith.constant 0 : i32
      %scan3A_74 = arith.constant 0 : i32
      %scan3A_75 = arith.constant 32 : i32
      %scan3A_76 = arith.addi %scan3A_74, %scan3A_75 : i32
      %scan3A_77 = arith.constant 1 : i32
      scf.for %scan3A_139 = %scan3A_74 to %scan3A_76 step %scan3A_77  : i32 {
        %mul3A_140 = arith.constant 26 : i32
        %mul3A_141 = arith.muli %scan3A_139, %mul3A_140 : i32
        %add3A_142 = arith.constant 0 : i32
        %add3A_143 = arith.addi %mul3A_141, %add3A_142 : i32
        %get3A = arith.index_cast %add3A_143 : i32 to index
        %get3A_144 = arith.constant 0 : index
        %get3A_145 = tpu.vector_load %arg13[%get3A, %get3A_144] {strides = array<i32>} : memref<832x16xf32, #tpu.memory_space<vmem>>, vector<16xf32>,
        %swap3A = arith.index_cast %scan3A_139 : i32 to index
        %swap3A_146 = arith.constant 0 : index
        %swap3A_147 = tpu.vector_load %arg17[%swap3A, %swap3A_146] {strides = array<i32>} : memref<32x512xf32, #tpu.memory_space<vmem>>, vector<16xf32>,
        tpu.vector_store %arg17[%swap3A, %swap3A_146], %get3A_145 {strides = array<i32>} : memref<32x512xf32, #tpu.memory_space<vmem>>, vector<16xf32>,
        %mul3A_148 = arith.constant 26 : i32
        %mul3A_149 = arith.muli %scan3A_139, %mul3A_148 : i32
        %add3A_150 = arith.constant 1 : i32
        %add3A_151 = arith.addi %mul3A_149, %add3A_150 : i32
        %get3A_152 = arith.index_cast %add3A_151 : i32 to index
        %get3A_153 = arith.constant 0 : index
        %get3A_154 = tpu.vector_load %arg13[%get3A_152, %get3A_153] {strides = array<i32>} : memref<832x16xf32, #tpu.memory_space<vmem>>, vector<16xf32>,
        %swap3A_155 = arith.index_cast %scan3A_139 : i32 to index
        %swap3A_156 = arith.constant 16 : index
        %swap3A_157 = tpu.vector_load %arg17[%swap3A_155, %swap3A_156] {strides = array<i32>} : memref<32x512xf32, #tpu.memory_space<vmem>>, vector<16xf32>,
        tpu.vector_store %arg17[%swap3A_155, %swap3A_156], %get3A_154 {strides = array<i32>} : memref<32x512xf32, #tpu.memory_space<vmem>>, vector<16xf32>,
        %mul3A_158 = arith.constant 26 : i32
        %mul3A_159 = arith.muli %scan3A_139, %mul3A_158 : i32
        %add3A_160 = arith.constant 2 : i32
        %add3A_161 = arith.addi %mul3A_159, %add3A_160 : i32
        %get3A_162 = arith.index_cast %add3A_161 : i32 to index
        %get3A_163 = arith.constant 0 : index
        %get3A_164 = tpu.vector_load %arg13[%get3A_162, %get3A_163] {strides = array<i32>} : memref<832x16xf32, #tpu.memory_space<vmem>>, vector<16xf32>,
        %swap3A_165 = arith.index_cast %scan3A_139 : i32 to index
        %swap3A_166 = arith.constant 32 : index
        %swap3A_167 = tpu.vector_load %arg17[%swap3A_165, %swap3A_166] {strides = array<i32>} : memref<32x512xf32, #tpu.memory_space<vmem>>, vector<16xf32>,
        tpu.vector_store %arg17[%swap3A_165, %swap3A_166], %get3A_164 {strides = array<i32>} : memref<32x512xf32, #tpu.memory_space<vmem>>, vector<16xf32>,
        %mul3A_168 = arith.constant 26 : i32
        %mul3A_169 = arith.muli %scan3A_139, %mul3A_168 : i32
        %add3A_170 = arith.constant 3 : i32
        %add3A_171 = arith.addi %mul3A_169, %add3A_170 : i32
        %get3A_172 = arith.index_cast %add3A_171 : i32 to index
        %get3A_173 = arith.constant 0 : index
        %get3A_174 = tpu.vector_load %arg13[%get3A_172, %get3A_173] {strides = array<i32>} : memref<832x16xf32, #tpu.memory_space<vmem>>, vector<16xf32>,
        %swap3A_175 = arith.index_cast %scan3A_139 : i32 to index
        %swap3A_176 = arith.constant 48 : index
        %swap3A_177 = tpu.vector_load %arg17[%swap3A_175, %swap3A_176] {strides = array<i32>} : memref<32x512xf32, #tpu.memory_space<vmem>>, vector<16xf32>,
        tpu.vector_store %arg17[%swap3A_175, %swap3A_176], %get3A_174 {strides = array<i32>} : memref<32x512xf32, #tpu.memory_space<vmem>>, vector<16xf32>,
        %mul3A_178 = arith.constant 26 : i32
        %mul3A_179 = arith.muli %scan3A_139, %mul3A_178 : i32
        %add3A_180 = arith.constant 4 : i32
        %add3A_181 = arith.addi %mul3A_179, %add3A_180 : i32
        %get3A_182 = arith.index_cast %add3A_181 : i32 to index
        %get3A_183 = arith.constant 0 : index
        %get3A_184 = tpu.vector_load %arg13[%get3A_182, %get3A_183] {strides = array<i32>} : memref<832x16xf32, #tpu.memory_space<vmem>>, vector<16xf32>,
        %swap3A_185 = arith.index_cast %scan3A_139 : i32 to index
        %swap3A_186 = arith.constant 64 : index
        %swap3A_187 = tpu.vector_load %arg17[%swap3A_185, %swap3A_186] {strides = array<i32>} : memref<32x512xf32, #tpu.memory_space<vmem>>, vector<16xf32>,
        tpu.vector_store %arg17[%swap3A_185, %swap3A_186], %get3A_184 {strides = array<i32>} : memref<32x512xf32, #tpu.memory_space<vmem>>, vector<16xf32>,
        %mul3A_188 = arith.constant 26 : i32
        %mul3A_189 = arith.muli %scan3A_139, %mul3A_188 : i32
        %add3A_190 = arith.constant 5 : i32
        %add3A_191 = arith.addi %mul3A_189, %add3A_190 : i32
        %get3A_192 = arith.index_cast %add3A_191 : i32 to index
        %get3A_193 = arith.constant 0 : index
        %get3A_194 = tpu.vector_load %arg13[%get3A_192, %get3A_193] {strides = array<i32>} : memref<832x16xf32, #tpu.memory_space<vmem>>, vector<16xf32>,
        %swap3A_195 = arith.index_cast %scan3A_139 : i32 to index
        %swap3A_196 = arith.constant 80 : index
        %swap3A_197 = tpu.vector_load %arg17[%swap3A_195, %swap3A_196] {strides = array<i32>} : memref<32x512xf32, #tpu.memory_space<vmem>>, vector<16xf32>,
        tpu.vector_store %arg17[%swap3A_195, %swap3A_196], %get3A_194 {strides = array<i32>} : memref<32x512xf32, #tpu.memory_space<vmem>>, vector<16xf32>,
        %mul3A_198 = arith.constant 26 : i32
        %mul3A_199 = arith.muli %scan3A_139, %mul3A_198 : i32
        %add3A_200 = arith.constant 6 : i32
        %add3A_201 = arith.addi %mul3A_199, %add3A_200 : i32
        %get3A_202 = arith.index_cast %add3A_201 : i32 to index
        %get3A_203 = arith.constant 0 : index
        %get3A_204 = tpu.vector_load %arg13[%get3A_202, %get3A_203] {strides = array<i32>} : memref<832x16xf32, #tpu.memory_space<vmem>>, vector<16xf32>,
        %swap3A_205 = arith.index_cast %scan3A_139 : i32 to index
        %swap3A_206 = arith.constant 96 : index
        %swap3A_207 = tpu.vector_load %arg17[%swap3A_205, %swap3A_206] {strides = array<i32>} : memref<32x512xf32, #tpu.memory_space<vmem>>, vector<16xf32>,
        tpu.vector_store %arg17[%swap3A_205, %swap3A_206], %get3A_204 {strides = array<i32>} : memref<32x512xf32, #tpu.memory_space<vmem>>, vector<16xf32>,
        %mul3A_208 = arith.constant 26 : i32
        %mul3A_209 = arith.muli %scan3A_139, %mul3A_208 : i32
        %add3A_210 = arith.constant 7 : i32
        %add3A_211 = arith.addi %mul3A_209, %add3A_210 : i32
        %get3A_212 = arith.index_cast %add3A_211 : i32 to index
        %get3A_213 = arith.constant 0 : index
        %get3A_214 = tpu.vector_load %arg13[%get3A_212, %get3A_213] {strides = array<i32>} : memref<832x16xf32, #tpu.memory_space<vmem>>, vector<16xf32>,
        %swap3A_215 = arith.index_cast %scan3A_139 : i32 to index
        %swap3A_216 = arith.constant 112 : index
        %swap3A_217 = tpu.vector_load %arg17[%swap3A_215, %swap3A_216] {strides = array<i32>} : memref<32x512xf32, #tpu.memory_space<vmem>>, vector<16xf32>,
        tpu.vector_store %arg17[%swap3A_215, %swap3A_216], %get3A_214 {strides = array<i32>} : memref<32x512xf32, #tpu.memory_space<vmem>>, vector<16xf32>,
        %mul3A_218 = arith.constant 26 : i32
        %mul3A_219 = arith.muli %scan3A_139, %mul3A_218 : i32
        %add3A_220 = arith.constant 8 : i32
        %add3A_221 = arith.addi %mul3A_219, %add3A_220 : i32
        %get3A_222 = arith.index_cast %add3A_221 : i32 to index
        %get3A_223 = arith.constant 0 : index
        %get3A_224 = tpu.vector_load %arg13[%get3A_222, %get3A_223] {strides = array<i32>} : memref<832x16xf32, #tpu.memory_space<vmem>>, vector<16xf32>,
        %swap3A_225 = arith.index_cast %scan3A_139 : i32 to index
        %swap3A_226 = arith.constant 128 : index
        %swap3A_227 = tpu.vector_load %arg17[%swap3A_225, %swap3A_226] {strides = array<i32>} : memref<32x512xf32, #tpu.memory_space<vmem>>, vector<16xf32>,
        tpu.vector_store %arg17[%swap3A_225, %swap3A_226], %get3A_224 {strides = array<i32>} : memref<32x512xf32, #tpu.memory_space<vmem>>, vector<16xf32>,
        %mul3A_228 = arith.constant 26 : i32
        %mul3A_229 = arith.muli %scan3A_139, %mul3A_228 : i32
        %add3A_230 = arith.constant 9 : i32
        %add3A_231 = arith.addi %mul3A_229, %add3A_230 : i32
        %get3A_232 = arith.index_cast %add3A_231 : i32 to index
        %get3A_233 = arith.constant 0 : index
        %get3A_234 = tpu.vector_load %arg13[%get3A_232, %get3A_233] {strides = array<i32>} : memref<832x16xf32, #tpu.memory_space<vmem>>, vector<16xf32>,
        %swap3A_235 = arith.index_cast %scan3A_139 : i32 to index
        %swap3A_236 = arith.constant 144 : index
        %swap3A_237 = tpu.vector_load %arg17[%swap3A_235, %swap3A_236] {strides = array<i32>} : memref<32x512xf32, #tpu.memory_space<vmem>>, vector<16xf32>,
        tpu.vector_store %arg17[%swap3A_235, %swap3A_236], %get3A_234 {strides = array<i32>} : memref<32x512xf32, #tpu.memory_space<vmem>>, vector<16xf32>,
        %mul3A_238 = arith.constant 26 : i32
        %mul3A_239 = arith.muli %scan3A_139, %mul3A_238 : i32
        %add3A_240 = arith.constant 10 : i32
        %add3A_241 = arith.addi %mul3A_239, %add3A_240 : i32
        %get3A_242 = arith.index_cast %add3A_241 : i32 to index
        %get3A_243 = arith.constant 0 : index
        %get3A_244 = tpu.vector_load %arg13[%get3A_242, %get3A_243] {strides = array<i32>} : memref<832x16xf32, #tpu.memory_space<vmem>>, vector<16xf32>,
        %swap3A_245 = arith.index_cast %scan3A_139 : i32 to index
        %swap3A_246 = arith.constant 160 : index
        %swap3A_247 = tpu.vector_load %arg17[%swap3A_245, %swap3A_246] {strides = array<i32>} : memref<32x512xf32, #tpu.memory_space<vmem>>, vector<16xf32>,
        tpu.vector_store %arg17[%swap3A_245, %swap3A_246], %get3A_244 {strides = array<i32>} : memref<32x512xf32, #tpu.memory_space<vmem>>, vector<16xf32>,
        %mul3A_248 = arith.constant 26 : i32
        %mul3A_249 = arith.muli %scan3A_139, %mul3A_248 : i32
        %add3A_250 = arith.constant 11 : i32
        %add3A_251 = arith.addi %mul3A_249, %add3A_250 : i32
        %get3A_252 = arith.index_cast %add3A_251 : i32 to index
        %get3A_253 = arith.constant 0 : index
        %get3A_254 = tpu.vector_load %arg13[%get3A_252, %get3A_253] {strides = array<i32>} : memref<832x16xf32, #tpu.memory_space<vmem>>, vector<16xf32>,
        %swap3A_255 = arith.index_cast %scan3A_139 : i32 to index
        %swap3A_256 = arith.constant 176 : index
        %swap3A_257 = tpu.vector_load %arg17[%swap3A_255, %swap3A_256] {strides = array<i32>} : memref<32x512xf32, #tpu.memory_space<vmem>>, vector<16xf32>,
        tpu.vector_store %arg17[%swap3A_255, %swap3A_256], %get3A_254 {strides = array<i32>} : memref<32x512xf32, #tpu.memory_space<vmem>>, vector<16xf32>,
        %mul3A_258 = arith.constant 26 : i32
        %mul3A_259 = arith.muli %scan3A_139, %mul3A_258 : i32
        %add3A_260 = arith.constant 12 : i32
        %add3A_261 = arith.addi %mul3A_259, %add3A_260 : i32
        %get3A_262 = arith.index_cast %add3A_261 : i32 to index
        %get3A_263 = arith.constant 0 : index
        %get3A_264 = tpu.vector_load %arg13[%get3A_262, %get3A_263] {strides = array<i32>} : memref<832x16xf32, #tpu.memory_space<vmem>>, vector<16xf32>,
        %swap3A_265 = arith.index_cast %scan3A_139 : i32 to index
        %swap3A_266 = arith.constant 192 : index
        %swap3A_267 = tpu.vector_load %arg17[%swap3A_265, %swap3A_266] {strides = array<i32>} : memref<32x512xf32, #tpu.memory_space<vmem>>, vector<16xf32>,
        tpu.vector_store %arg17[%swap3A_265, %swap3A_266], %get3A_264 {strides = array<i32>} : memref<32x512xf32, #tpu.memory_space<vmem>>, vector<16xf32>,
        %mul3A_268 = arith.constant 26 : i32
        %mul3A_269 = arith.muli %scan3A_139, %mul3A_268 : i32
        %add3A_270 = arith.constant 13 : i32
        %add3A_271 = arith.addi %mul3A_269, %add3A_270 : i32
        %get3A_272 = arith.index_cast %add3A_271 : i32 to index
        %get3A_273 = arith.constant 0 : index
        %get3A_274 = tpu.vector_load %arg13[%get3A_272, %get3A_273] {strides = array<i32>} : memref<832x16xf32, #tpu.memory_space<vmem>>, vector<16xf32>,
        %swap3A_275 = arith.index_cast %scan3A_139 : i32 to index
        %swap3A_276 = arith.constant 208 : index
        %swap3A_277 = tpu.vector_load %arg17[%swap3A_275, %swap3A_276] {strides = array<i32>} : memref<32x512xf32, #tpu.memory_space<vmem>>, vector<16xf32>,
        tpu.vector_store %arg17[%swap3A_275, %swap3A_276], %get3A_274 {strides = array<i32>} : memref<32x512xf32, #tpu.memory_space<vmem>>, vector<16xf32>,
        %mul3A_278 = arith.constant 26 : i32
        %mul3A_279 = arith.muli %scan3A_139, %mul3A_278 : i32
        %add3A_280 = arith.constant 14 : i32
        %add3A_281 = arith.addi %mul3A_279, %add3A_280 : i32
        %get3A_282 = arith.index_cast %add3A_281 : i32 to index
        %get3A_283 = arith.constant 0 : index
        %get3A_284 = tpu.vector_load %arg13[%get3A_282, %get3A_283] {strides = array<i32>} : memref<832x16xf32, #tpu.memory_space<vmem>>, vector<16xf32>,
        %swap3A_285 = arith.index_cast %scan3A_139 : i32 to index
        %swap3A_286 = arith.constant 224 : index
        %swap3A_287 = tpu.vector_load %arg17[%swap3A_285, %swap3A_286] {strides = array<i32>} : memref<32x512xf32, #tpu.memory_space<vmem>>, vector<16xf32>,
        tpu.vector_store %arg17[%swap3A_285, %swap3A_286], %get3A_284 {strides = array<i32>} : memref<32x512xf32, #tpu.memory_space<vmem>>, vector<16xf32>,
        %mul3A_288 = arith.constant 26 : i32
        %mul3A_289 = arith.muli %scan3A_139, %mul3A_288 : i32
        %add3A_290 = arith.constant 15 : i32
        %add3A_291 = arith.addi %mul3A_289, %add3A_290 : i32
        %get3A_292 = arith.index_cast %add3A_291 : i32 to index
        %get3A_293 = arith.constant 0 : index
        %get3A_294 = tpu.vector_load %arg13[%get3A_292, %get3A_293] {strides = array<i32>} : memref<832x16xf32, #tpu.memory_space<vmem>>, vector<16xf32>,
        %swap3A_295 = arith.index_cast %scan3A_139 : i32 to index
        %swap3A_296 = arith.constant 240 : index
        %swap3A_297 = tpu.vector_load %arg17[%swap3A_295, %swap3A_296] {strides = array<i32>} : memref<32x512xf32, #tpu.memory_space<vmem>>, vector<16xf32>,
        tpu.vector_store %arg17[%swap3A_295, %swap3A_296], %get3A_294 {strides = array<i32>} : memref<32x512xf32, #tpu.memory_space<vmem>>, vector<16xf32>,
        %mul3A_298 = arith.constant 26 : i32
        %mul3A_299 = arith.muli %scan3A_139, %mul3A_298 : i32
        %add3A_300 = arith.constant 16 : i32
        %add3A_301 = arith.addi %mul3A_299, %add3A_300 : i32
        %get3A_302 = arith.index_cast %add3A_301 : i32 to index
        %get3A_303 = arith.constant 0 : index
        %get3A_304 = tpu.vector_load %arg13[%get3A_302, %get3A_303] {strides = array<i32>} : memref<832x16xf32, #tpu.memory_space<vmem>>, vector<16xf32>,
        %swap3A_305 = arith.index_cast %scan3A_139 : i32 to index
        %swap3A_306 = arith.constant 256 : index
        %swap3A_307 = tpu.vector_load %arg17[%swap3A_305, %swap3A_306] {strides = array<i32>} : memref<32x512xf32, #tpu.memory_space<vmem>>, vector<16xf32>,
        tpu.vector_store %arg17[%swap3A_305, %swap3A_306], %get3A_304 {strides = array<i32>} : memref<32x512xf32, #tpu.memory_space<vmem>>, vector<16xf32>,
        %mul3A_308 = arith.constant 26 : i32
        %mul3A_309 = arith.muli %scan3A_139, %mul3A_308 : i32
        %add3A_310 = arith.constant 17 : i32
        %add3A_311 = arith.addi %mul3A_309, %add3A_310 : i32
        %get3A_312 = arith.index_cast %add3A_311 : i32 to index
        %get3A_313 = arith.constant 0 : index
        %get3A_314 = tpu.vector_load %arg13[%get3A_312, %get3A_313] {strides = array<i32>} : memref<832x16xf32, #tpu.memory_space<vmem>>, vector<16xf32>,
        %swap3A_315 = arith.index_cast %scan3A_139 : i32 to index
        %swap3A_316 = arith.constant 272 : index
        %swap3A_317 = tpu.vector_load %arg17[%swap3A_315, %swap3A_316] {strides = array<i32>} : memref<32x512xf32, #tpu.memory_space<vmem>>, vector<16xf32>,
        tpu.vector_store %arg17[%swap3A_315, %swap3A_316], %get3A_314 {strides = array<i32>} : memref<32x512xf32, #tpu.memory_space<vmem>>, vector<16xf32>,
        %mul3A_318 = arith.constant 26 : i32
        %mul3A_319 = arith.muli %scan3A_139, %mul3A_318 : i32
        %add3A_320 = arith.constant 18 : i32
        %add3A_321 = arith.addi %mul3A_319, %add3A_320 : i32
        %get3A_322 = arith.index_cast %add3A_321 : i32 to index
        %get3A_323 = arith.constant 0 : index
        %get3A_324 = tpu.vector_load %arg13[%get3A_322, %get3A_323] {strides = array<i32>} : memref<832x16xf32, #tpu.memory_space<vmem>>, vector<16xf32>,
        %swap3A_325 = arith.index_cast %scan3A_139 : i32 to index
        %swap3A_326 = arith.constant 288 : index
        %swap3A_327 = tpu.vector_load %arg17[%swap3A_325, %swap3A_326] {strides = array<i32>} : memref<32x512xf32, #tpu.memory_space<vmem>>, vector<16xf32>,
        tpu.vector_store %arg17[%swap3A_325, %swap3A_326], %get3A_324 {strides = array<i32>} : memref<32x512xf32, #tpu.memory_space<vmem>>, vector<16xf32>,
        %mul3A_328 = arith.constant 26 : i32
        %mul3A_329 = arith.muli %scan3A_139, %mul3A_328 : i32
        %add3A_330 = arith.constant 19 : i32
        %add3A_331 = arith.addi %mul3A_329, %add3A_330 : i32
        %get3A_332 = arith.index_cast %add3A_331 : i32 to index
        %get3A_333 = arith.constant 0 : index
        %get3A_334 = tpu.vector_load %arg13[%get3A_332, %get3A_333] {strides = array<i32>} : memref<832x16xf32, #tpu.memory_space<vmem>>, vector<16xf32>,
        %swap3A_335 = arith.index_cast %scan3A_139 : i32 to index
        %swap3A_336 = arith.constant 304 : index
        %swap3A_337 = tpu.vector_load %arg17[%swap3A_335, %swap3A_336] {strides = array<i32>} : memref<32x512xf32, #tpu.memory_space<vmem>>, vector<16xf32>,
        tpu.vector_store %arg17[%swap3A_335, %swap3A_336], %get3A_334 {strides = array<i32>} : memref<32x512xf32, #tpu.memory_space<vmem>>, vector<16xf32>,
        %mul3A_338 = arith.constant 26 : i32
        %mul3A_339 = arith.muli %scan3A_139, %mul3A_338 : i32
        %add3A_340 = arith.constant 20 : i32
        %add3A_341 = arith.addi %mul3A_339, %add3A_340 : i32
        %get3A_342 = arith.index_cast %add3A_341 : i32 to index
        %get3A_343 = arith.constant 0 : index
        %get3A_344 = tpu.vector_load %arg13[%get3A_342, %get3A_343] {strides = array<i32>} : memref<832x16xf32, #tpu.memory_space<vmem>>, vector<16xf32>,
        %swap3A_345 = arith.index_cast %scan3A_139 : i32 to index
        %swap3A_346 = arith.constant 320 : index
        %swap3A_347 = tpu.vector_load %arg17[%swap3A_345, %swap3A_346] {strides = array<i32>} : memref<32x512xf32, #tpu.memory_space<vmem>>, vector<16xf32>,
        tpu.vector_store %arg17[%swap3A_345, %swap3A_346], %get3A_344 {strides = array<i32>} : memref<32x512xf32, #tpu.memory_space<vmem>>, vector<16xf32>,
        %mul3A_348 = arith.constant 26 : i32
        %mul3A_349 = arith.muli %scan3A_139, %mul3A_348 : i32
        %add3A_350 = arith.constant 21 : i32
        %add3A_351 = arith.addi %mul3A_349, %add3A_350 : i32
        %get3A_352 = arith.index_cast %add3A_351 : i32 to index
        %get3A_353 = arith.constant 0 : index
        %get3A_354 = tpu.vector_load %arg13[%get3A_352, %get3A_353] {strides = array<i32>} : memref<832x16xf32, #tpu.memory_space<vmem>>, vector<16xf32>,
        %swap3A_355 = arith.index_cast %scan3A_139 : i32 to index
        %swap3A_356 = arith.constant 336 : index
        %swap3A_357 = tpu.vector_load %arg17[%swap3A_355, %swap3A_356] {strides = array<i32>} : memref<32x512xf32, #tpu.memory_space<vmem>>, vector<16xf32>,
        tpu.vector_store %arg17[%swap3A_355, %swap3A_356], %get3A_354 {strides = array<i32>} : memref<32x512xf32, #tpu.memory_space<vmem>>, vector<16xf32>,
        %mul3A_358 = arith.constant 26 : i32
        %mul3A_359 = arith.muli %scan3A_139, %mul3A_358 : i32
        %add3A_360 = arith.constant 22 : i32
        %add3A_361 = arith.addi %mul3A_359, %add3A_360 : i32
        %get3A_362 = arith.index_cast %add3A_361 : i32 to index
        %get3A_363 = arith.constant 0 : index
        %get3A_364 = tpu.vector_load %arg13[%get3A_362, %get3A_363] {strides = array<i32>} : memref<832x16xf32, #tpu.memory_space<vmem>>, vector<16xf32>,
        %swap3A_365 = arith.index_cast %scan3A_139 : i32 to index
        %swap3A_366 = arith.constant 352 : index
        %swap3A_367 = tpu.vector_load %arg17[%swap3A_365, %swap3A_366] {strides = array<i32>} : memref<32x512xf32, #tpu.memory_space<vmem>>, vector<16xf32>,
        tpu.vector_store %arg17[%swap3A_365, %swap3A_366], %get3A_364 {strides = array<i32>} : memref<32x512xf32, #tpu.memory_space<vmem>>, vector<16xf32>,
        %mul3A_368 = arith.constant 26 : i32
        %mul3A_369 = arith.muli %scan3A_139, %mul3A_368 : i32
        %add3A_370 = arith.constant 23 : i32
        %add3A_371 = arith.addi %mul3A_369, %add3A_370 : i32
        %get3A_372 = arith.index_cast %add3A_371 : i32 to index
        %get3A_373 = arith.constant 0 : index
        %get3A_374 = tpu.vector_load %arg13[%get3A_372, %get3A_373] {strides = array<i32>} : memref<832x16xf32, #tpu.memory_space<vmem>>, vector<16xf32>,
        %swap3A_375 = arith.index_cast %scan3A_139 : i32 to index
        %swap3A_376 = arith.constant 368 : index
        %swap3A_377 = tpu.vector_load %arg17[%swap3A_375, %swap3A_376] {strides = array<i32>} : memref<32x512xf32, #tpu.memory_space<vmem>>, vector<16xf32>,
        tpu.vector_store %arg17[%swap3A_375, %swap3A_376], %get3A_374 {strides = array<i32>} : memref<32x512xf32, #tpu.memory_space<vmem>>, vector<16xf32>,
        %mul3A_378 = arith.constant 26 : i32
        %mul3A_379 = arith.muli %scan3A_139, %mul3A_378 : i32
        %add3A_380 = arith.constant 24 : i32
        %add3A_381 = arith.addi %mul3A_379, %add3A_380 : i32
        %get3A_382 = arith.index_cast %add3A_381 : i32 to index
        %get3A_383 = arith.constant 0 : index
        %get3A_384 = tpu.vector_load %arg13[%get3A_382, %get3A_383] {strides = array<i32>} : memref<832x16xf32, #tpu.memory_space<vmem>>, vector<16xf32>,
        %swap3A_385 = arith.index_cast %scan3A_139 : i32 to index
        %swap3A_386 = arith.constant 384 : index
        %swap3A_387 = tpu.vector_load %arg17[%swap3A_385, %swap3A_386] {strides = array<i32>} : memref<32x512xf32, #tpu.memory_space<vmem>>, vector<16xf32>,
        tpu.vector_store %arg17[%swap3A_385, %swap3A_386], %get3A_384 {strides = array<i32>} : memref<32x512xf32, #tpu.memory_space<vmem>>, vector<16xf32>,
        %mul3A_388 = arith.constant 26 : i32
        %mul3A_389 = arith.muli %scan3A_139, %mul3A_388 : i32
        %add3A_390 = arith.constant 25 : i32
        %add3A_391 = arith.addi %mul3A_389, %add3A_390 : i32
        %get3A_392 = arith.index_cast %add3A_391 : i32 to index
        %get3A_393 = arith.constant 0 : index
        %get3A_394 = tpu.vector_load %arg13[%get3A_392, %get3A_393] {strides = array<i32>} : memref<832x16xf32, #tpu.memory_space<vmem>>, vector<16xf32>,
        %swap3A_395 = arith.index_cast %scan3A_139 : i32 to index
        %swap3A_396 = arith.constant 400 : index
        %swap3A_397 = tpu.vector_load %arg17[%swap3A_395, %swap3A_396] {strides = array<i32>} : memref<32x512xf32, #tpu.memory_space<vmem>>, vector<16xf32>,
        tpu.vector_store %arg17[%swap3A_395, %swap3A_396], %get3A_394 {strides = array<i32>} : memref<32x512xf32, #tpu.memory_space<vmem>>, vector<16xf32>,
      }
      %scan3A_78 = arith.constant 32 : i32
      %scan3A_79 = arith.constant 0 : i32
      %scan3A_80 = arith.constant 0 : i32
      %scan3A_81 = arith.constant 52 : i32
      %scan3A_82 = arith.addi %scan3A_80, %scan3A_81 : i32
      %scan3A_83 = arith.constant 1 : i32
      scf.for %scan3A_139 = %scan3A_80 to %scan3A_82 step %scan3A_83  : i32 {
        %mul3A_140 = arith.constant 16 : i32
        %mul3A_141 = arith.muli %scan3A_139, %mul3A_140 : i32
        %multiple_of3A_142 = tpu.assume_multiple %mul3A_141, 16 : i32
        %get3A = arith.index_cast %multiple_of3A_142 : i32 to index
        %get3A_143 = tpu.vector_load %arg8[%get3A] {strides = array<i32>} : memref<832xi32, #tpu.memory_space<vmem>>, vector<16xi32>,
        %ge3A = arith.constant 2599936 : i32
        %ge3A_144 = vector.broadcast %ge3A : i32 to vector<16xi32>
        %ge3A_145 = arith.cmpi sge, %get3A_143, %ge3A_144 : vector<16xi32>
        %convert_element_type3A = arith.extui %ge3A_145 : vector<16xi1> to vector<16xi32>
        %reduce_max3A = arith.constant true
        %reduce_max3A_146 = vector.broadcast %reduce_max3A : i1 to vector<16xi1>
        %reduce_max3A_147 = arith.constant -2147483648 : i32
        %reduce_max3A_148 = vector.broadcast %reduce_max3A_147 : i32 to vector<16xi32>
        %reduce_max3A_149 = arith.xori %convert_element_type3A, %reduce_max3A_148 : vector<16xi32>
        %reduce_max3A_150 = tpu.scan <max>, %reduce_max3A_149 masked %reduce_max3A_146 : vector<16xi32>, vector<16xi1> -> vector<16xi32>
        %reduce_max3A_151 = arith.xori %reduce_max3A_150, %reduce_max3A_148 : vector<16xi32>
        %reduce_max3A_152 = vector.extract %reduce_max3A_151[15] : i32 from vector<16xi32>
        %gt3A = arith.constant 0 : i32
        %gt3A_153 = arith.cmpi sgt, %reduce_max3A_152, %gt3A : i32
        %convert_element_type3A_154 = arith.extui %gt3A_153 : i1 to i32
        %cond3A = arith.constant 0 : i32
        %cond3A_155 = arith.cmpi ne, %convert_element_type3A_154, %cond3A : i32
        scf.if %cond3A_155 {
          %mul3A_156 = arith.constant 16 : i32
          %mul3A_157 = arith.muli %scan3A_139, %mul3A_156 : i32
          %add3A_158 = vector.broadcast %mul3A_157 : i32 to vector<16xi32>
          %add3A_159 = arith.addi %iota3A, %add3A_158 : vector<16xi32>
          %div3A = arith.constant 26 : i32
          %div3A_160 = vector.broadcast %div3A : i32 to vector<16xi32>
          %div3A_161 = arith.divsi %add3A_159, %div3A_160 : vector<16xi32>
          %rem3A = arith.constant 26 : i32
          %rem3A_162 = vector.broadcast %rem3A : i32 to vector<16xi32>
          %rem3A_163 = arith.remsi %add3A_159, %rem3A_162 : vector<16xi32>
          %mul3A_164 = arith.constant 16 : i32
          %mul3A_165 = vector.broadcast %mul3A_164 : i32 to vector<16xi32>
          %mul3A_166 = arith.muli %rem3A_163, %mul3A_165 : vector<16xi32>
          %sub3A = arith.constant 2599936 : i32
          %sub3A_167 = vector.broadcast %sub3A : i32 to vector<16xi32>
          %sub3A_168 = arith.subi %get3A_143, %sub3A_167 : vector<16xi32>
          %jit3A = arith.constant 0 : i32
          %jit3A_169 = arith.constant 63 : i32
          %max3A = vector.broadcast %jit3A : i32 to vector<16xi32>
          %max3A_170 = arith.maxsi %max3A, %sub3A_168 : vector<16xi32>
          %min3A_171 = vector.broadcast %jit3A_169 : i32 to vector<16xi32>
          %min3A_172 = arith.minsi %min3A_171, %max3A_170 : vector<16xi32>
          %broadcast_in_dim3A_173 = arith.constant 0 : i32
          %broadcast_in_dim3A_174 = vector.broadcast %broadcast_in_dim3A_173 : i32 to vector<16xi32>
          %gather3A = tpu.vector_load_idx %arg18[%min3A_172, %broadcast_in_dim3A_174] masked %ge3A_145 : memref<64x17xf32, #tpu.memory_space<vmem>>[vector<16xi32>, vector<16xi32>], vector<16xf32>, vector<16xi1>
          %add3A_175 = arith.constant 0 : i32
          %add3A_176 = vector.broadcast %add3A_175 : i32 to vector<16xi32>
          %add3A_177 = arith.addi %mul3A_166, %add3A_176 : vector<16xi32>
          tpu.vector_store_idx %arg17[%div3A_161, %add3A_177], %gather3A masked %ge3A_145 : memref<32x512xf32, #tpu.memory_space<vmem>>[vector<16xi32>, vector<16xi32>], vector<16xf32>, vector<16xi1>
          %broadcast_in_dim3A_178 = arith.constant 1 : i32
          %broadcast_in_dim3A_179 = vector.broadcast %broadcast_in_dim3A_178 : i32 to vector<16xi32>
          %gather3A_180 = tpu.vector_load_idx %arg18[%min3A_172, %broadcast_in_dim3A_179] masked %ge3A_145 : memref<64x17xf32, #tpu.memory_space<vmem>>[vector<16xi32>, vector<16xi32>], vector<16xf32>, vector<16xi1>
          %add3A_181 = arith.constant 1 : i32
          %add3A_182 = vector.broadcast %add3A_181 : i32 to vector<16xi32>
          %add3A_183 = arith.addi %mul3A_166, %add3A_182 : vector<16xi32>
          tpu.vector_store_idx %arg17[%div3A_161, %add3A_183], %gather3A_180 masked %ge3A_145 : memref<32x512xf32, #tpu.memory_space<vmem>>[vector<16xi32>, vector<16xi32>], vector<16xf32>, vector<16xi1>
          %broadcast_in_dim3A_184 = arith.constant 2 : i32
          %broadcast_in_dim3A_185 = vector.broadcast %broadcast_in_dim3A_184 : i32 to vector<16xi32>
          %gather3A_186 = tpu.vector_load_idx %arg18[%min3A_172, %broadcast_in_dim3A_185] masked %ge3A_145 : memref<64x17xf32, #tpu.memory_space<vmem>>[vector<16xi32>, vector<16xi32>], vector<16xf32>, vector<16xi1>
          %add3A_187 = arith.constant 2 : i32
          %add3A_188 = vector.broadcast %add3A_187 : i32 to vector<16xi32>
          %add3A_189 = arith.addi %mul3A_166, %add3A_188 : vector<16xi32>
          tpu.vector_store_idx %arg17[%div3A_161, %add3A_189], %gather3A_186 masked %ge3A_145 : memref<32x512xf32, #tpu.memory_space<vmem>>[vector<16xi32>, vector<16xi32>], vector<16xf32>, vector<16xi1>
          %broadcast_in_dim3A_190 = arith.constant 3 : i32
          %broadcast_in_dim3A_191 = vector.broadcast %broadcast_in_dim3A_190 : i32 to vector<16xi32>
          %gather3A_192 = tpu.vector_load_idx %arg18[%min3A_172, %broadcast_in_dim3A_191] masked %ge3A_145 : memref<64x17xf32, #tpu.memory_space<vmem>>[vector<16xi32>, vector<16xi32>], vector<16xf32>, vector<16xi1>
          %add3A_193 = arith.constant 3 : i32
          %add3A_194 = vector.broadcast %add3A_193 : i32 to vector<16xi32>
          %add3A_195 = arith.addi %mul3A_166, %add3A_194 : vector<16xi32>
          tpu.vector_store_idx %arg17[%div3A_161, %add3A_195], %gather3A_192 masked %ge3A_145 : memref<32x512xf32, #tpu.memory_space<vmem>>[vector<16xi32>, vector<16xi32>], vector<16xf32>, vector<16xi1>
          %broadcast_in_dim3A_196 = arith.constant 4 : i32
          %broadcast_in_dim3A_197 = vector.broadcast %broadcast_in_dim3A_196 : i32 to vector<16xi32>
          %gather3A_198 = tpu.vector_load_idx %arg18[%min3A_172, %broadcast_in_dim3A_197] masked %ge3A_145 : memref<64x17xf32, #tpu.memory_space<vmem>>[vector<16xi32>, vector<16xi32>], vector<16xf32>, vector<16xi1>
          %add3A_199 = arith.constant 4 : i32
          %add3A_200 = vector.broadcast %add3A_199 : i32 to vector<16xi32>
          %add3A_201 = arith.addi %mul3A_166, %add3A_200 : vector<16xi32>
          tpu.vector_store_idx %arg17[%div3A_161, %add3A_201], %gather3A_198 masked %ge3A_145 : memref<32x512xf32, #tpu.memory_space<vmem>>[vector<16xi32>, vector<16xi32>], vector<16xf32>, vector<16xi1>
          %broadcast_in_dim3A_202 = arith.constant 5 : i32
          %broadcast_in_dim3A_203 = vector.broadcast %broadcast_in_dim3A_202 : i32 to vector<16xi32>
          %gather3A_204 = tpu.vector_load_idx %arg18[%min3A_172, %broadcast_in_dim3A_203] masked %ge3A_145 : memref<64x17xf32, #tpu.memory_space<vmem>>[vector<16xi32>, vector<16xi32>], vector<16xf32>, vector<16xi1>
          %add3A_205 = arith.constant 5 : i32
          %add3A_206 = vector.broadcast %add3A_205 : i32 to vector<16xi32>
          %add3A_207 = arith.addi %mul3A_166, %add3A_206 : vector<16xi32>
          tpu.vector_store_idx %arg17[%div3A_161, %add3A_207], %gather3A_204 masked %ge3A_145 : memref<32x512xf32, #tpu.memory_space<vmem>>[vector<16xi32>, vector<16xi32>], vector<16xf32>, vector<16xi1>
          %broadcast_in_dim3A_208 = arith.constant 6 : i32
          %broadcast_in_dim3A_209 = vector.broadcast %broadcast_in_dim3A_208 : i32 to vector<16xi32>
          %gather3A_210 = tpu.vector_load_idx %arg18[%min3A_172, %broadcast_in_dim3A_209] masked %ge3A_145 : memref<64x17xf32, #tpu.memory_space<vmem>>[vector<16xi32>, vector<16xi32>], vector<16xf32>, vector<16xi1>
          %add3A_211 = arith.constant 6 : i32
          %add3A_212 = vector.broadcast %add3A_211 : i32 to vector<16xi32>
          %add3A_213 = arith.addi %mul3A_166, %add3A_212 : vector<16xi32>
          tpu.vector_store_idx %arg17[%div3A_161, %add3A_213], %gather3A_210 masked %ge3A_145 : memref<32x512xf32, #tpu.memory_space<vmem>>[vector<16xi32>, vector<16xi32>], vector<16xf32>, vector<16xi1>
          %broadcast_in_dim3A_214 = arith.constant 7 : i32
          %broadcast_in_dim3A_215 = vector.broadcast %broadcast_in_dim3A_214 : i32 to vector<16xi32>
          %gather3A_216 = tpu.vector_load_idx %arg18[%min3A_172, %broadcast_in_dim3A_215] masked %ge3A_145 : memref<64x17xf32, #tpu.memory_space<vmem>>[vector<16xi32>, vector<16xi32>], vector<16xf32>, vector<16xi1>
          %add3A_217 = arith.constant 7 : i32
          %add3A_218 = vector.broadcast %add3A_217 : i32 to vector<16xi32>
          %add3A_219 = arith.addi %mul3A_166, %add3A_218 : vector<16xi32>
          tpu.vector_store_idx %arg17[%div3A_161, %add3A_219], %gather3A_216 masked %ge3A_145 : memref<32x512xf32, #tpu.memory_space<vmem>>[vector<16xi32>, vector<16xi32>], vector<16xf32>, vector<16xi1>
          %broadcast_in_dim3A_220 = arith.constant 8 : i32
          %broadcast_in_dim3A_221 = vector.broadcast %broadcast_in_dim3A_220 : i32 to vector<16xi32>
          %gather3A_222 = tpu.vector_load_idx %arg18[%min3A_172, %broadcast_in_dim3A_221] masked %ge3A_145 : memref<64x17xf32, #tpu.memory_space<vmem>>[vector<16xi32>, vector<16xi32>], vector<16xf32>, vector<16xi1>
          %add3A_223 = arith.constant 8 : i32
          %add3A_224 = vector.broadcast %add3A_223 : i32 to vector<16xi32>
          %add3A_225 = arith.addi %mul3A_166, %add3A_224 : vector<16xi32>
          tpu.vector_store_idx %arg17[%div3A_161, %add3A_225], %gather3A_222 masked %ge3A_145 : memref<32x512xf32, #tpu.memory_space<vmem>>[vector<16xi32>, vector<16xi32>], vector<16xf32>, vector<16xi1>
          %broadcast_in_dim3A_226 = arith.constant 9 : i32
          %broadcast_in_dim3A_227 = vector.broadcast %broadcast_in_dim3A_226 : i32 to vector<16xi32>
          %gather3A_228 = tpu.vector_load_idx %arg18[%min3A_172, %broadcast_in_dim3A_227] masked %ge3A_145 : memref<64x17xf32, #tpu.memory_space<vmem>>[vector<16xi32>, vector<16xi32>], vector<16xf32>, vector<16xi1>
          %add3A_229 = arith.constant 9 : i32
          %add3A_230 = vector.broadcast %add3A_229 : i32 to vector<16xi32>
          %add3A_231 = arith.addi %mul3A_166, %add3A_230 : vector<16xi32>
          tpu.vector_store_idx %arg17[%div3A_161, %add3A_231], %gather3A_228 masked %ge3A_145 : memref<32x512xf32, #tpu.memory_space<vmem>>[vector<16xi32>, vector<16xi32>], vector<16xf32>, vector<16xi1>
          %broadcast_in_dim3A_232 = arith.constant 10 : i32
          %broadcast_in_dim3A_233 = vector.broadcast %broadcast_in_dim3A_232 : i32 to vector<16xi32>
          %gather3A_234 = tpu.vector_load_idx %arg18[%min3A_172, %broadcast_in_dim3A_233] masked %ge3A_145 : memref<64x17xf32, #tpu.memory_space<vmem>>[vector<16xi32>, vector<16xi32>], vector<16xf32>, vector<16xi1>
          %add3A_235 = arith.constant 10 : i32
          %add3A_236 = vector.broadcast %add3A_235 : i32 to vector<16xi32>
          %add3A_237 = arith.addi %mul3A_166, %add3A_236 : vector<16xi32>
          tpu.vector_store_idx %arg17[%div3A_161, %add3A_237], %gather3A_234 masked %ge3A_145 : memref<32x512xf32, #tpu.memory_space<vmem>>[vector<16xi32>, vector<16xi32>], vector<16xf32>, vector<16xi1>
          %broadcast_in_dim3A_238 = arith.constant 11 : i32
          %broadcast_in_dim3A_239 = vector.broadcast %broadcast_in_dim3A_238 : i32 to vector<16xi32>
          %gather3A_240 = tpu.vector_load_idx %arg18[%min3A_172, %broadcast_in_dim3A_239] masked %ge3A_145 : memref<64x17xf32, #tpu.memory_space<vmem>>[vector<16xi32>, vector<16xi32>], vector<16xf32>, vector<16xi1>
          %add3A_241 = arith.constant 11 : i32
          %add3A_242 = vector.broadcast %add3A_241 : i32 to vector<16xi32>
          %add3A_243 = arith.addi %mul3A_166, %add3A_242 : vector<16xi32>
          tpu.vector_store_idx %arg17[%div3A_161, %add3A_243], %gather3A_240 masked %ge3A_145 : memref<32x512xf32, #tpu.memory_space<vmem>>[vector<16xi32>, vector<16xi32>], vector<16xf32>, vector<16xi1>
          %broadcast_in_dim3A_244 = arith.constant 12 : i32
          %broadcast_in_dim3A_245 = vector.broadcast %broadcast_in_dim3A_244 : i32 to vector<16xi32>
          %gather3A_246 = tpu.vector_load_idx %arg18[%min3A_172, %broadcast_in_dim3A_245] masked %ge3A_145 : memref<64x17xf32, #tpu.memory_space<vmem>>[vector<16xi32>, vector<16xi32>], vector<16xf32>, vector<16xi1>
          %add3A_247 = arith.constant 12 : i32
          %add3A_248 = vector.broadcast %add3A_247 : i32 to vector<16xi32>
          %add3A_249 = arith.addi %mul3A_166, %add3A_248 : vector<16xi32>
          tpu.vector_store_idx %arg17[%div3A_161, %add3A_249], %gather3A_246 masked %ge3A_145 : memref<32x512xf32, #tpu.memory_space<vmem>>[vector<16xi32>, vector<16xi32>], vector<16xf32>, vector<16xi1>
          %broadcast_in_dim3A_250 = arith.constant 13 : i32
          %broadcast_in_dim3A_251 = vector.broadcast %broadcast_in_dim3A_250 : i32 to vector<16xi32>
          %gather3A_252 = tpu.vector_load_idx %arg18[%min3A_172, %broadcast_in_dim3A_251] masked %ge3A_145 : memref<64x17xf32, #tpu.memory_space<vmem>>[vector<16xi32>, vector<16xi32>], vector<16xf32>, vector<16xi1>
          %add3A_253 = arith.constant 13 : i32
          %add3A_254 = vector.broadcast %add3A_253 : i32 to vector<16xi32>
          %add3A_255 = arith.addi %mul3A_166, %add3A_254 : vector<16xi32>
          tpu.vector_store_idx %arg17[%div3A_161, %add3A_255], %gather3A_252 masked %ge3A_145 : memref<32x512xf32, #tpu.memory_space<vmem>>[vector<16xi32>, vector<16xi32>], vector<16xf32>, vector<16xi1>
          %broadcast_in_dim3A_256 = arith.constant 14 : i32
          %broadcast_in_dim3A_257 = vector.broadcast %broadcast_in_dim3A_256 : i32 to vector<16xi32>
          %gather3A_258 = tpu.vector_load_idx %arg18[%min3A_172, %broadcast_in_dim3A_257] masked %ge3A_145 : memref<64x17xf32, #tpu.memory_space<vmem>>[vector<16xi32>, vector<16xi32>], vector<16xf32>, vector<16xi1>
          %add3A_259 = arith.constant 14 : i32
          %add3A_260 = vector.broadcast %add3A_259 : i32 to vector<16xi32>
          %add3A_261 = arith.addi %mul3A_166, %add3A_260 : vector<16xi32>
          tpu.vector_store_idx %arg17[%div3A_161, %add3A_261], %gather3A_258 masked %ge3A_145 : memref<32x512xf32, #tpu.memory_space<vmem>>[vector<16xi32>, vector<16xi32>], vector<16xf32>, vector<16xi1>
          %broadcast_in_dim3A_262 = arith.constant 15 : i32
          %broadcast_in_dim3A_263 = vector.broadcast %broadcast_in_dim3A_262 : i32 to vector<16xi32>
          %gather3A_264 = tpu.vector_load_idx %arg18[%min3A_172, %broadcast_in_dim3A_263] masked %ge3A_145 : memref<64x17xf32, #tpu.memory_space<vmem>>[vector<16xi32>, vector<16xi32>], vector<16xf32>, vector<16xi1>
          %add3A_265 = arith.constant 15 : i32
          %add3A_266 = vector.broadcast %add3A_265 : i32 to vector<16xi32>
          %add3A_267 = arith.addi %mul3A_166, %add3A_266 : vector<16xi32>
          tpu.vector_store_idx %arg17[%div3A_161, %add3A_267], %gather3A_264 masked %ge3A_145 : memref<32x512xf32, #tpu.memory_space<vmem>>[vector<16xi32>, vector<16xi32>], vector<16xf32>, vector<16xi1>
          %broadcast_in_dim3A_268 = arith.constant 16 : i32
          %broadcast_in_dim3A_269 = vector.broadcast %broadcast_in_dim3A_268 : i32 to vector<16xi32>
          %gather3A_270 = tpu.vector_load_idx %arg18[%min3A_172, %broadcast_in_dim3A_269] masked %ge3A_145 : memref<64x17xf32, #tpu.memory_space<vmem>>[vector<16xi32>, vector<16xi32>], vector<16xf32>, vector<16xi1>
          %rem3A_271 = arith.constant 26 : i32
          %rem3A_272 = vector.broadcast %rem3A_271 : i32 to vector<16xi32>
          %rem3A_273 = arith.remsi %add3A_159, %rem3A_272 : vector<16xi32>
          %add3A_274 = arith.constant 416 : i32
          %add3A_275 = vector.broadcast %add3A_274 : i32 to vector<16xi32>
          %add3A_276 = arith.addi %add3A_275, %rem3A_273 : vector<16xi32>
          tpu.vector_store_idx %arg17[%div3A_161, %add3A_276], %gather3A_270 masked %ge3A_145 : memref<32x512xf32, #tpu.memory_space<vmem>>[vector<16xi32>, vector<16xi32>], vector<16xf32>, vector<16xi1>
        } else {
        }
      }
      %scan3A_84 = arith.constant 52 : i32
      %mul3A_85 = arith.constant 32 : i32
      %mul3A_86 = arith.muli %mul3A_40, %mul3A_85 : i32
      %add3A_87 = arith.addi %multiple_of3A_5, %mul3A_86 : i32
      %multiple_of3A_88 = tpu.assume_multiple %add3A_87, 8 : i32
      "tpu.region"() ({
        %run_scoped3A = tpu.sem_alloc : memref<!tpu.dma_semaphore, #tpu.memory_space<semaphore_mem>>
        %dma_start3A_139 = arith.constant 0 : i32
        %dma_start3A_140 = tpu.memref_slice %arg7[%multiple_of3A_88, %dma_start3A_139] : memref<16384x512xf32, #tpu.memory_space<hbm>> -> memref<32x512xf32, #tpu.memory_space<hbm>>
        %dma_start3A_141 = arith.constant 0 : i32
        %dma_start3A_142 = tpu.memref_slice %arg7[%multiple_of3A_88, %dma_start3A_141] : memref<16384x512xf32, #tpu.memory_space<hbm>> -> memref<32x512xf32, #tpu.memory_space<hbm>>
        tpu.enqueue_dma source(%arg17 : memref<32x512xf32, #tpu.memory_space<vmem>>) target(%dma_start3A_142 : memref<32x512xf32, #tpu.memory_space<hbm>>) target_semaphore(%run_scoped3A : memref<!tpu.dma_semaphore, #tpu.memory_space<semaphore_mem>>)
        %dma_wait3A_143 = arith.constant 0 : i32
        %dma_wait3A_144 = tpu.memref_slice %arg7[%multiple_of3A_88, %dma_wait3A_143] : memref<16384x512xf32, #tpu.memory_space<hbm>> -> memref<32x512xf32, #tpu.memory_space<hbm>>
        %dma_wait3A_145 = arith.constant 0 : i32
        %dma_wait3A_146 = tpu.memref_slice %arg7[%multiple_of3A_88, %dma_wait3A_145] : memref<16384x512xf32, #tpu.memory_space<hbm>> -> memref<32x512xf32, #tpu.memory_space<hbm>>
        tpu.wait_dma2 semaphore(%run_scoped3A : memref<!tpu.dma_semaphore, #tpu.memory_space<semaphore_mem>>) src(%arg17 : memref<32x512xf32, #tpu.memory_space<vmem>>) dst(%dma_wait3A_146 : memref<32x512xf32, #tpu.memory_space<hbm>>)
        tpu.yield
      }) : () -> ()
      %add3A_89 = arith.constant 2 : i32
      %add3A_90 = arith.addi %mul3A_40, %add3A_89 : i32
      %mul3A_91 = arith.constant 832 : i32
      %mul3A_92 = arith.muli %add3A_90, %mul3A_91 : i32
      %add3A_93 = arith.addi %multiple_of3A, %mul3A_92 : i32
      %min3A_94 = arith.constant 425152 : i32
      %min3A_95 = arith.minsi %add3A_93, %min3A_94 : i32
      %multiple_of3A_96 = tpu.assume_multiple %min3A_95, 8 : i32
      "tpu.region"() ({
        %run_scoped3A = tpu.sem_alloc : memref<!tpu.dma_semaphore, #tpu.memory_space<semaphore_mem>>
        %dma_start3A_139 = tpu.memref_slice %arg2[%multiple_of3A_96] : memref<425984xi32, #tpu.memory_space<hbm>> -> memref<832xi32, #tpu.memory_space<hbm>>
        %dma_start3A_140 = tpu.memref_slice %arg2[%multiple_of3A_96] : memref<425984xi32, #tpu.memory_space<hbm>> -> memref<832xi32, #tpu.memory_space<hbm>>
        tpu.enqueue_dma source(%dma_start3A_140 : memref<832xi32, #tpu.memory_space<hbm>>) target(%arg8 : memref<832xi32, #tpu.memory_space<vmem>>) target_semaphore(%run_scoped3A : memref<!tpu.dma_semaphore, #tpu.memory_space<semaphore_mem>>)
        %dma_wait3A_141 = tpu.memref_slice %arg2[%multiple_of3A_96] : memref<425984xi32, #tpu.memory_space<hbm>> -> memref<832xi32, #tpu.memory_space<hbm>>
        %dma_wait3A_142 = tpu.memref_slice %arg2[%multiple_of3A_96] : memref<425984xi32, #tpu.memory_space<hbm>> -> memref<832xi32, #tpu.memory_space<hbm>>
        tpu.wait_dma2 semaphore(%run_scoped3A : memref<!tpu.dma_semaphore, #tpu.memory_space<semaphore_mem>>) src(%dma_wait3A_142 : memref<832xi32, #tpu.memory_space<hbm>>) dst(%arg8 : memref<832xi32, #tpu.memory_space<vmem>>)
        tpu.yield
      }) : () -> ()
      %scan3A_97 = arith.constant 0 : i32
      %scan3A_98 = arith.constant 0 : i32
      %scan3A_99 = arith.constant 52 : i32
      %scan3A_100 = arith.addi %scan3A_98, %scan3A_99 : i32
      %scan3A_101 = arith.constant 1 : i32
      scf.for %scan3A_139 = %scan3A_98 to %scan3A_100 step %scan3A_101  : i32 {
        %mul3A_140 = arith.constant 16 : i32
        %mul3A_141 = arith.muli %scan3A_139, %mul3A_140 : i32
        %multiple_of3A_142 = tpu.assume_multiple %mul3A_141, 16 : i32
        %get3A = arith.index_cast %multiple_of3A_142 : i32 to index
        %get3A_143 = tpu.vector_load %arg8[%get3A] {strides = array<i32>} : memref<832xi32, #tpu.memory_space<vmem>>, vector<16xi32>,
        %get3A_144 = arith.index_cast %multiple_of3A_142 : i32 to index
        %get3A_145 = tpu.vector_load %arg12[%get3A_144] {strides = array<i32>} : memref<832xi32, #tpu.memory_space<vmem>>, vector<16xi32>,
        %add3A_146 = arith.addi %get3A_143, %get3A_145 : vector<16xi32>
        %swap3A = arith.index_cast %multiple_of3A_142 : i32 to index
        %swap3A_147 = tpu.vector_load %arg8[%swap3A] {strides = array<i32>} : memref<832xi32, #tpu.memory_space<vmem>>, vector<16xi32>,
        tpu.vector_store %arg8[%swap3A], %add3A_146 {strides = array<i32>} : memref<832xi32, #tpu.memory_space<vmem>>, vector<16xi32>,
        %shift_right_logical3A = arith.constant 4 : i32
        %shift_right_logical3A_148 = vector.broadcast %shift_right_logical3A : i32 to vector<16xi32>
        %shift_right_logical3A_149 = arith.shrui %add3A_146, %shift_right_logical3A_148 : vector<16xi32>
        %swap3A_150 = arith.index_cast %multiple_of3A_142 : i32 to index
        %swap3A_151 = tpu.vector_load %arg10[%swap3A_150] {strides = array<i32>} : memref<832xi32, #tpu.memory_space<vmem>>, vector<16xi32>,
        tpu.vector_store %arg10[%swap3A_150], %shift_right_logical3A_149 {strides = array<i32>} : memref<832xi32, #tpu.memory_space<vmem>>, vector<16xi32>,
      }
      %scan3A_102 = arith.constant 52 : i32
      %dma_start3A_103 = arith.constant 0 : i32
      %dma_start3A_104 = arith.constant 0 : i32
      %dma_start3A_105 = tpu.memref_slice %arg3[%dma_start3A_103, %dma_start3A_104] : memref<2600000x16xf32, #tpu.memory_space<hbm>> -> memref<2600000x16xf32, #tpu.memory_space<hbm>>
      tpu.enqueue_indirect_dma source(%dma_start3A_105 : memref<2600000x16xf32, #tpu.memory_space<hbm>>) target(%arg13 : memref<832x16xf32, #tpu.memory_space<vmem>>) offsets(%arg8 : memref<832xi32, #tpu.memory_space<vmem>>) semaphore(%arg19 : memref<!tpu.dma_semaphore, #tpu.memory_space<semaphore_mem>>)
      %dma_start3A_106 = arith.constant 0 : i32
      %dma_start3A_107 = arith.constant 0 : i32
      %dma_start3A_108 = tpu.memref_slice %arg4[%dma_start3A_106, %dma_start3A_107] : memref<162500x16xf32, #tpu.memory_space<hbm>> -> memref<162500x16xf32, #tpu.memory_space<hbm>>
      tpu.enqueue_indirect_dma source(%dma_start3A_108 : memref<162500x16xf32, #tpu.memory_space<hbm>>) target(%arg15 : memref<832x16xf32, #tpu.memory_space<vmem>>) offsets(%arg10 : memref<832xi32, #tpu.memory_space<vmem>>) semaphore(%arg21 : memref<!tpu.dma_semaphore, #tpu.memory_space<semaphore_mem>>)
      %dma_wait3A_109 = arith.constant 0 : i32
      %dma_wait3A_110 = arith.constant 0 : i32
      %dma_wait3A_111 = tpu.memref_slice %arg3[%dma_wait3A_109, %dma_wait3A_110] : memref<2600000x16xf32, #tpu.memory_space<hbm>> -> memref<2600000x16xf32, #tpu.memory_space<hbm>>
      tpu.wait_indirect_dma semaphore(%arg20 : memref<!tpu.dma_semaphore, #tpu.memory_space<semaphore_mem>>) src(%dma_wait3A_111 : memref<2600000x16xf32, #tpu.memory_space<hbm>>) dst(%arg14 : memref<832x16xf32, #tpu.memory_space<vmem>>)
      %dma_wait3A_112 = arith.constant 0 : i32
      %dma_wait3A_113 = arith.constant 0 : i32
      %dma_wait3A_114 = tpu.memref_slice %arg4[%dma_wait3A_112, %dma_wait3A_113] : memref<162500x16xf32, #tpu.memory_space<hbm>> -> memref<162500x16xf32, #tpu.memory_space<hbm>>
      tpu.wait_indirect_dma semaphore(%arg22 : memref<!tpu.dma_semaphore, #tpu.memory_space<semaphore_mem>>) src(%dma_wait3A_114 : memref<162500x16xf32, #tpu.memory_space<hbm>>) dst(%arg16 : memref<832x16xf32, #tpu.memory_space<vmem>>)
      %add3A_115 = arith.constant 1 : i32
      %add3A_116 = arith.addi %mul3A_40, %add3A_115 : i32
      %scan3A_117 = arith.constant 0 : i32
      %scan3A_118 = arith.constant 0 : i32
      %scan3A_119 = arith.constant 52 : i32
      %scan3A_120 = arith.addi %scan3A_118, %scan3A_119 : i32
      %scan3A_121 = arith.constant 1 : i32
      scf.for %scan3A_139 = %scan3A_118 to %scan3A_120 step %scan3A_121  : i32 {
        %mul3A_140 = arith.constant 16 : i32
        %mul3A_141 = arith.muli %scan3A_139, %mul3A_140 : i32
        %multiple_of3A_142 = tpu.assume_multiple %mul3A_141, 16 : i32
        %get3A = arith.index_cast %multiple_of3A_142 : i32 to index
        %get3A_143 = tpu.vector_load %arg9[%get3A] {strides = array<i32>} : memref<832xi32, #tpu.memory_space<vmem>>, vector<16xi32>,
        %and3A = arith.constant 15 : i32
        %and3A_144 = vector.broadcast %and3A : i32 to vector<16xi32>
        %and3A_145 = arith.andi %get3A_143, %and3A_144 : vector<16xi32>
        %mul3A_146 = arith.constant 16 : i32
        %mul3A_147 = arith.muli %scan3A_139, %mul3A_146 : i32
        %add3A_148 = vector.broadcast %mul3A_147 : i32 to vector<16xi32>
        %add3A_149 = arith.addi %iota3A, %add3A_148 : vector<16xi32>
        %gather3A = tpu.vector_load_idx %arg16[%add3A_149, %and3A_145] : memref<832x16xf32, #tpu.memory_space<vmem>>[vector<16xi32>, vector<16xi32>], vector<16xf32>,
        %mul3A_150 = arith.constant 16 : i32
        %mul3A_151 = arith.muli %scan3A_139, %mul3A_150 : i32
        %add3A_152 = vector.broadcast %mul3A_151 : i32 to vector<16xi32>
        %add3A_153 = arith.addi %iota3A, %add3A_152 : vector<16xi32>
        %div3A = arith.constant 26 : i32
        %div3A_154 = vector.broadcast %div3A : i32 to vector<16xi32>
        %div3A_155 = arith.divsi %add3A_153, %div3A_154 : vector<16xi32>
        %rem3A = arith.constant 26 : i32
        %rem3A_156 = vector.broadcast %rem3A : i32 to vector<16xi32>
        %rem3A_157 = arith.remsi %add3A_153, %rem3A_156 : vector<16xi32>
        %add3A_158 = arith.constant 416 : i32
        %add3A_159 = vector.broadcast %add3A_158 : i32 to vector<16xi32>
        %add3A_160 = arith.addi %add3A_159, %rem3A_157 : vector<16xi32>
        tpu.vector_store_idx %arg17[%div3A_155, %add3A_160], %gather3A : memref<32x512xf32, #tpu.memory_space<vmem>>[vector<16xi32>, vector<16xi32>], vector<16xf32>,
      }
      %scan3A_122 = arith.constant 52 : i32
      %scan3A_123 = arith.constant 0 : i32
      %scan3A_124 = arith.constant 0 : i32
      %scan3A_125 = arith.constant 32 : i32
      %scan3A_126 = arith.addi %scan3A_124, %scan3A_125 : i32
      %scan3A_127 = arith.constant 1 : i32
      scf.for %scan3A_139 = %scan3A_124 to %scan3A_126 step %scan3A_127  : i32 {
        %mul3A_140 = arith.constant 26 : i32
        %mul3A_141 = arith.muli %scan3A_139, %mul3A_140 : i32
        %add3A_142 = arith.constant 0 : i32
        %add3A_143 = arith.addi %mul3A_141, %add3A_142 : i32
        %get3A = arith.index_cast %add3A_143 : i32 to index
        %get3A_144 = arith.constant 0 : index
        %get3A_145 = tpu.vector_load %arg14[%get3A, %get3A_144] {strides = array<i32>} : memref<832x16xf32, #tpu.memory_space<vmem>>, vector<16xf32>,
        %swap3A = arith.index_cast %scan3A_139 : i32 to index
        %swap3A_146 = arith.constant 0 : index
        %swap3A_147 = tpu.vector_load %arg17[%swap3A, %swap3A_146] {strides = array<i32>} : memref<32x512xf32, #tpu.memory_space<vmem>>, vector<16xf32>,
        tpu.vector_store %arg17[%swap3A, %swap3A_146], %get3A_145 {strides = array<i32>} : memref<32x512xf32, #tpu.memory_space<vmem>>, vector<16xf32>,
        %mul3A_148 = arith.constant 26 : i32
        %mul3A_149 = arith.muli %scan3A_139, %mul3A_148 : i32
        %add3A_150 = arith.constant 1 : i32
        %add3A_151 = arith.addi %mul3A_149, %add3A_150 : i32
        %get3A_152 = arith.index_cast %add3A_151 : i32 to index
        %get3A_153 = arith.constant 0 : index
        %get3A_154 = tpu.vector_load %arg14[%get3A_152, %get3A_153] {strides = array<i32>} : memref<832x16xf32, #tpu.memory_space<vmem>>, vector<16xf32>,
        %swap3A_155 = arith.index_cast %scan3A_139 : i32 to index
        %swap3A_156 = arith.constant 16 : index
        %swap3A_157 = tpu.vector_load %arg17[%swap3A_155, %swap3A_156] {strides = array<i32>} : memref<32x512xf32, #tpu.memory_space<vmem>>, vector<16xf32>,
        tpu.vector_store %arg17[%swap3A_155, %swap3A_156], %get3A_154 {strides = array<i32>} : memref<32x512xf32, #tpu.memory_space<vmem>>, vector<16xf32>,
        %mul3A_158 = arith.constant 26 : i32
        %mul3A_159 = arith.muli %scan3A_139, %mul3A_158 : i32
        %add3A_160 = arith.constant 2 : i32
        %add3A_161 = arith.addi %mul3A_159, %add3A_160 : i32
        %get3A_162 = arith.index_cast %add3A_161 : i32 to index
        %get3A_163 = arith.constant 0 : index
        %get3A_164 = tpu.vector_load %arg14[%get3A_162, %get3A_163] {strides = array<i32>} : memref<832x16xf32, #tpu.memory_space<vmem>>, vector<16xf32>,
        %swap3A_165 = arith.index_cast %scan3A_139 : i32 to index
        %swap3A_166 = arith.constant 32 : index
        %swap3A_167 = tpu.vector_load %arg17[%swap3A_165, %swap3A_166] {strides = array<i32>} : memref<32x512xf32, #tpu.memory_space<vmem>>, vector<16xf32>,
        tpu.vector_store %arg17[%swap3A_165, %swap3A_166], %get3A_164 {strides = array<i32>} : memref<32x512xf32, #tpu.memory_space<vmem>>, vector<16xf32>,
        %mul3A_168 = arith.constant 26 : i32
        %mul3A_169 = arith.muli %scan3A_139, %mul3A_168 : i32
        %add3A_170 = arith.constant 3 : i32
        %add3A_171 = arith.addi %mul3A_169, %add3A_170 : i32
        %get3A_172 = arith.index_cast %add3A_171 : i32 to index
        %get3A_173 = arith.constant 0 : index
        %get3A_174 = tpu.vector_load %arg14[%get3A_172, %get3A_173] {strides = array<i32>} : memref<832x16xf32, #tpu.memory_space<vmem>>, vector<16xf32>,
        %swap3A_175 = arith.index_cast %scan3A_139 : i32 to index
        %swap3A_176 = arith.constant 48 : index
        %swap3A_177 = tpu.vector_load %arg17[%swap3A_175, %swap3A_176] {strides = array<i32>} : memref<32x512xf32, #tpu.memory_space<vmem>>, vector<16xf32>,
        tpu.vector_store %arg17[%swap3A_175, %swap3A_176], %get3A_174 {strides = array<i32>} : memref<32x512xf32, #tpu.memory_space<vmem>>, vector<16xf32>,
        %mul3A_178 = arith.constant 26 : i32
        %mul3A_179 = arith.muli %scan3A_139, %mul3A_178 : i32
        %add3A_180 = arith.constant 4 : i32
        %add3A_181 = arith.addi %mul3A_179, %add3A_180 : i32
        %get3A_182 = arith.index_cast %add3A_181 : i32 to index
        %get3A_183 = arith.constant 0 : index
        %get3A_184 = tpu.vector_load %arg14[%get3A_182, %get3A_183] {strides = array<i32>} : memref<832x16xf32, #tpu.memory_space<vmem>>, vector<16xf32>,
        %swap3A_185 = arith.index_cast %scan3A_139 : i32 to index
        %swap3A_186 = arith.constant 64 : index
        %swap3A_187 = tpu.vector_load %arg17[%swap3A_185, %swap3A_186] {strides = array<i32>} : memref<32x512xf32, #tpu.memory_space<vmem>>, vector<16xf32>,
        tpu.vector_store %arg17[%swap3A_185, %swap3A_186], %get3A_184 {strides = array<i32>} : memref<32x512xf32, #tpu.memory_space<vmem>>, vector<16xf32>,
        %mul3A_188 = arith.constant 26 : i32
        %mul3A_189 = arith.muli %scan3A_139, %mul3A_188 : i32
        %add3A_190 = arith.constant 5 : i32
        %add3A_191 = arith.addi %mul3A_189, %add3A_190 : i32
        %get3A_192 = arith.index_cast %add3A_191 : i32 to index
        %get3A_193 = arith.constant 0 : index
        %get3A_194 = tpu.vector_load %arg14[%get3A_192, %get3A_193] {strides = array<i32>} : memref<832x16xf32, #tpu.memory_space<vmem>>, vector<16xf32>,
        %swap3A_195 = arith.index_cast %scan3A_139 : i32 to index
        %swap3A_196 = arith.constant 80 : index
        %swap3A_197 = tpu.vector_load %arg17[%swap3A_195, %swap3A_196] {strides = array<i32>} : memref<32x512xf32, #tpu.memory_space<vmem>>, vector<16xf32>,
        tpu.vector_store %arg17[%swap3A_195, %swap3A_196], %get3A_194 {strides = array<i32>} : memref<32x512xf32, #tpu.memory_space<vmem>>, vector<16xf32>,
        %mul3A_198 = arith.constant 26 : i32
        %mul3A_199 = arith.muli %scan3A_139, %mul3A_198 : i32
        %add3A_200 = arith.constant 6 : i32
        %add3A_201 = arith.addi %mul3A_199, %add3A_200 : i32
        %get3A_202 = arith.index_cast %add3A_201 : i32 to index
        %get3A_203 = arith.constant 0 : index
        %get3A_204 = tpu.vector_load %arg14[%get3A_202, %get3A_203] {strides = array<i32>} : memref<832x16xf32, #tpu.memory_space<vmem>>, vector<16xf32>,
        %swap3A_205 = arith.index_cast %scan3A_139 : i32 to index
        %swap3A_206 = arith.constant 96 : index
        %swap3A_207 = tpu.vector_load %arg17[%swap3A_205, %swap3A_206] {strides = array<i32>} : memref<32x512xf32, #tpu.memory_space<vmem>>, vector<16xf32>,
        tpu.vector_store %arg17[%swap3A_205, %swap3A_206], %get3A_204 {strides = array<i32>} : memref<32x512xf32, #tpu.memory_space<vmem>>, vector<16xf32>,
        %mul3A_208 = arith.constant 26 : i32
        %mul3A_209 = arith.muli %scan3A_139, %mul3A_208 : i32
        %add3A_210 = arith.constant 7 : i32
        %add3A_211 = arith.addi %mul3A_209, %add3A_210 : i32
        %get3A_212 = arith.index_cast %add3A_211 : i32 to index
        %get3A_213 = arith.constant 0 : index
        %get3A_214 = tpu.vector_load %arg14[%get3A_212, %get3A_213] {strides = array<i32>} : memref<832x16xf32, #tpu.memory_space<vmem>>, vector<16xf32>,
        %swap3A_215 = arith.index_cast %scan3A_139 : i32 to index
        %swap3A_216 = arith.constant 112 : index
        %swap3A_217 = tpu.vector_load %arg17[%swap3A_215, %swap3A_216] {strides = array<i32>} : memref<32x512xf32, #tpu.memory_space<vmem>>, vector<16xf32>,
        tpu.vector_store %arg17[%swap3A_215, %swap3A_216], %get3A_214 {strides = array<i32>} : memref<32x512xf32, #tpu.memory_space<vmem>>, vector<16xf32>,
        %mul3A_218 = arith.constant 26 : i32
        %mul3A_219 = arith.muli %scan3A_139, %mul3A_218 : i32
        %add3A_220 = arith.constant 8 : i32
        %add3A_221 = arith.addi %mul3A_219, %add3A_220 : i32
        %get3A_222 = arith.index_cast %add3A_221 : i32 to index
        %get3A_223 = arith.constant 0 : index
        %get3A_224 = tpu.vector_load %arg14[%get3A_222, %get3A_223] {strides = array<i32>} : memref<832x16xf32, #tpu.memory_space<vmem>>, vector<16xf32>,
        %swap3A_225 = arith.index_cast %scan3A_139 : i32 to index
        %swap3A_226 = arith.constant 128 : index
        %swap3A_227 = tpu.vector_load %arg17[%swap3A_225, %swap3A_226] {strides = array<i32>} : memref<32x512xf32, #tpu.memory_space<vmem>>, vector<16xf32>,
        tpu.vector_store %arg17[%swap3A_225, %swap3A_226], %get3A_224 {strides = array<i32>} : memref<32x512xf32, #tpu.memory_space<vmem>>, vector<16xf32>,
        %mul3A_228 = arith.constant 26 : i32
        %mul3A_229 = arith.muli %scan3A_139, %mul3A_228 : i32
        %add3A_230 = arith.constant 9 : i32
        %add3A_231 = arith.addi %mul3A_229, %add3A_230 : i32
        %get3A_232 = arith.index_cast %add3A_231 : i32 to index
        %get3A_233 = arith.constant 0 : index
        %get3A_234 = tpu.vector_load %arg14[%get3A_232, %get3A_233] {strides = array<i32>} : memref<832x16xf32, #tpu.memory_space<vmem>>, vector<16xf32>,
        %swap3A_235 = arith.index_cast %scan3A_139 : i32 to index
        %swap3A_236 = arith.constant 144 : index
        %swap3A_237 = tpu.vector_load %arg17[%swap3A_235, %swap3A_236] {strides = array<i32>} : memref<32x512xf32, #tpu.memory_space<vmem>>, vector<16xf32>,
        tpu.vector_store %arg17[%swap3A_235, %swap3A_236], %get3A_234 {strides = array<i32>} : memref<32x512xf32, #tpu.memory_space<vmem>>, vector<16xf32>,
        %mul3A_238 = arith.constant 26 : i32
        %mul3A_239 = arith.muli %scan3A_139, %mul3A_238 : i32
        %add3A_240 = arith.constant 10 : i32
        %add3A_241 = arith.addi %mul3A_239, %add3A_240 : i32
        %get3A_242 = arith.index_cast %add3A_241 : i32 to index
        %get3A_243 = arith.constant 0 : index
        %get3A_244 = tpu.vector_load %arg14[%get3A_242, %get3A_243] {strides = array<i32>} : memref<832x16xf32, #tpu.memory_space<vmem>>, vector<16xf32>,
        %swap3A_245 = arith.index_cast %scan3A_139 : i32 to index
        %swap3A_246 = arith.constant 160 : index
        %swap3A_247 = tpu.vector_load %arg17[%swap3A_245, %swap3A_246] {strides = array<i32>} : memref<32x512xf32, #tpu.memory_space<vmem>>, vector<16xf32>,
        tpu.vector_store %arg17[%swap3A_245, %swap3A_246], %get3A_244 {strides = array<i32>} : memref<32x512xf32, #tpu.memory_space<vmem>>, vector<16xf32>,
        %mul3A_248 = arith.constant 26 : i32
        %mul3A_249 = arith.muli %scan3A_139, %mul3A_248 : i32
        %add3A_250 = arith.constant 11 : i32
        %add3A_251 = arith.addi %mul3A_249, %add3A_250 : i32
        %get3A_252 = arith.index_cast %add3A_251 : i32 to index
        %get3A_253 = arith.constant 0 : index
        %get3A_254 = tpu.vector_load %arg14[%get3A_252, %get3A_253] {strides = array<i32>} : memref<832x16xf32, #tpu.memory_space<vmem>>, vector<16xf32>,
        %swap3A_255 = arith.index_cast %scan3A_139 : i32 to index
        %swap3A_256 = arith.constant 176 : index
        %swap3A_257 = tpu.vector_load %arg17[%swap3A_255, %swap3A_256] {strides = array<i32>} : memref<32x512xf32, #tpu.memory_space<vmem>>, vector<16xf32>,
        tpu.vector_store %arg17[%swap3A_255, %swap3A_256], %get3A_254 {strides = array<i32>} : memref<32x512xf32, #tpu.memory_space<vmem>>, vector<16xf32>,
        %mul3A_258 = arith.constant 26 : i32
        %mul3A_259 = arith.muli %scan3A_139, %mul3A_258 : i32
        %add3A_260 = arith.constant 12 : i32
        %add3A_261 = arith.addi %mul3A_259, %add3A_260 : i32
        %get3A_262 = arith.index_cast %add3A_261 : i32 to index
        %get3A_263 = arith.constant 0 : index
        %get3A_264 = tpu.vector_load %arg14[%get3A_262, %get3A_263] {strides = array<i32>} : memref<832x16xf32, #tpu.memory_space<vmem>>, vector<16xf32>,
        %swap3A_265 = arith.index_cast %scan3A_139 : i32 to index
        %swap3A_266 = arith.constant 192 : index
        %swap3A_267 = tpu.vector_load %arg17[%swap3A_265, %swap3A_266] {strides = array<i32>} : memref<32x512xf32, #tpu.memory_space<vmem>>, vector<16xf32>,
        tpu.vector_store %arg17[%swap3A_265, %swap3A_266], %get3A_264 {strides = array<i32>} : memref<32x512xf32, #tpu.memory_space<vmem>>, vector<16xf32>,
        %mul3A_268 = arith.constant 26 : i32
        %mul3A_269 = arith.muli %scan3A_139, %mul3A_268 : i32
        %add3A_270 = arith.constant 13 : i32
        %add3A_271 = arith.addi %mul3A_269, %add3A_270 : i32
        %get3A_272 = arith.index_cast %add3A_271 : i32 to index
        %get3A_273 = arith.constant 0 : index
        %get3A_274 = tpu.vector_load %arg14[%get3A_272, %get3A_273] {strides = array<i32>} : memref<832x16xf32, #tpu.memory_space<vmem>>, vector<16xf32>,
        %swap3A_275 = arith.index_cast %scan3A_139 : i32 to index
        %swap3A_276 = arith.constant 208 : index
        %swap3A_277 = tpu.vector_load %arg17[%swap3A_275, %swap3A_276] {strides = array<i32>} : memref<32x512xf32, #tpu.memory_space<vmem>>, vector<16xf32>,
        tpu.vector_store %arg17[%swap3A_275, %swap3A_276], %get3A_274 {strides = array<i32>} : memref<32x512xf32, #tpu.memory_space<vmem>>, vector<16xf32>,
        %mul3A_278 = arith.constant 26 : i32
        %mul3A_279 = arith.muli %scan3A_139, %mul3A_278 : i32
        %add3A_280 = arith.constant 14 : i32
        %add3A_281 = arith.addi %mul3A_279, %add3A_280 : i32
        %get3A_282 = arith.index_cast %add3A_281 : i32 to index
        %get3A_283 = arith.constant 0 : index
        %get3A_284 = tpu.vector_load %arg14[%get3A_282, %get3A_283] {strides = array<i32>} : memref<832x16xf32, #tpu.memory_space<vmem>>, vector<16xf32>,
        %swap3A_285 = arith.index_cast %scan3A_139 : i32 to index
        %swap3A_286 = arith.constant 224 : index
        %swap3A_287 = tpu.vector_load %arg17[%swap3A_285, %swap3A_286] {strides = array<i32>} : memref<32x512xf32, #tpu.memory_space<vmem>>, vector<16xf32>,
        tpu.vector_store %arg17[%swap3A_285, %swap3A_286], %get3A_284 {strides = array<i32>} : memref<32x512xf32, #tpu.memory_space<vmem>>, vector<16xf32>,
        %mul3A_288 = arith.constant 26 : i32
        %mul3A_289 = arith.muli %scan3A_139, %mul3A_288 : i32
        %add3A_290 = arith.constant 15 : i32
        %add3A_291 = arith.addi %mul3A_289, %add3A_290 : i32
        %get3A_292 = arith.index_cast %add3A_291 : i32 to index
        %get3A_293 = arith.constant 0 : index
        %get3A_294 = tpu.vector_load %arg14[%get3A_292, %get3A_293] {strides = array<i32>} : memref<832x16xf32, #tpu.memory_space<vmem>>, vector<16xf32>,
        %swap3A_295 = arith.index_cast %scan3A_139 : i32 to index
        %swap3A_296 = arith.constant 240 : index
        %swap3A_297 = tpu.vector_load %arg17[%swap3A_295, %swap3A_296] {strides = array<i32>} : memref<32x512xf32, #tpu.memory_space<vmem>>, vector<16xf32>,
        tpu.vector_store %arg17[%swap3A_295, %swap3A_296], %get3A_294 {strides = array<i32>} : memref<32x512xf32, #tpu.memory_space<vmem>>, vector<16xf32>,
        %mul3A_298 = arith.constant 26 : i32
        %mul3A_299 = arith.muli %scan3A_139, %mul3A_298 : i32
        %add3A_300 = arith.constant 16 : i32
        %add3A_301 = arith.addi %mul3A_299, %add3A_300 : i32
        %get3A_302 = arith.index_cast %add3A_301 : i32 to index
        %get3A_303 = arith.constant 0 : index
        %get3A_304 = tpu.vector_load %arg14[%get3A_302, %get3A_303] {strides = array<i32>} : memref<832x16xf32, #tpu.memory_space<vmem>>, vector<16xf32>,
        %swap3A_305 = arith.index_cast %scan3A_139 : i32 to index
        %swap3A_306 = arith.constant 256 : index
        %swap3A_307 = tpu.vector_load %arg17[%swap3A_305, %swap3A_306] {strides = array<i32>} : memref<32x512xf32, #tpu.memory_space<vmem>>, vector<16xf32>,
        tpu.vector_store %arg17[%swap3A_305, %swap3A_306], %get3A_304 {strides = array<i32>} : memref<32x512xf32, #tpu.memory_space<vmem>>, vector<16xf32>,
        %mul3A_308 = arith.constant 26 : i32
        %mul3A_309 = arith.muli %scan3A_139, %mul3A_308 : i32
        %add3A_310 = arith.constant 17 : i32
        %add3A_311 = arith.addi %mul3A_309, %add3A_310 : i32
        %get3A_312 = arith.index_cast %add3A_311 : i32 to index
        %get3A_313 = arith.constant 0 : index
        %get3A_314 = tpu.vector_load %arg14[%get3A_312, %get3A_313] {strides = array<i32>} : memref<832x16xf32, #tpu.memory_space<vmem>>, vector<16xf32>,
        %swap3A_315 = arith.index_cast %scan3A_139 : i32 to index
        %swap3A_316 = arith.constant 272 : index
        %swap3A_317 = tpu.vector_load %arg17[%swap3A_315, %swap3A_316] {strides = array<i32>} : memref<32x512xf32, #tpu.memory_space<vmem>>, vector<16xf32>,
        tpu.vector_store %arg17[%swap3A_315, %swap3A_316], %get3A_314 {strides = array<i32>} : memref<32x512xf32, #tpu.memory_space<vmem>>, vector<16xf32>,
        %mul3A_318 = arith.constant 26 : i32
        %mul3A_319 = arith.muli %scan3A_139, %mul3A_318 : i32
        %add3A_320 = arith.constant 18 : i32
        %add3A_321 = arith.addi %mul3A_319, %add3A_320 : i32
        %get3A_322 = arith.index_cast %add3A_321 : i32 to index
        %get3A_323 = arith.constant 0 : index
        %get3A_324 = tpu.vector_load %arg14[%get3A_322, %get3A_323] {strides = array<i32>} : memref<832x16xf32, #tpu.memory_space<vmem>>, vector<16xf32>,
        %swap3A_325 = arith.index_cast %scan3A_139 : i32 to index
        %swap3A_326 = arith.constant 288 : index
        %swap3A_327 = tpu.vector_load %arg17[%swap3A_325, %swap3A_326] {strides = array<i32>} : memref<32x512xf32, #tpu.memory_space<vmem>>, vector<16xf32>,
        tpu.vector_store %arg17[%swap3A_325, %swap3A_326], %get3A_324 {strides = array<i32>} : memref<32x512xf32, #tpu.memory_space<vmem>>, vector<16xf32>,
        %mul3A_328 = arith.constant 26 : i32
        %mul3A_329 = arith.muli %scan3A_139, %mul3A_328 : i32
        %add3A_330 = arith.constant 19 : i32
        %add3A_331 = arith.addi %mul3A_329, %add3A_330 : i32
        %get3A_332 = arith.index_cast %add3A_331 : i32 to index
        %get3A_333 = arith.constant 0 : index
        %get3A_334 = tpu.vector_load %arg14[%get3A_332, %get3A_333] {strides = array<i32>} : memref<832x16xf32, #tpu.memory_space<vmem>>, vector<16xf32>,
        %swap3A_335 = arith.index_cast %scan3A_139 : i32 to index
        %swap3A_336 = arith.constant 304 : index
        %swap3A_337 = tpu.vector_load %arg17[%swap3A_335, %swap3A_336] {strides = array<i32>} : memref<32x512xf32, #tpu.memory_space<vmem>>, vector<16xf32>,
        tpu.vector_store %arg17[%swap3A_335, %swap3A_336], %get3A_334 {strides = array<i32>} : memref<32x512xf32, #tpu.memory_space<vmem>>, vector<16xf32>,
        %mul3A_338 = arith.constant 26 : i32
        %mul3A_339 = arith.muli %scan3A_139, %mul3A_338 : i32
        %add3A_340 = arith.constant 20 : i32
        %add3A_341 = arith.addi %mul3A_339, %add3A_340 : i32
        %get3A_342 = arith.index_cast %add3A_341 : i32 to index
        %get3A_343 = arith.constant 0 : index
        %get3A_344 = tpu.vector_load %arg14[%get3A_342, %get3A_343] {strides = array<i32>} : memref<832x16xf32, #tpu.memory_space<vmem>>, vector<16xf32>,
        %swap3A_345 = arith.index_cast %scan3A_139 : i32 to index
        %swap3A_346 = arith.constant 320 : index
        %swap3A_347 = tpu.vector_load %arg17[%swap3A_345, %swap3A_346] {strides = array<i32>} : memref<32x512xf32, #tpu.memory_space<vmem>>, vector<16xf32>,
        tpu.vector_store %arg17[%swap3A_345, %swap3A_346], %get3A_344 {strides = array<i32>} : memref<32x512xf32, #tpu.memory_space<vmem>>, vector<16xf32>,
        %mul3A_348 = arith.constant 26 : i32
        %mul3A_349 = arith.muli %scan3A_139, %mul3A_348 : i32
        %add3A_350 = arith.constant 21 : i32
        %add3A_351 = arith.addi %mul3A_349, %add3A_350 : i32
        %get3A_352 = arith.index_cast %add3A_351 : i32 to index
        %get3A_353 = arith.constant 0 : index
        %get3A_354 = tpu.vector_load %arg14[%get3A_352, %get3A_353] {strides = array<i32>} : memref<832x16xf32, #tpu.memory_space<vmem>>, vector<16xf32>,
        %swap3A_355 = arith.index_cast %scan3A_139 : i32 to index
        %swap3A_356 = arith.constant 336 : index
        %swap3A_357 = tpu.vector_load %arg17[%swap3A_355, %swap3A_356] {strides = array<i32>} : memref<32x512xf32, #tpu.memory_space<vmem>>, vector<16xf32>,
        tpu.vector_store %arg17[%swap3A_355, %swap3A_356], %get3A_354 {strides = array<i32>} : memref<32x512xf32, #tpu.memory_space<vmem>>, vector<16xf32>,
        %mul3A_358 = arith.constant 26 : i32
        %mul3A_359 = arith.muli %scan3A_139, %mul3A_358 : i32
        %add3A_360 = arith.constant 22 : i32
        %add3A_361 = arith.addi %mul3A_359, %add3A_360 : i32
        %get3A_362 = arith.index_cast %add3A_361 : i32 to index
        %get3A_363 = arith.constant 0 : index
        %get3A_364 = tpu.vector_load %arg14[%get3A_362, %get3A_363] {strides = array<i32>} : memref<832x16xf32, #tpu.memory_space<vmem>>, vector<16xf32>,
        %swap3A_365 = arith.index_cast %scan3A_139 : i32 to index
        %swap3A_366 = arith.constant 352 : index
        %swap3A_367 = tpu.vector_load %arg17[%swap3A_365, %swap3A_366] {strides = array<i32>} : memref<32x512xf32, #tpu.memory_space<vmem>>, vector<16xf32>,
        tpu.vector_store %arg17[%swap3A_365, %swap3A_366], %get3A_364 {strides = array<i32>} : memref<32x512xf32, #tpu.memory_space<vmem>>, vector<16xf32>,
        %mul3A_368 = arith.constant 26 : i32
        %mul3A_369 = arith.muli %scan3A_139, %mul3A_368 : i32
        %add3A_370 = arith.constant 23 : i32
        %add3A_371 = arith.addi %mul3A_369, %add3A_370 : i32
        %get3A_372 = arith.index_cast %add3A_371 : i32 to index
        %get3A_373 = arith.constant 0 : index
        %get3A_374 = tpu.vector_load %arg14[%get3A_372, %get3A_373] {strides = array<i32>} : memref<832x16xf32, #tpu.memory_space<vmem>>, vector<16xf32>,
        %swap3A_375 = arith.index_cast %scan3A_139 : i32 to index
        %swap3A_376 = arith.constant 368 : index
        %swap3A_377 = tpu.vector_load %arg17[%swap3A_375, %swap3A_376] {strides = array<i32>} : memref<32x512xf32, #tpu.memory_space<vmem>>, vector<16xf32>,
        tpu.vector_store %arg17[%swap3A_375, %swap3A_376], %get3A_374 {strides = array<i32>} : memref<32x512xf32, #tpu.memory_space<vmem>>, vector<16xf32>,
        %mul3A_378 = arith.constant 26 : i32
        %mul3A_379 = arith.muli %scan3A_139, %mul3A_378 : i32
        %add3A_380 = arith.constant 24 : i32
        %add3A_381 = arith.addi %mul3A_379, %add3A_380 : i32
        %get3A_382 = arith.index_cast %add3A_381 : i32 to index
        %get3A_383 = arith.constant 0 : index
        %get3A_384 = tpu.vector_load %arg14[%get3A_382, %get3A_383] {strides = array<i32>} : memref<832x16xf32, #tpu.memory_space<vmem>>, vector<16xf32>,
        %swap3A_385 = arith.index_cast %scan3A_139 : i32 to index
        %swap3A_386 = arith.constant 384 : index
        %swap3A_387 = tpu.vector_load %arg17[%swap3A_385, %swap3A_386] {strides = array<i32>} : memref<32x512xf32, #tpu.memory_space<vmem>>, vector<16xf32>,
        tpu.vector_store %arg17[%swap3A_385, %swap3A_386], %get3A_384 {strides = array<i32>} : memref<32x512xf32, #tpu.memory_space<vmem>>, vector<16xf32>,
        %mul3A_388 = arith.constant 26 : i32
        %mul3A_389 = arith.muli %scan3A_139, %mul3A_388 : i32
        %add3A_390 = arith.constant 25 : i32
        %add3A_391 = arith.addi %mul3A_389, %add3A_390 : i32
        %get3A_392 = arith.index_cast %add3A_391 : i32 to index
        %get3A_393 = arith.constant 0 : index
        %get3A_394 = tpu.vector_load %arg14[%get3A_392, %get3A_393] {strides = array<i32>} : memref<832x16xf32, #tpu.memory_space<vmem>>, vector<16xf32>,
        %swap3A_395 = arith.index_cast %scan3A_139 : i32 to index
        %swap3A_396 = arith.constant 400 : index
        %swap3A_397 = tpu.vector_load %arg17[%swap3A_395, %swap3A_396] {strides = array<i32>} : memref<32x512xf32, #tpu.memory_space<vmem>>, vector<16xf32>,
        tpu.vector_store %arg17[%swap3A_395, %swap3A_396], %get3A_394 {strides = array<i32>} : memref<32x512xf32, #tpu.memory_space<vmem>>, vector<16xf32>,
      }
      %scan3A_128 = arith.constant 32 : i32
      %scan3A_129 = arith.constant 0 : i32
      %scan3A_130 = arith.constant 0 : i32
      %scan3A_131 = arith.constant 52 : i32
      %scan3A_132 = arith.addi %scan3A_130, %scan3A_131 : i32
      %scan3A_133 = arith.constant 1 : i32
      scf.for %scan3A_139 = %scan3A_130 to %scan3A_132 step %scan3A_133  : i32 {
        %mul3A_140 = arith.constant 16 : i32
        %mul3A_141 = arith.muli %scan3A_139, %mul3A_140 : i32
        %multiple_of3A_142 = tpu.assume_multiple %mul3A_141, 16 : i32
        %get3A = arith.index_cast %multiple_of3A_142 : i32 to index
        %get3A_143 = tpu.vector_load %arg9[%get3A] {strides = array<i32>} : memref<832xi32, #tpu.memory_space<vmem>>, vector<16xi32>,
        %ge3A = arith.constant 2599936 : i32
        %ge3A_144 = vector.broadcast %ge3A : i32 to vector<16xi32>
        %ge3A_145 = arith.cmpi sge, %get3A_143, %ge3A_144 : vector<16xi32>
        %convert_element_type3A = arith.extui %ge3A_145 : vector<16xi1> to vector<16xi32>
        %reduce_max3A = arith.constant true
        %reduce_max3A_146 = vector.broadcast %reduce_max3A : i1 to vector<16xi1>
        %reduce_max3A_147 = arith.constant -2147483648 : i32
        %reduce_max3A_148 = vector.broadcast %reduce_max3A_147 : i32 to vector<16xi32>
        %reduce_max3A_149 = arith.xori %convert_element_type3A, %reduce_max3A_148 : vector<16xi32>
        %reduce_max3A_150 = tpu.scan <max>, %reduce_max3A_149 masked %reduce_max3A_146 : vector<16xi32>, vector<16xi1> -> vector<16xi32>
        %reduce_max3A_151 = arith.xori %reduce_max3A_150, %reduce_max3A_148 : vector<16xi32>
        %reduce_max3A_152 = vector.extract %reduce_max3A_151[15] : i32 from vector<16xi32>
        %gt3A = arith.constant 0 : i32
        %gt3A_153 = arith.cmpi sgt, %reduce_max3A_152, %gt3A : i32
        %convert_element_type3A_154 = arith.extui %gt3A_153 : i1 to i32
        %cond3A = arith.constant 0 : i32
        %cond3A_155 = arith.cmpi ne, %convert_element_type3A_154, %cond3A : i32
        scf.if %cond3A_155 {
          %mul3A_156 = arith.constant 16 : i32
          %mul3A_157 = arith.muli %scan3A_139, %mul3A_156 : i32
          %add3A_158 = vector.broadcast %mul3A_157 : i32 to vector<16xi32>
          %add3A_159 = arith.addi %iota3A, %add3A_158 : vector<16xi32>
          %div3A = arith.constant 26 : i32
          %div3A_160 = vector.broadcast %div3A : i32 to vector<16xi32>
          %div3A_161 = arith.divsi %add3A_159, %div3A_160 : vector<16xi32>
          %rem3A = arith.constant 26 : i32
          %rem3A_162 = vector.broadcast %rem3A : i32 to vector<16xi32>
          %rem3A_163 = arith.remsi %add3A_159, %rem3A_162 : vector<16xi32>
          %mul3A_164 = arith.constant 16 : i32
          %mul3A_165 = vector.broadcast %mul3A_164 : i32 to vector<16xi32>
          %mul3A_166 = arith.muli %rem3A_163, %mul3A_165 : vector<16xi32>
          %sub3A = arith.constant 2599936 : i32
          %sub3A_167 = vector.broadcast %sub3A : i32 to vector<16xi32>
          %sub3A_168 = arith.subi %get3A_143, %sub3A_167 : vector<16xi32>
          %jit3A = arith.constant 0 : i32
          %jit3A_169 = arith.constant 63 : i32
          %max3A = vector.broadcast %jit3A : i32 to vector<16xi32>
          %max3A_170 = arith.maxsi %max3A, %sub3A_168 : vector<16xi32>
          %min3A_171 = vector.broadcast %jit3A_169 : i32 to vector<16xi32>
          %min3A_172 = arith.minsi %min3A_171, %max3A_170 : vector<16xi32>
          %broadcast_in_dim3A_173 = arith.constant 0 : i32
          %broadcast_in_dim3A_174 = vector.broadcast %broadcast_in_dim3A_173 : i32 to vector<16xi32>
          %gather3A = tpu.vector_load_idx %arg18[%min3A_172, %broadcast_in_dim3A_174] masked %ge3A_145 : memref<64x17xf32, #tpu.memory_space<vmem>>[vector<16xi32>, vector<16xi32>], vector<16xf32>, vector<16xi1>
          %add3A_175 = arith.constant 0 : i32
          %add3A_176 = vector.broadcast %add3A_175 : i32 to vector<16xi32>
          %add3A_177 = arith.addi %mul3A_166, %add3A_176 : vector<16xi32>
          tpu.vector_store_idx %arg17[%div3A_161, %add3A_177], %gather3A masked %ge3A_145 : memref<32x512xf32, #tpu.memory_space<vmem>>[vector<16xi32>, vector<16xi32>], vector<16xf32>, vector<16xi1>
          %broadcast_in_dim3A_178 = arith.constant 1 : i32
          %broadcast_in_dim3A_179 = vector.broadcast %broadcast_in_dim3A_178 : i32 to vector<16xi32>
          %gather3A_180 = tpu.vector_load_idx %arg18[%min3A_172, %broadcast_in_dim3A_179] masked %ge3A_145 : memref<64x17xf32, #tpu.memory_space<vmem>>[vector<16xi32>, vector<16xi32>], vector<16xf32>, vector<16xi1>
          %add3A_181 = arith.constant 1 : i32
          %add3A_182 = vector.broadcast %add3A_181 : i32 to vector<16xi32>
          %add3A_183 = arith.addi %mul3A_166, %add3A_182 : vector<16xi32>
          tpu.vector_store_idx %arg17[%div3A_161, %add3A_183], %gather3A_180 masked %ge3A_145 : memref<32x512xf32, #tpu.memory_space<vmem>>[vector<16xi32>, vector<16xi32>], vector<16xf32>, vector<16xi1>
          %broadcast_in_dim3A_184 = arith.constant 2 : i32
          %broadcast_in_dim3A_185 = vector.broadcast %broadcast_in_dim3A_184 : i32 to vector<16xi32>
          %gather3A_186 = tpu.vector_load_idx %arg18[%min3A_172, %broadcast_in_dim3A_185] masked %ge3A_145 : memref<64x17xf32, #tpu.memory_space<vmem>>[vector<16xi32>, vector<16xi32>], vector<16xf32>, vector<16xi1>
          %add3A_187 = arith.constant 2 : i32
          %add3A_188 = vector.broadcast %add3A_187 : i32 to vector<16xi32>
          %add3A_189 = arith.addi %mul3A_166, %add3A_188 : vector<16xi32>
          tpu.vector_store_idx %arg17[%div3A_161, %add3A_189], %gather3A_186 masked %ge3A_145 : memref<32x512xf32, #tpu.memory_space<vmem>>[vector<16xi32>, vector<16xi32>], vector<16xf32>, vector<16xi1>
          %broadcast_in_dim3A_190 = arith.constant 3 : i32
          %broadcast_in_dim3A_191 = vector.broadcast %broadcast_in_dim3A_190 : i32 to vector<16xi32>
          %gather3A_192 = tpu.vector_load_idx %arg18[%min3A_172, %broadcast_in_dim3A_191] masked %ge3A_145 : memref<64x17xf32, #tpu.memory_space<vmem>>[vector<16xi32>, vector<16xi32>], vector<16xf32>, vector<16xi1>
          %add3A_193 = arith.constant 3 : i32
          %add3A_194 = vector.broadcast %add3A_193 : i32 to vector<16xi32>
          %add3A_195 = arith.addi %mul3A_166, %add3A_194 : vector<16xi32>
          tpu.vector_store_idx %arg17[%div3A_161, %add3A_195], %gather3A_192 masked %ge3A_145 : memref<32x512xf32, #tpu.memory_space<vmem>>[vector<16xi32>, vector<16xi32>], vector<16xf32>, vector<16xi1>
          %broadcast_in_dim3A_196 = arith.constant 4 : i32
          %broadcast_in_dim3A_197 = vector.broadcast %broadcast_in_dim3A_196 : i32 to vector<16xi32>
          %gather3A_198 = tpu.vector_load_idx %arg18[%min3A_172, %broadcast_in_dim3A_197] masked %ge3A_145 : memref<64x17xf32, #tpu.memory_space<vmem>>[vector<16xi32>, vector<16xi32>], vector<16xf32>, vector<16xi1>
          %add3A_199 = arith.constant 4 : i32
          %add3A_200 = vector.broadcast %add3A_199 : i32 to vector<16xi32>
          %add3A_201 = arith.addi %mul3A_166, %add3A_200 : vector<16xi32>
          tpu.vector_store_idx %arg17[%div3A_161, %add3A_201], %gather3A_198 masked %ge3A_145 : memref<32x512xf32, #tpu.memory_space<vmem>>[vector<16xi32>, vector<16xi32>], vector<16xf32>, vector<16xi1>
          %broadcast_in_dim3A_202 = arith.constant 5 : i32
          %broadcast_in_dim3A_203 = vector.broadcast %broadcast_in_dim3A_202 : i32 to vector<16xi32>
          %gather3A_204 = tpu.vector_load_idx %arg18[%min3A_172, %broadcast_in_dim3A_203] masked %ge3A_145 : memref<64x17xf32, #tpu.memory_space<vmem>>[vector<16xi32>, vector<16xi32>], vector<16xf32>, vector<16xi1>
          %add3A_205 = arith.constant 5 : i32
          %add3A_206 = vector.broadcast %add3A_205 : i32 to vector<16xi32>
          %add3A_207 = arith.addi %mul3A_166, %add3A_206 : vector<16xi32>
          tpu.vector_store_idx %arg17[%div3A_161, %add3A_207], %gather3A_204 masked %ge3A_145 : memref<32x512xf32, #tpu.memory_space<vmem>>[vector<16xi32>, vector<16xi32>], vector<16xf32>, vector<16xi1>
          %broadcast_in_dim3A_208 = arith.constant 6 : i32
          %broadcast_in_dim3A_209 = vector.broadcast %broadcast_in_dim3A_208 : i32 to vector<16xi32>
          %gather3A_210 = tpu.vector_load_idx %arg18[%min3A_172, %broadcast_in_dim3A_209] masked %ge3A_145 : memref<64x17xf32, #tpu.memory_space<vmem>>[vector<16xi32>, vector<16xi32>], vector<16xf32>, vector<16xi1>
          %add3A_211 = arith.constant 6 : i32
          %add3A_212 = vector.broadcast %add3A_211 : i32 to vector<16xi32>
          %add3A_213 = arith.addi %mul3A_166, %add3A_212 : vector<16xi32>
          tpu.vector_store_idx %arg17[%div3A_161, %add3A_213], %gather3A_210 masked %ge3A_145 : memref<32x512xf32, #tpu.memory_space<vmem>>[vector<16xi32>, vector<16xi32>], vector<16xf32>, vector<16xi1>
          %broadcast_in_dim3A_214 = arith.constant 7 : i32
          %broadcast_in_dim3A_215 = vector.broadcast %broadcast_in_dim3A_214 : i32 to vector<16xi32>
          %gather3A_216 = tpu.vector_load_idx %arg18[%min3A_172, %broadcast_in_dim3A_215] masked %ge3A_145 : memref<64x17xf32, #tpu.memory_space<vmem>>[vector<16xi32>, vector<16xi32>], vector<16xf32>, vector<16xi1>
          %add3A_217 = arith.constant 7 : i32
          %add3A_218 = vector.broadcast %add3A_217 : i32 to vector<16xi32>
          %add3A_219 = arith.addi %mul3A_166, %add3A_218 : vector<16xi32>
          tpu.vector_store_idx %arg17[%div3A_161, %add3A_219], %gather3A_216 masked %ge3A_145 : memref<32x512xf32, #tpu.memory_space<vmem>>[vector<16xi32>, vector<16xi32>], vector<16xf32>, vector<16xi1>
          %broadcast_in_dim3A_220 = arith.constant 8 : i32
          %broadcast_in_dim3A_221 = vector.broadcast %broadcast_in_dim3A_220 : i32 to vector<16xi32>
          %gather3A_222 = tpu.vector_load_idx %arg18[%min3A_172, %broadcast_in_dim3A_221] masked %ge3A_145 : memref<64x17xf32, #tpu.memory_space<vmem>>[vector<16xi32>, vector<16xi32>], vector<16xf32>, vector<16xi1>
          %add3A_223 = arith.constant 8 : i32
          %add3A_224 = vector.broadcast %add3A_223 : i32 to vector<16xi32>
          %add3A_225 = arith.addi %mul3A_166, %add3A_224 : vector<16xi32>
          tpu.vector_store_idx %arg17[%div3A_161, %add3A_225], %gather3A_222 masked %ge3A_145 : memref<32x512xf32, #tpu.memory_space<vmem>>[vector<16xi32>, vector<16xi32>], vector<16xf32>, vector<16xi1>
          %broadcast_in_dim3A_226 = arith.constant 9 : i32
          %broadcast_in_dim3A_227 = vector.broadcast %broadcast_in_dim3A_226 : i32 to vector<16xi32>
          %gather3A_228 = tpu.vector_load_idx %arg18[%min3A_172, %broadcast_in_dim3A_227] masked %ge3A_145 : memref<64x17xf32, #tpu.memory_space<vmem>>[vector<16xi32>, vector<16xi32>], vector<16xf32>, vector<16xi1>
          %add3A_229 = arith.constant 9 : i32
          %add3A_230 = vector.broadcast %add3A_229 : i32 to vector<16xi32>
          %add3A_231 = arith.addi %mul3A_166, %add3A_230 : vector<16xi32>
          tpu.vector_store_idx %arg17[%div3A_161, %add3A_231], %gather3A_228 masked %ge3A_145 : memref<32x512xf32, #tpu.memory_space<vmem>>[vector<16xi32>, vector<16xi32>], vector<16xf32>, vector<16xi1>
          %broadcast_in_dim3A_232 = arith.constant 10 : i32
          %broadcast_in_dim3A_233 = vector.broadcast %broadcast_in_dim3A_232 : i32 to vector<16xi32>
          %gather3A_234 = tpu.vector_load_idx %arg18[%min3A_172, %broadcast_in_dim3A_233] masked %ge3A_145 : memref<64x17xf32, #tpu.memory_space<vmem>>[vector<16xi32>, vector<16xi32>], vector<16xf32>, vector<16xi1>
          %add3A_235 = arith.constant 10 : i32
          %add3A_236 = vector.broadcast %add3A_235 : i32 to vector<16xi32>
          %add3A_237 = arith.addi %mul3A_166, %add3A_236 : vector<16xi32>
          tpu.vector_store_idx %arg17[%div3A_161, %add3A_237], %gather3A_234 masked %ge3A_145 : memref<32x512xf32, #tpu.memory_space<vmem>>[vector<16xi32>, vector<16xi32>], vector<16xf32>, vector<16xi1>
          %broadcast_in_dim3A_238 = arith.constant 11 : i32
          %broadcast_in_dim3A_239 = vector.broadcast %broadcast_in_dim3A_238 : i32 to vector<16xi32>
          %gather3A_240 = tpu.vector_load_idx %arg18[%min3A_172, %broadcast_in_dim3A_239] masked %ge3A_145 : memref<64x17xf32, #tpu.memory_space<vmem>>[vector<16xi32>, vector<16xi32>], vector<16xf32>, vector<16xi1>
          %add3A_241 = arith.constant 11 : i32
          %add3A_242 = vector.broadcast %add3A_241 : i32 to vector<16xi32>
          %add3A_243 = arith.addi %mul3A_166, %add3A_242 : vector<16xi32>
          tpu.vector_store_idx %arg17[%div3A_161, %add3A_243], %gather3A_240 masked %ge3A_145 : memref<32x512xf32, #tpu.memory_space<vmem>>[vector<16xi32>, vector<16xi32>], vector<16xf32>, vector<16xi1>
          %broadcast_in_dim3A_244 = arith.constant 12 : i32
          %broadcast_in_dim3A_245 = vector.broadcast %broadcast_in_dim3A_244 : i32 to vector<16xi32>
          %gather3A_246 = tpu.vector_load_idx %arg18[%min3A_172, %broadcast_in_dim3A_245] masked %ge3A_145 : memref<64x17xf32, #tpu.memory_space<vmem>>[vector<16xi32>, vector<16xi32>], vector<16xf32>, vector<16xi1>
          %add3A_247 = arith.constant 12 : i32
          %add3A_248 = vector.broadcast %add3A_247 : i32 to vector<16xi32>
          %add3A_249 = arith.addi %mul3A_166, %add3A_248 : vector<16xi32>
          tpu.vector_store_idx %arg17[%div3A_161, %add3A_249], %gather3A_246 masked %ge3A_145 : memref<32x512xf32, #tpu.memory_space<vmem>>[vector<16xi32>, vector<16xi32>], vector<16xf32>, vector<16xi1>
          %broadcast_in_dim3A_250 = arith.constant 13 : i32
          %broadcast_in_dim3A_251 = vector.broadcast %broadcast_in_dim3A_250 : i32 to vector<16xi32>
          %gather3A_252 = tpu.vector_load_idx %arg18[%min3A_172, %broadcast_in_dim3A_251] masked %ge3A_145 : memref<64x17xf32, #tpu.memory_space<vmem>>[vector<16xi32>, vector<16xi32>], vector<16xf32>, vector<16xi1>
          %add3A_253 = arith.constant 13 : i32
          %add3A_254 = vector.broadcast %add3A_253 : i32 to vector<16xi32>
          %add3A_255 = arith.addi %mul3A_166, %add3A_254 : vector<16xi32>
          tpu.vector_store_idx %arg17[%div3A_161, %add3A_255], %gather3A_252 masked %ge3A_145 : memref<32x512xf32, #tpu.memory_space<vmem>>[vector<16xi32>, vector<16xi32>], vector<16xf32>, vector<16xi1>
          %broadcast_in_dim3A_256 = arith.constant 14 : i32
          %broadcast_in_dim3A_257 = vector.broadcast %broadcast_in_dim3A_256 : i32 to vector<16xi32>
          %gather3A_258 = tpu.vector_load_idx %arg18[%min3A_172, %broadcast_in_dim3A_257] masked %ge3A_145 : memref<64x17xf32, #tpu.memory_space<vmem>>[vector<16xi32>, vector<16xi32>], vector<16xf32>, vector<16xi1>
          %add3A_259 = arith.constant 14 : i32
          %add3A_260 = vector.broadcast %add3A_259 : i32 to vector<16xi32>
          %add3A_261 = arith.addi %mul3A_166, %add3A_260 : vector<16xi32>
          tpu.vector_store_idx %arg17[%div3A_161, %add3A_261], %gather3A_258 masked %ge3A_145 : memref<32x512xf32, #tpu.memory_space<vmem>>[vector<16xi32>, vector<16xi32>], vector<16xf32>, vector<16xi1>
          %broadcast_in_dim3A_262 = arith.constant 15 : i32
          %broadcast_in_dim3A_263 = vector.broadcast %broadcast_in_dim3A_262 : i32 to vector<16xi32>
          %gather3A_264 = tpu.vector_load_idx %arg18[%min3A_172, %broadcast_in_dim3A_263] masked %ge3A_145 : memref<64x17xf32, #tpu.memory_space<vmem>>[vector<16xi32>, vector<16xi32>], vector<16xf32>, vector<16xi1>
          %add3A_265 = arith.constant 15 : i32
          %add3A_266 = vector.broadcast %add3A_265 : i32 to vector<16xi32>
          %add3A_267 = arith.addi %mul3A_166, %add3A_266 : vector<16xi32>
          tpu.vector_store_idx %arg17[%div3A_161, %add3A_267], %gather3A_264 masked %ge3A_145 : memref<32x512xf32, #tpu.memory_space<vmem>>[vector<16xi32>, vector<16xi32>], vector<16xf32>, vector<16xi1>
          %broadcast_in_dim3A_268 = arith.constant 16 : i32
          %broadcast_in_dim3A_269 = vector.broadcast %broadcast_in_dim3A_268 : i32 to vector<16xi32>
          %gather3A_270 = tpu.vector_load_idx %arg18[%min3A_172, %broadcast_in_dim3A_269] masked %ge3A_145 : memref<64x17xf32, #tpu.memory_space<vmem>>[vector<16xi32>, vector<16xi32>], vector<16xf32>, vector<16xi1>
          %rem3A_271 = arith.constant 26 : i32
          %rem3A_272 = vector.broadcast %rem3A_271 : i32 to vector<16xi32>
          %rem3A_273 = arith.remsi %add3A_159, %rem3A_272 : vector<16xi32>
          %add3A_274 = arith.constant 416 : i32
          %add3A_275 = vector.broadcast %add3A_274 : i32 to vector<16xi32>
          %add3A_276 = arith.addi %add3A_275, %rem3A_273 : vector<16xi32>
          tpu.vector_store_idx %arg17[%div3A_161, %add3A_276], %gather3A_270 masked %ge3A_145 : memref<32x512xf32, #tpu.memory_space<vmem>>[vector<16xi32>, vector<16xi32>], vector<16xf32>, vector<16xi1>
        } else {
        }
      }
      %scan3A_134 = arith.constant 52 : i32
      %mul3A_135 = arith.constant 32 : i32
      %mul3A_136 = arith.muli %add3A_116, %mul3A_135 : i32
      %add3A_137 = arith.addi %multiple_of3A_5, %mul3A_136 : i32
      %multiple_of3A_138 = tpu.assume_multiple %add3A_137, 8 : i32
      "tpu.region"() ({
        %run_scoped3A = tpu.sem_alloc : memref<!tpu.dma_semaphore, #tpu.memory_space<semaphore_mem>>
        %dma_start3A_139 = arith.constant 0 : i32
        %dma_start3A_140 = tpu.memref_slice %arg7[%multiple_of3A_138, %dma_start3A_139] : memref<16384x512xf32, #tpu.memory_space<hbm>> -> memref<32x512xf32, #tpu.memory_space<hbm>>
        %dma_start3A_141 = arith.constant 0 : i32
        %dma_start3A_142 = tpu.memref_slice %arg7[%multiple_of3A_138, %dma_start3A_141] : memref<16384x512xf32, #tpu.memory_space<hbm>> -> memref<32x512xf32, #tpu.memory_space<hbm>>
        tpu.enqueue_dma source(%arg17 : memref<32x512xf32, #tpu.memory_space<vmem>>) target(%dma_start3A_142 : memref<32x512xf32, #tpu.memory_space<hbm>>) target_semaphore(%run_scoped3A : memref<!tpu.dma_semaphore, #tpu.memory_space<semaphore_mem>>)
        %dma_wait3A_143 = arith.constant 0 : i32
        %dma_wait3A_144 = tpu.memref_slice %arg7[%multiple_of3A_138, %dma_wait3A_143] : memref<16384x512xf32, #tpu.memory_space<hbm>> -> memref<32x512xf32, #tpu.memory_space<hbm>>
        %dma_wait3A_145 = arith.constant 0 : i32
        %dma_wait3A_146 = tpu.memref_slice %arg7[%multiple_of3A_138, %dma_wait3A_145] : memref<16384x512xf32, #tpu.memory_space<hbm>> -> memref<32x512xf32, #tpu.memory_space<hbm>>
        tpu.wait_dma2 semaphore(%run_scoped3A : memref<!tpu.dma_semaphore, #tpu.memory_space<semaphore_mem>>) src(%arg17 : memref<32x512xf32, #tpu.memory_space<vmem>>) dst(%dma_wait3A_146 : memref<32x512xf32, #tpu.memory_space<hbm>>)
        tpu.yield
      }) : () -> ()
    }
    %scan3A_32 = arith.constant 8 : i32
    %dma_wait3A = arith.constant 0 : i32
    %dma_wait3A_33 = arith.constant 0 : i32
    %dma_wait3A_34 = tpu.memref_slice %arg3[%dma_wait3A, %dma_wait3A_33] : memref<2600000x16xf32, #tpu.memory_space<hbm>> -> memref<2600000x16xf32, #tpu.memory_space<hbm>>
    tpu.wait_indirect_dma semaphore(%arg19 : memref<!tpu.dma_semaphore, #tpu.memory_space<semaphore_mem>>) src(%dma_wait3A_34 : memref<2600000x16xf32, #tpu.memory_space<hbm>>) dst(%arg13 : memref<832x16xf32, #tpu.memory_space<vmem>>)
    %dma_wait3A_35 = arith.constant 0 : i32
    %dma_wait3A_36 = arith.constant 0 : i32
    %dma_wait3A_37 = tpu.memref_slice %arg4[%dma_wait3A_35, %dma_wait3A_36] : memref<162500x16xf32, #tpu.memory_space<hbm>> -> memref<162500x16xf32, #tpu.memory_space<hbm>>
    tpu.wait_indirect_dma semaphore(%arg21 : memref<!tpu.dma_semaphore, #tpu.memory_space<semaphore_mem>>) src(%dma_wait3A_37 : memref<162500x16xf32, #tpu.memory_space<hbm>>) dst(%arg15 : memref<832x16xf32, #tpu.memory_space<vmem>>)
    return
  }
}

#map = affine_map<(d0, d1) -> (0, 0)>
#map1 = affine_map<(d0, d1) -> (0)>
module attributes {stable_mosaic.version = 14 : i64} {
  func.func @k(%arg0: i32, %arg1: i32, %arg2: memref<16x2600000xf32, #tpu.memory_space<hbm>>, %arg3: memref<1x2600000xf32, #tpu.memory_space<hbm>>, %arg4: memref<325000x128xf32, #tpu.memory_space<hbm>>, %arg5: memref<2600000xf32, #tpu.memory_space<hbm>>, %arg6: memref<16x1024xf32, #tpu.memory_space<vmem>>, %arg7: memref<16x1024xf32, #tpu.memory_space<vmem>>, %arg8: memref<128x128xf32, #tpu.memory_space<vmem>>, %arg9: memref<128x128xf32, #tpu.memory_space<vmem>>, %arg10: memref<40960xf32, #tpu.memory_space<vmem>>, %arg11: memref<!tpu.dma_semaphore, #tpu.memory_space<semaphore_mem>>, %arg12: memref<!tpu.dma_semaphore, #tpu.memory_space<semaphore_mem>>, %arg13: memref<!tpu.dma_semaphore, #tpu.memory_space<semaphore_mem>>) attributes {dimension_semantics = [#tpu.dimension_semantics<core_parallel>, #tpu.dimension_semantics<subcore_parallel>], iteration_bounds = array<i64: 2, 16>, scalar_prefetch = 0 : i64, scratch_operands = 8 : i64, tpu.core_type = #tpu.core_type<sc_vector_subcore>, window_params = [{transform_indices = #map}, {transform_indices = #map}, {transform_indices = #map}, {transform_indices = #map1}]} {
    %mul3A = arith.constant 2 : i32
    %mul3A_0 = arith.muli %arg1, %mul3A : i32
    %add3A = arith.addi %mul3A_0, %arg0 : i32
    %iota3A = tpu.iota {dimensions = array<i32: 0>} : vector<16xi32>
    %mul3A_1 = arith.constant 81280 : i32
    %mul3A_2 = arith.muli %add3A, %mul3A_1 : i32
    %min3A = arith.constant 2518656 : i32
    %min3A_3 = arith.minsi %mul3A_2, %min3A : i32
    %multiple_of3A = tpu.assume_multiple %min3A_3, 128 : i32
    %add3A_4 = arith.constant 0 : i32
    %add3A_5 = arith.addi %multiple_of3A, %add3A_4 : i32
    %multiple_of3A_6 = tpu.assume_multiple %add3A_5, 128 : i32
    %dma_start3A = arith.constant 0 : i32
    %dma_start3A_7 = arith.constant 0 : i32
    %dma_start3A_8 = tpu.memref_slice %arg10[%dma_start3A_7] : memref<40960xf32, #tpu.memory_space<vmem>> -> memref<40960xf32, #tpu.memory_space<vmem>>
    %dma_start3A_9 = tpu.memref_slice %arg3[%dma_start3A, %multiple_of3A_6] : memref<1x2600000xf32, #tpu.memory_space<hbm>> -> memref<1x40960xf32, #tpu.memory_space<hbm>>
    %dma_start3A_10 = tpu.memref_squeeze %dma_start3A_9 : memref<1x40960xf32, #tpu.memory_space<hbm>> -> memref<40960xf32, #tpu.memory_space<hbm>>
    %dma_start3A_11 = arith.constant 0 : i32
    %dma_start3A_12 = tpu.memref_slice %arg10[%dma_start3A_11] : memref<40960xf32, #tpu.memory_space<vmem>> -> memref<40960xf32, #tpu.memory_space<vmem>>
    %dma_start3A_13 = tpu.memref_slice %arg3[%dma_start3A, %multiple_of3A_6] : memref<1x2600000xf32, #tpu.memory_space<hbm>> -> memref<1x40960xf32, #tpu.memory_space<hbm>>
    %dma_start3A_14 = tpu.memref_squeeze %dma_start3A_13 : memref<1x40960xf32, #tpu.memory_space<hbm>> -> memref<40960xf32, #tpu.memory_space<hbm>>
    tpu.enqueue_dma source(%dma_start3A_14 : memref<40960xf32, #tpu.memory_space<hbm>>) target(%dma_start3A_12 : memref<40960xf32, #tpu.memory_space<vmem>>) target_semaphore(%arg13 : memref<!tpu.dma_semaphore, #tpu.memory_space<semaphore_mem>>)
    %add3A_15 = arith.constant 0 : i32
    %add3A_16 = arith.addi %add3A, %add3A_15 : i32
    %mul3A_17 = arith.constant 1024 : i32
    %mul3A_18 = arith.muli %add3A_16, %mul3A_17 : i32
    %min3A_19 = arith.constant 2598912 : i32
    %min3A_20 = arith.minsi %mul3A_18, %min3A_19 : i32
    %multiple_of3A_21 = tpu.assume_multiple %min3A_20, 128 : i32
    %dma_start3A_22 = arith.constant 0 : i32
    %dma_start3A_23 = tpu.memref_slice %arg2[%dma_start3A_22, %multiple_of3A_21] : memref<16x2600000xf32, #tpu.memory_space<hbm>> -> memref<16x1024xf32, #tpu.memory_space<hbm>>
    %dma_start3A_24 = arith.constant 0 : i32
    %dma_start3A_25 = tpu.memref_slice %arg2[%dma_start3A_24, %multiple_of3A_21] : memref<16x2600000xf32, #tpu.memory_space<hbm>> -> memref<16x1024xf32, #tpu.memory_space<hbm>>
    tpu.enqueue_dma source(%dma_start3A_25 : memref<16x1024xf32, #tpu.memory_space<hbm>>) target(%arg6 : memref<16x1024xf32, #tpu.memory_space<vmem>>) target_semaphore(%arg11 : memref<!tpu.dma_semaphore, #tpu.memory_space<semaphore_mem>>)
    %scan3A = arith.constant 0 : i32
    %scan3A_26 = arith.constant 0 : i32
    %scan3A_27 = arith.constant 40 : i32
    %scan3A_28 = arith.addi %scan3A_26, %scan3A_27 : i32
    %scan3A_29 = arith.constant 1 : i32
    scf.for %scan3A_50 = %scan3A_26 to %scan3A_28 step %scan3A_29  : i32 {
      %mul3A_51 = arith.constant 2 : i32
      %mul3A_52 = arith.muli %scan3A_50, %mul3A_51 : i32
      %add3A_53 = arith.constant 1 : i32
      %add3A_54 = arith.addi %mul3A_52, %add3A_53 : i32
      %mul3A_55 = arith.constant 32 : i32
      %mul3A_56 = arith.muli %add3A_54, %mul3A_55 : i32
      %add3A_57 = arith.addi %add3A, %mul3A_56 : i32
      %mul3A_58 = arith.constant 1024 : i32
      %mul3A_59 = arith.muli %add3A_57, %mul3A_58 : i32
      %min3A_60 = arith.constant 2598912 : i32
      %min3A_61 = arith.minsi %mul3A_59, %min3A_60 : i32
      %multiple_of3A_62 = tpu.assume_multiple %min3A_61, 128 : i32
      %dma_start3A_63 = arith.constant 0 : i32
      %dma_start3A_64 = tpu.memref_slice %arg2[%dma_start3A_63, %multiple_of3A_62] : memref<16x2600000xf32, #tpu.memory_space<hbm>> -> memref<16x1024xf32, #tpu.memory_space<hbm>>
      %dma_start3A_65 = arith.constant 0 : i32
      %dma_start3A_66 = tpu.memref_slice %arg2[%dma_start3A_65, %multiple_of3A_62] : memref<16x2600000xf32, #tpu.memory_space<hbm>> -> memref<16x1024xf32, #tpu.memory_space<hbm>>
      tpu.enqueue_dma source(%dma_start3A_66 : memref<16x1024xf32, #tpu.memory_space<hbm>>) target(%arg7 : memref<16x1024xf32, #tpu.memory_space<vmem>>) target_semaphore(%arg12 : memref<!tpu.dma_semaphore, #tpu.memory_space<semaphore_mem>>)
      %mul3A_67 = arith.constant 32 : i32
      %mul3A_68 = arith.muli %mul3A_52, %mul3A_67 : i32
      %add3A_69 = arith.addi %add3A, %mul3A_68 : i32
      %mul3A_70 = arith.constant 1024 : i32
      %mul3A_71 = arith.muli %add3A_69, %mul3A_70 : i32
      %min3A_72 = arith.constant 2598912 : i32
      %min3A_73 = arith.minsi %mul3A_71, %min3A_72 : i32
      %multiple_of3A_74 = tpu.assume_multiple %min3A_73, 128 : i32
      %dma_wait3A_75 = arith.constant 0 : i32
      %dma_wait3A_76 = tpu.memref_slice %arg2[%dma_wait3A_75, %multiple_of3A_74] : memref<16x2600000xf32, #tpu.memory_space<hbm>> -> memref<16x1024xf32, #tpu.memory_space<hbm>>
      %dma_wait3A_77 = arith.constant 0 : i32
      %dma_wait3A_78 = tpu.memref_slice %arg2[%dma_wait3A_77, %multiple_of3A_74] : memref<16x2600000xf32, #tpu.memory_space<hbm>> -> memref<16x1024xf32, #tpu.memory_space<hbm>>
      tpu.wait_dma2 semaphore(%arg11 : memref<!tpu.dma_semaphore, #tpu.memory_space<semaphore_mem>>) src(%dma_wait3A_78 : memref<16x1024xf32, #tpu.memory_space<hbm>>) dst(%arg6 : memref<16x1024xf32, #tpu.memory_space<vmem>>)
      %scan3A_79 = arith.constant 0 : i32
      %scan3A_80 = arith.constant 0 : i32
      %scan3A_81 = arith.constant 64 : i32
      %scan3A_82 = arith.addi %scan3A_80, %scan3A_81 : i32
      %scan3A_83 = arith.constant 1 : i32
      scf.for %scan3A_144 = %scan3A_80 to %scan3A_82 step %scan3A_83  : i32 {
        %mul3A_145 = arith.constant 16 : i32
        %mul3A_146 = arith.muli %scan3A_144, %mul3A_145 : i32
        %add3A_147 = vector.broadcast %mul3A_146 : i32 to vector<16xi32>
        %add3A_148 = arith.addi %iota3A, %add3A_147 : vector<16xi32>
        %shift_right_logical3A_149 = arith.constant 3 : i32
        %shift_right_logical3A_150 = vector.broadcast %shift_right_logical3A_149 : i32 to vector<16xi32>
        %shift_right_logical3A_151 = arith.shrui %add3A_148, %shift_right_logical3A_150 : vector<16xi32>
        %and3A = arith.constant 7 : i32
        %and3A_152 = vector.broadcast %and3A : i32 to vector<16xi32>
        %and3A_153 = arith.andi %add3A_148, %and3A_152 : vector<16xi32>
        %mul3A_154 = arith.constant 16 : i32
        %mul3A_155 = vector.broadcast %mul3A_154 : i32 to vector<16xi32>
        %mul3A_156 = arith.muli %and3A_153, %mul3A_155 : vector<16xi32>
        %mul3A_157 = arith.constant 16 : i32
        %mul3A_158 = arith.muli %scan3A_144, %mul3A_157 : i32
        %multiple_of3A_159 = tpu.assume_multiple %mul3A_158, 16 : i32
        %get3A = arith.constant 0 : i32
        %get3A_160 = arith.index_cast %get3A : i32 to index
        %get3A_161 = arith.index_cast %multiple_of3A_159 : i32 to index
        %get3A_162 = tpu.vector_load %arg6[%get3A_160, %get3A_161] {strides = array<i32>} : memref<16x1024xf32, #tpu.memory_space<vmem>>, vector<16xf32>,
        %add3A_163 = arith.constant 0 : i32
        %add3A_164 = vector.broadcast %add3A_163 : i32 to vector<16xi32>
        %add3A_165 = arith.addi %mul3A_156, %add3A_164 : vector<16xi32>
        tpu.vector_store_idx %arg8[%shift_right_logical3A_151, %add3A_165], %get3A_162 : memref<128x128xf32, #tpu.memory_space<vmem>>[vector<16xi32>, vector<16xi32>], vector<16xf32>,
        %mul3A_166 = arith.constant 16 : i32
        %mul3A_167 = arith.muli %scan3A_144, %mul3A_166 : i32
        %multiple_of3A_168 = tpu.assume_multiple %mul3A_167, 16 : i32
        %get3A_169 = arith.constant 1 : i32
        %get3A_170 = arith.index_cast %get3A_169 : i32 to index
        %get3A_171 = arith.index_cast %multiple_of3A_168 : i32 to index
        %get3A_172 = tpu.vector_load %arg6[%get3A_170, %get3A_171] {strides = array<i32>} : memref<16x1024xf32, #tpu.memory_space<vmem>>, vector<16xf32>,
        %add3A_173 = arith.constant 1 : i32
        %add3A_174 = vector.broadcast %add3A_173 : i32 to vector<16xi32>
        %add3A_175 = arith.addi %mul3A_156, %add3A_174 : vector<16xi32>
        tpu.vector_store_idx %arg8[%shift_right_logical3A_151, %add3A_175], %get3A_172 : memref<128x128xf32, #tpu.memory_space<vmem>>[vector<16xi32>, vector<16xi32>], vector<16xf32>,
        %mul3A_176 = arith.constant 16 : i32
        %mul3A_177 = arith.muli %scan3A_144, %mul3A_176 : i32
        %multiple_of3A_178 = tpu.assume_multiple %mul3A_177, 16 : i32
        %get3A_179 = arith.constant 2 : i32
        %get3A_180 = arith.index_cast %get3A_179 : i32 to index
        %get3A_181 = arith.index_cast %multiple_of3A_178 : i32 to index
        %get3A_182 = tpu.vector_load %arg6[%get3A_180, %get3A_181] {strides = array<i32>} : memref<16x1024xf32, #tpu.memory_space<vmem>>, vector<16xf32>,
        %add3A_183 = arith.constant 2 : i32
        %add3A_184 = vector.broadcast %add3A_183 : i32 to vector<16xi32>
        %add3A_185 = arith.addi %mul3A_156, %add3A_184 : vector<16xi32>
        tpu.vector_store_idx %arg8[%shift_right_logical3A_151, %add3A_185], %get3A_182 : memref<128x128xf32, #tpu.memory_space<vmem>>[vector<16xi32>, vector<16xi32>], vector<16xf32>,
        %mul3A_186 = arith.constant 16 : i32
        %mul3A_187 = arith.muli %scan3A_144, %mul3A_186 : i32
        %multiple_of3A_188 = tpu.assume_multiple %mul3A_187, 16 : i32
        %get3A_189 = arith.constant 3 : i32
        %get3A_190 = arith.index_cast %get3A_189 : i32 to index
        %get3A_191 = arith.index_cast %multiple_of3A_188 : i32 to index
        %get3A_192 = tpu.vector_load %arg6[%get3A_190, %get3A_191] {strides = array<i32>} : memref<16x1024xf32, #tpu.memory_space<vmem>>, vector<16xf32>,
        %add3A_193 = arith.constant 3 : i32
        %add3A_194 = vector.broadcast %add3A_193 : i32 to vector<16xi32>
        %add3A_195 = arith.addi %mul3A_156, %add3A_194 : vector<16xi32>
        tpu.vector_store_idx %arg8[%shift_right_logical3A_151, %add3A_195], %get3A_192 : memref<128x128xf32, #tpu.memory_space<vmem>>[vector<16xi32>, vector<16xi32>], vector<16xf32>,
        %mul3A_196 = arith.constant 16 : i32
        %mul3A_197 = arith.muli %scan3A_144, %mul3A_196 : i32
        %multiple_of3A_198 = tpu.assume_multiple %mul3A_197, 16 : i32
        %get3A_199 = arith.constant 4 : i32
        %get3A_200 = arith.index_cast %get3A_199 : i32 to index
        %get3A_201 = arith.index_cast %multiple_of3A_198 : i32 to index
        %get3A_202 = tpu.vector_load %arg6[%get3A_200, %get3A_201] {strides = array<i32>} : memref<16x1024xf32, #tpu.memory_space<vmem>>, vector<16xf32>,
        %add3A_203 = arith.constant 4 : i32
        %add3A_204 = vector.broadcast %add3A_203 : i32 to vector<16xi32>
        %add3A_205 = arith.addi %mul3A_156, %add3A_204 : vector<16xi32>
        tpu.vector_store_idx %arg8[%shift_right_logical3A_151, %add3A_205], %get3A_202 : memref<128x128xf32, #tpu.memory_space<vmem>>[vector<16xi32>, vector<16xi32>], vector<16xf32>,
        %mul3A_206 = arith.constant 16 : i32
        %mul3A_207 = arith.muli %scan3A_144, %mul3A_206 : i32
        %multiple_of3A_208 = tpu.assume_multiple %mul3A_207, 16 : i32
        %get3A_209 = arith.constant 5 : i32
        %get3A_210 = arith.index_cast %get3A_209 : i32 to index
        %get3A_211 = arith.index_cast %multiple_of3A_208 : i32 to index
        %get3A_212 = tpu.vector_load %arg6[%get3A_210, %get3A_211] {strides = array<i32>} : memref<16x1024xf32, #tpu.memory_space<vmem>>, vector<16xf32>,
        %add3A_213 = arith.constant 5 : i32
        %add3A_214 = vector.broadcast %add3A_213 : i32 to vector<16xi32>
        %add3A_215 = arith.addi %mul3A_156, %add3A_214 : vector<16xi32>
        tpu.vector_store_idx %arg8[%shift_right_logical3A_151, %add3A_215], %get3A_212 : memref<128x128xf32, #tpu.memory_space<vmem>>[vector<16xi32>, vector<16xi32>], vector<16xf32>,
        %mul3A_216 = arith.constant 16 : i32
        %mul3A_217 = arith.muli %scan3A_144, %mul3A_216 : i32
        %multiple_of3A_218 = tpu.assume_multiple %mul3A_217, 16 : i32
        %get3A_219 = arith.constant 6 : i32
        %get3A_220 = arith.index_cast %get3A_219 : i32 to index
        %get3A_221 = arith.index_cast %multiple_of3A_218 : i32 to index
        %get3A_222 = tpu.vector_load %arg6[%get3A_220, %get3A_221] {strides = array<i32>} : memref<16x1024xf32, #tpu.memory_space<vmem>>, vector<16xf32>,
        %add3A_223 = arith.constant 6 : i32
        %add3A_224 = vector.broadcast %add3A_223 : i32 to vector<16xi32>
        %add3A_225 = arith.addi %mul3A_156, %add3A_224 : vector<16xi32>
        tpu.vector_store_idx %arg8[%shift_right_logical3A_151, %add3A_225], %get3A_222 : memref<128x128xf32, #tpu.memory_space<vmem>>[vector<16xi32>, vector<16xi32>], vector<16xf32>,
        %mul3A_226 = arith.constant 16 : i32
        %mul3A_227 = arith.muli %scan3A_144, %mul3A_226 : i32
        %multiple_of3A_228 = tpu.assume_multiple %mul3A_227, 16 : i32
        %get3A_229 = arith.constant 7 : i32
        %get3A_230 = arith.index_cast %get3A_229 : i32 to index
        %get3A_231 = arith.index_cast %multiple_of3A_228 : i32 to index
        %get3A_232 = tpu.vector_load %arg6[%get3A_230, %get3A_231] {strides = array<i32>} : memref<16x1024xf32, #tpu.memory_space<vmem>>, vector<16xf32>,
        %add3A_233 = arith.constant 7 : i32
        %add3A_234 = vector.broadcast %add3A_233 : i32 to vector<16xi32>
        %add3A_235 = arith.addi %mul3A_156, %add3A_234 : vector<16xi32>
        tpu.vector_store_idx %arg8[%shift_right_logical3A_151, %add3A_235], %get3A_232 : memref<128x128xf32, #tpu.memory_space<vmem>>[vector<16xi32>, vector<16xi32>], vector<16xf32>,
        %mul3A_236 = arith.constant 16 : i32
        %mul3A_237 = arith.muli %scan3A_144, %mul3A_236 : i32
        %multiple_of3A_238 = tpu.assume_multiple %mul3A_237, 16 : i32
        %get3A_239 = arith.constant 8 : i32
        %get3A_240 = arith.index_cast %get3A_239 : i32 to index
        %get3A_241 = arith.index_cast %multiple_of3A_238 : i32 to index
        %get3A_242 = tpu.vector_load %arg6[%get3A_240, %get3A_241] {strides = array<i32>} : memref<16x1024xf32, #tpu.memory_space<vmem>>, vector<16xf32>,
        %add3A_243 = arith.constant 8 : i32
        %add3A_244 = vector.broadcast %add3A_243 : i32 to vector<16xi32>
        %add3A_245 = arith.addi %mul3A_156, %add3A_244 : vector<16xi32>
        tpu.vector_store_idx %arg8[%shift_right_logical3A_151, %add3A_245], %get3A_242 : memref<128x128xf32, #tpu.memory_space<vmem>>[vector<16xi32>, vector<16xi32>], vector<16xf32>,
        %mul3A_246 = arith.constant 16 : i32
        %mul3A_247 = arith.muli %scan3A_144, %mul3A_246 : i32
        %multiple_of3A_248 = tpu.assume_multiple %mul3A_247, 16 : i32
        %get3A_249 = arith.constant 9 : i32
        %get3A_250 = arith.index_cast %get3A_249 : i32 to index
        %get3A_251 = arith.index_cast %multiple_of3A_248 : i32 to index
        %get3A_252 = tpu.vector_load %arg6[%get3A_250, %get3A_251] {strides = array<i32>} : memref<16x1024xf32, #tpu.memory_space<vmem>>, vector<16xf32>,
        %add3A_253 = arith.constant 9 : i32
        %add3A_254 = vector.broadcast %add3A_253 : i32 to vector<16xi32>
        %add3A_255 = arith.addi %mul3A_156, %add3A_254 : vector<16xi32>
        tpu.vector_store_idx %arg8[%shift_right_logical3A_151, %add3A_255], %get3A_252 : memref<128x128xf32, #tpu.memory_space<vmem>>[vector<16xi32>, vector<16xi32>], vector<16xf32>,
        %mul3A_256 = arith.constant 16 : i32
        %mul3A_257 = arith.muli %scan3A_144, %mul3A_256 : i32
        %multiple_of3A_258 = tpu.assume_multiple %mul3A_257, 16 : i32
        %get3A_259 = arith.constant 10 : i32
        %get3A_260 = arith.index_cast %get3A_259 : i32 to index
        %get3A_261 = arith.index_cast %multiple_of3A_258 : i32 to index
        %get3A_262 = tpu.vector_load %arg6[%get3A_260, %get3A_261] {strides = array<i32>} : memref<16x1024xf32, #tpu.memory_space<vmem>>, vector<16xf32>,
        %add3A_263 = arith.constant 10 : i32
        %add3A_264 = vector.broadcast %add3A_263 : i32 to vector<16xi32>
        %add3A_265 = arith.addi %mul3A_156, %add3A_264 : vector<16xi32>
        tpu.vector_store_idx %arg8[%shift_right_logical3A_151, %add3A_265], %get3A_262 : memref<128x128xf32, #tpu.memory_space<vmem>>[vector<16xi32>, vector<16xi32>], vector<16xf32>,
        %mul3A_266 = arith.constant 16 : i32
        %mul3A_267 = arith.muli %scan3A_144, %mul3A_266 : i32
        %multiple_of3A_268 = tpu.assume_multiple %mul3A_267, 16 : i32
        %get3A_269 = arith.constant 11 : i32
        %get3A_270 = arith.index_cast %get3A_269 : i32 to index
        %get3A_271 = arith.index_cast %multiple_of3A_268 : i32 to index
        %get3A_272 = tpu.vector_load %arg6[%get3A_270, %get3A_271] {strides = array<i32>} : memref<16x1024xf32, #tpu.memory_space<vmem>>, vector<16xf32>,
        %add3A_273 = arith.constant 11 : i32
        %add3A_274 = vector.broadcast %add3A_273 : i32 to vector<16xi32>
        %add3A_275 = arith.addi %mul3A_156, %add3A_274 : vector<16xi32>
        tpu.vector_store_idx %arg8[%shift_right_logical3A_151, %add3A_275], %get3A_272 : memref<128x128xf32, #tpu.memory_space<vmem>>[vector<16xi32>, vector<16xi32>], vector<16xf32>,
        %mul3A_276 = arith.constant 16 : i32
        %mul3A_277 = arith.muli %scan3A_144, %mul3A_276 : i32
        %multiple_of3A_278 = tpu.assume_multiple %mul3A_277, 16 : i32
        %get3A_279 = arith.constant 12 : i32
        %get3A_280 = arith.index_cast %get3A_279 : i32 to index
        %get3A_281 = arith.index_cast %multiple_of3A_278 : i32 to index
        %get3A_282 = tpu.vector_load %arg6[%get3A_280, %get3A_281] {strides = array<i32>} : memref<16x1024xf32, #tpu.memory_space<vmem>>, vector<16xf32>,
        %add3A_283 = arith.constant 12 : i32
        %add3A_284 = vector.broadcast %add3A_283 : i32 to vector<16xi32>
        %add3A_285 = arith.addi %mul3A_156, %add3A_284 : vector<16xi32>
        tpu.vector_store_idx %arg8[%shift_right_logical3A_151, %add3A_285], %get3A_282 : memref<128x128xf32, #tpu.memory_space<vmem>>[vector<16xi32>, vector<16xi32>], vector<16xf32>,
        %mul3A_286 = arith.constant 16 : i32
        %mul3A_287 = arith.muli %scan3A_144, %mul3A_286 : i32
        %multiple_of3A_288 = tpu.assume_multiple %mul3A_287, 16 : i32
        %get3A_289 = arith.constant 13 : i32
        %get3A_290 = arith.index_cast %get3A_289 : i32 to index
        %get3A_291 = arith.index_cast %multiple_of3A_288 : i32 to index
        %get3A_292 = tpu.vector_load %arg6[%get3A_290, %get3A_291] {strides = array<i32>} : memref<16x1024xf32, #tpu.memory_space<vmem>>, vector<16xf32>,
        %add3A_293 = arith.constant 13 : i32
        %add3A_294 = vector.broadcast %add3A_293 : i32 to vector<16xi32>
        %add3A_295 = arith.addi %mul3A_156, %add3A_294 : vector<16xi32>
        tpu.vector_store_idx %arg8[%shift_right_logical3A_151, %add3A_295], %get3A_292 : memref<128x128xf32, #tpu.memory_space<vmem>>[vector<16xi32>, vector<16xi32>], vector<16xf32>,
        %mul3A_296 = arith.constant 16 : i32
        %mul3A_297 = arith.muli %scan3A_144, %mul3A_296 : i32
        %multiple_of3A_298 = tpu.assume_multiple %mul3A_297, 16 : i32
        %get3A_299 = arith.constant 14 : i32
        %get3A_300 = arith.index_cast %get3A_299 : i32 to index
        %get3A_301 = arith.index_cast %multiple_of3A_298 : i32 to index
        %get3A_302 = tpu.vector_load %arg6[%get3A_300, %get3A_301] {strides = array<i32>} : memref<16x1024xf32, #tpu.memory_space<vmem>>, vector<16xf32>,
        %add3A_303 = arith.constant 14 : i32
        %add3A_304 = vector.broadcast %add3A_303 : i32 to vector<16xi32>
        %add3A_305 = arith.addi %mul3A_156, %add3A_304 : vector<16xi32>
        tpu.vector_store_idx %arg8[%shift_right_logical3A_151, %add3A_305], %get3A_302 : memref<128x128xf32, #tpu.memory_space<vmem>>[vector<16xi32>, vector<16xi32>], vector<16xf32>,
        %mul3A_306 = arith.constant 16 : i32
        %mul3A_307 = arith.muli %scan3A_144, %mul3A_306 : i32
        %multiple_of3A_308 = tpu.assume_multiple %mul3A_307, 16 : i32
        %get3A_309 = arith.constant 15 : i32
        %get3A_310 = arith.index_cast %get3A_309 : i32 to index
        %get3A_311 = arith.index_cast %multiple_of3A_308 : i32 to index
        %get3A_312 = tpu.vector_load %arg6[%get3A_310, %get3A_311] {strides = array<i32>} : memref<16x1024xf32, #tpu.memory_space<vmem>>, vector<16xf32>,
        %add3A_313 = arith.constant 15 : i32
        %add3A_314 = vector.broadcast %add3A_313 : i32 to vector<16xi32>
        %add3A_315 = arith.addi %mul3A_156, %add3A_314 : vector<16xi32>
        tpu.vector_store_idx %arg8[%shift_right_logical3A_151, %add3A_315], %get3A_312 : memref<128x128xf32, #tpu.memory_space<vmem>>[vector<16xi32>, vector<16xi32>], vector<16xf32>,
      }
      %scan3A_84 = arith.constant 64 : i32
      %mul3A_85 = arith.constant 32 : i32
      %mul3A_86 = arith.muli %mul3A_52, %mul3A_85 : i32
      %add3A_87 = arith.addi %add3A, %mul3A_86 : i32
      %mul3A_88 = arith.constant 1024 : i32
      %mul3A_89 = arith.muli %add3A_87, %mul3A_88 : i32
      %min3A_90 = arith.constant 2598912 : i32
      %min3A_91 = arith.minsi %mul3A_89, %min3A_90 : i32
      %multiple_of3A_92 = tpu.assume_multiple %min3A_91, 128 : i32
      %shift_right_logical3A = arith.constant 3 : i32
      %shift_right_logical3A_93 = arith.shrui %multiple_of3A_92, %shift_right_logical3A : i32
      %multiple_of3A_94 = tpu.assume_multiple %shift_right_logical3A_93, 8 : i32
      "tpu.region"() ({
        %run_scoped3A = tpu.sem_alloc : memref<!tpu.dma_semaphore, #tpu.memory_space<semaphore_mem>>
        %dma_start3A_144 = arith.constant 0 : i32
        %dma_start3A_145 = tpu.memref_slice %arg4[%multiple_of3A_94, %dma_start3A_144] : memref<325000x128xf32, #tpu.memory_space<hbm>> -> memref<128x128xf32, #tpu.memory_space<hbm>>
        %dma_start3A_146 = arith.constant 0 : i32
        %dma_start3A_147 = tpu.memref_slice %arg4[%multiple_of3A_94, %dma_start3A_146] : memref<325000x128xf32, #tpu.memory_space<hbm>> -> memref<128x128xf32, #tpu.memory_space<hbm>>
        tpu.enqueue_dma source(%arg8 : memref<128x128xf32, #tpu.memory_space<vmem>>) target(%dma_start3A_147 : memref<128x128xf32, #tpu.memory_space<hbm>>) target_semaphore(%run_scoped3A : memref<!tpu.dma_semaphore, #tpu.memory_space<semaphore_mem>>)
        %dma_wait3A_148 = arith.constant 0 : i32
        %dma_wait3A_149 = tpu.memref_slice %arg4[%multiple_of3A_94, %dma_wait3A_148] : memref<325000x128xf32, #tpu.memory_space<hbm>> -> memref<128x128xf32, #tpu.memory_space<hbm>>
        %dma_wait3A_150 = arith.constant 0 : i32
        %dma_wait3A_151 = tpu.memref_slice %arg4[%multiple_of3A_94, %dma_wait3A_150] : memref<325000x128xf32, #tpu.memory_space<hbm>> -> memref<128x128xf32, #tpu.memory_space<hbm>>
        tpu.wait_dma2 semaphore(%run_scoped3A : memref<!tpu.dma_semaphore, #tpu.memory_space<semaphore_mem>>) src(%arg8 : memref<128x128xf32, #tpu.memory_space<vmem>>) dst(%dma_wait3A_151 : memref<128x128xf32, #tpu.memory_space<hbm>>)
        tpu.yield
      }) : () -> ()
      %add3A_95 = arith.constant 2 : i32
      %add3A_96 = arith.addi %mul3A_52, %add3A_95 : i32
      %mul3A_97 = arith.constant 32 : i32
      %mul3A_98 = arith.muli %add3A_96, %mul3A_97 : i32
      %add3A_99 = arith.addi %add3A, %mul3A_98 : i32
      %mul3A_100 = arith.constant 1024 : i32
      %mul3A_101 = arith.muli %add3A_99, %mul3A_100 : i32
      %min3A_102 = arith.constant 2598912 : i32
      %min3A_103 = arith.minsi %mul3A_101, %min3A_102 : i32
      %multiple_of3A_104 = tpu.assume_multiple %min3A_103, 128 : i32
      %dma_start3A_105 = arith.constant 0 : i32
      %dma_start3A_106 = tpu.memref_slice %arg2[%dma_start3A_105, %multiple_of3A_104] : memref<16x2600000xf32, #tpu.memory_space<hbm>> -> memref<16x1024xf32, #tpu.memory_space<hbm>>
      %dma_start3A_107 = arith.constant 0 : i32
      %dma_start3A_108 = tpu.memref_slice %arg2[%dma_start3A_107, %multiple_of3A_104] : memref<16x2600000xf32, #tpu.memory_space<hbm>> -> memref<16x1024xf32, #tpu.memory_space<hbm>>
      tpu.enqueue_dma source(%dma_start3A_108 : memref<16x1024xf32, #tpu.memory_space<hbm>>) target(%arg6 : memref<16x1024xf32, #tpu.memory_space<vmem>>) target_semaphore(%arg11 : memref<!tpu.dma_semaphore, #tpu.memory_space<semaphore_mem>>)
      %dma_wait3A_109 = arith.constant 0 : i32
      %dma_wait3A_110 = tpu.memref_slice %arg2[%dma_wait3A_109, %multiple_of3A_62] : memref<16x2600000xf32, #tpu.memory_space<hbm>> -> memref<16x1024xf32, #tpu.memory_space<hbm>>
      %dma_wait3A_111 = arith.constant 0 : i32
      %dma_wait3A_112 = tpu.memref_slice %arg2[%dma_wait3A_111, %multiple_of3A_62] : memref<16x2600000xf32, #tpu.memory_space<hbm>> -> memref<16x1024xf32, #tpu.memory_space<hbm>>
      tpu.wait_dma2 semaphore(%arg12 : memref<!tpu.dma_semaphore, #tpu.memory_space<semaphore_mem>>) src(%dma_wait3A_112 : memref<16x1024xf32, #tpu.memory_space<hbm>>) dst(%arg7 : memref<16x1024xf32, #tpu.memory_space<vmem>>)
      %add3A_113 = arith.constant 1 : i32
      %add3A_114 = arith.addi %mul3A_52, %add3A_113 : i32
      %scan3A_115 = arith.constant 0 : i32
      %scan3A_116 = arith.constant 0 : i32
      %scan3A_117 = arith.constant 64 : i32
      %scan3A_118 = arith.addi %scan3A_116, %scan3A_117 : i32
      %scan3A_119 = arith.constant 1 : i32
      scf.for %scan3A_144 = %scan3A_116 to %scan3A_118 step %scan3A_119  : i32 {
        %mul3A_145 = arith.constant 16 : i32
        %mul3A_146 = arith.muli %scan3A_144, %mul3A_145 : i32
        %add3A_147 = vector.broadcast %mul3A_146 : i32 to vector<16xi32>
        %add3A_148 = arith.addi %iota3A, %add3A_147 : vector<16xi32>
        %shift_right_logical3A_149 = arith.constant 3 : i32
        %shift_right_logical3A_150 = vector.broadcast %shift_right_logical3A_149 : i32 to vector<16xi32>
        %shift_right_logical3A_151 = arith.shrui %add3A_148, %shift_right_logical3A_150 : vector<16xi32>
        %and3A = arith.constant 7 : i32
        %and3A_152 = vector.broadcast %and3A : i32 to vector<16xi32>
        %and3A_153 = arith.andi %add3A_148, %and3A_152 : vector<16xi32>
        %mul3A_154 = arith.constant 16 : i32
        %mul3A_155 = vector.broadcast %mul3A_154 : i32 to vector<16xi32>
        %mul3A_156 = arith.muli %and3A_153, %mul3A_155 : vector<16xi32>
        %mul3A_157 = arith.constant 16 : i32
        %mul3A_158 = arith.muli %scan3A_144, %mul3A_157 : i32
        %multiple_of3A_159 = tpu.assume_multiple %mul3A_158, 16 : i32
        %get3A = arith.constant 0 : i32
        %get3A_160 = arith.index_cast %get3A : i32 to index
        %get3A_161 = arith.index_cast %multiple_of3A_159 : i32 to index
        %get3A_162 = tpu.vector_load %arg7[%get3A_160, %get3A_161] {strides = array<i32>} : memref<16x1024xf32, #tpu.memory_space<vmem>>, vector<16xf32>,
        %add3A_163 = arith.constant 0 : i32
        %add3A_164 = vector.broadcast %add3A_163 : i32 to vector<16xi32>
        %add3A_165 = arith.addi %mul3A_156, %add3A_164 : vector<16xi32>
        tpu.vector_store_idx %arg9[%shift_right_logical3A_151, %add3A_165], %get3A_162 : memref<128x128xf32, #tpu.memory_space<vmem>>[vector<16xi32>, vector<16xi32>], vector<16xf32>,
        %mul3A_166 = arith.constant 16 : i32
        %mul3A_167 = arith.muli %scan3A_144, %mul3A_166 : i32
        %multiple_of3A_168 = tpu.assume_multiple %mul3A_167, 16 : i32
        %get3A_169 = arith.constant 1 : i32
        %get3A_170 = arith.index_cast %get3A_169 : i32 to index
        %get3A_171 = arith.index_cast %multiple_of3A_168 : i32 to index
        %get3A_172 = tpu.vector_load %arg7[%get3A_170, %get3A_171] {strides = array<i32>} : memref<16x1024xf32, #tpu.memory_space<vmem>>, vector<16xf32>,
        %add3A_173 = arith.constant 1 : i32
        %add3A_174 = vector.broadcast %add3A_173 : i32 to vector<16xi32>
        %add3A_175 = arith.addi %mul3A_156, %add3A_174 : vector<16xi32>
        tpu.vector_store_idx %arg9[%shift_right_logical3A_151, %add3A_175], %get3A_172 : memref<128x128xf32, #tpu.memory_space<vmem>>[vector<16xi32>, vector<16xi32>], vector<16xf32>,
        %mul3A_176 = arith.constant 16 : i32
        %mul3A_177 = arith.muli %scan3A_144, %mul3A_176 : i32
        %multiple_of3A_178 = tpu.assume_multiple %mul3A_177, 16 : i32
        %get3A_179 = arith.constant 2 : i32
        %get3A_180 = arith.index_cast %get3A_179 : i32 to index
        %get3A_181 = arith.index_cast %multiple_of3A_178 : i32 to index
        %get3A_182 = tpu.vector_load %arg7[%get3A_180, %get3A_181] {strides = array<i32>} : memref<16x1024xf32, #tpu.memory_space<vmem>>, vector<16xf32>,
        %add3A_183 = arith.constant 2 : i32
        %add3A_184 = vector.broadcast %add3A_183 : i32 to vector<16xi32>
        %add3A_185 = arith.addi %mul3A_156, %add3A_184 : vector<16xi32>
        tpu.vector_store_idx %arg9[%shift_right_logical3A_151, %add3A_185], %get3A_182 : memref<128x128xf32, #tpu.memory_space<vmem>>[vector<16xi32>, vector<16xi32>], vector<16xf32>,
        %mul3A_186 = arith.constant 16 : i32
        %mul3A_187 = arith.muli %scan3A_144, %mul3A_186 : i32
        %multiple_of3A_188 = tpu.assume_multiple %mul3A_187, 16 : i32
        %get3A_189 = arith.constant 3 : i32
        %get3A_190 = arith.index_cast %get3A_189 : i32 to index
        %get3A_191 = arith.index_cast %multiple_of3A_188 : i32 to index
        %get3A_192 = tpu.vector_load %arg7[%get3A_190, %get3A_191] {strides = array<i32>} : memref<16x1024xf32, #tpu.memory_space<vmem>>, vector<16xf32>,
        %add3A_193 = arith.constant 3 : i32
        %add3A_194 = vector.broadcast %add3A_193 : i32 to vector<16xi32>
        %add3A_195 = arith.addi %mul3A_156, %add3A_194 : vector<16xi32>
        tpu.vector_store_idx %arg9[%shift_right_logical3A_151, %add3A_195], %get3A_192 : memref<128x128xf32, #tpu.memory_space<vmem>>[vector<16xi32>, vector<16xi32>], vector<16xf32>,
        %mul3A_196 = arith.constant 16 : i32
        %mul3A_197 = arith.muli %scan3A_144, %mul3A_196 : i32
        %multiple_of3A_198 = tpu.assume_multiple %mul3A_197, 16 : i32
        %get3A_199 = arith.constant 4 : i32
        %get3A_200 = arith.index_cast %get3A_199 : i32 to index
        %get3A_201 = arith.index_cast %multiple_of3A_198 : i32 to index
        %get3A_202 = tpu.vector_load %arg7[%get3A_200, %get3A_201] {strides = array<i32>} : memref<16x1024xf32, #tpu.memory_space<vmem>>, vector<16xf32>,
        %add3A_203 = arith.constant 4 : i32
        %add3A_204 = vector.broadcast %add3A_203 : i32 to vector<16xi32>
        %add3A_205 = arith.addi %mul3A_156, %add3A_204 : vector<16xi32>
        tpu.vector_store_idx %arg9[%shift_right_logical3A_151, %add3A_205], %get3A_202 : memref<128x128xf32, #tpu.memory_space<vmem>>[vector<16xi32>, vector<16xi32>], vector<16xf32>,
        %mul3A_206 = arith.constant 16 : i32
        %mul3A_207 = arith.muli %scan3A_144, %mul3A_206 : i32
        %multiple_of3A_208 = tpu.assume_multiple %mul3A_207, 16 : i32
        %get3A_209 = arith.constant 5 : i32
        %get3A_210 = arith.index_cast %get3A_209 : i32 to index
        %get3A_211 = arith.index_cast %multiple_of3A_208 : i32 to index
        %get3A_212 = tpu.vector_load %arg7[%get3A_210, %get3A_211] {strides = array<i32>} : memref<16x1024xf32, #tpu.memory_space<vmem>>, vector<16xf32>,
        %add3A_213 = arith.constant 5 : i32
        %add3A_214 = vector.broadcast %add3A_213 : i32 to vector<16xi32>
        %add3A_215 = arith.addi %mul3A_156, %add3A_214 : vector<16xi32>
        tpu.vector_store_idx %arg9[%shift_right_logical3A_151, %add3A_215], %get3A_212 : memref<128x128xf32, #tpu.memory_space<vmem>>[vector<16xi32>, vector<16xi32>], vector<16xf32>,
        %mul3A_216 = arith.constant 16 : i32
        %mul3A_217 = arith.muli %scan3A_144, %mul3A_216 : i32
        %multiple_of3A_218 = tpu.assume_multiple %mul3A_217, 16 : i32
        %get3A_219 = arith.constant 6 : i32
        %get3A_220 = arith.index_cast %get3A_219 : i32 to index
        %get3A_221 = arith.index_cast %multiple_of3A_218 : i32 to index
        %get3A_222 = tpu.vector_load %arg7[%get3A_220, %get3A_221] {strides = array<i32>} : memref<16x1024xf32, #tpu.memory_space<vmem>>, vector<16xf32>,
        %add3A_223 = arith.constant 6 : i32
        %add3A_224 = vector.broadcast %add3A_223 : i32 to vector<16xi32>
        %add3A_225 = arith.addi %mul3A_156, %add3A_224 : vector<16xi32>
        tpu.vector_store_idx %arg9[%shift_right_logical3A_151, %add3A_225], %get3A_222 : memref<128x128xf32, #tpu.memory_space<vmem>>[vector<16xi32>, vector<16xi32>], vector<16xf32>,
        %mul3A_226 = arith.constant 16 : i32
        %mul3A_227 = arith.muli %scan3A_144, %mul3A_226 : i32
        %multiple_of3A_228 = tpu.assume_multiple %mul3A_227, 16 : i32
        %get3A_229 = arith.constant 7 : i32
        %get3A_230 = arith.index_cast %get3A_229 : i32 to index
        %get3A_231 = arith.index_cast %multiple_of3A_228 : i32 to index
        %get3A_232 = tpu.vector_load %arg7[%get3A_230, %get3A_231] {strides = array<i32>} : memref<16x1024xf32, #tpu.memory_space<vmem>>, vector<16xf32>,
        %add3A_233 = arith.constant 7 : i32
        %add3A_234 = vector.broadcast %add3A_233 : i32 to vector<16xi32>
        %add3A_235 = arith.addi %mul3A_156, %add3A_234 : vector<16xi32>
        tpu.vector_store_idx %arg9[%shift_right_logical3A_151, %add3A_235], %get3A_232 : memref<128x128xf32, #tpu.memory_space<vmem>>[vector<16xi32>, vector<16xi32>], vector<16xf32>,
        %mul3A_236 = arith.constant 16 : i32
        %mul3A_237 = arith.muli %scan3A_144, %mul3A_236 : i32
        %multiple_of3A_238 = tpu.assume_multiple %mul3A_237, 16 : i32
        %get3A_239 = arith.constant 8 : i32
        %get3A_240 = arith.index_cast %get3A_239 : i32 to index
        %get3A_241 = arith.index_cast %multiple_of3A_238 : i32 to index
        %get3A_242 = tpu.vector_load %arg7[%get3A_240, %get3A_241] {strides = array<i32>} : memref<16x1024xf32, #tpu.memory_space<vmem>>, vector<16xf32>,
        %add3A_243 = arith.constant 8 : i32
        %add3A_244 = vector.broadcast %add3A_243 : i32 to vector<16xi32>
        %add3A_245 = arith.addi %mul3A_156, %add3A_244 : vector<16xi32>
        tpu.vector_store_idx %arg9[%shift_right_logical3A_151, %add3A_245], %get3A_242 : memref<128x128xf32, #tpu.memory_space<vmem>>[vector<16xi32>, vector<16xi32>], vector<16xf32>,
        %mul3A_246 = arith.constant 16 : i32
        %mul3A_247 = arith.muli %scan3A_144, %mul3A_246 : i32
        %multiple_of3A_248 = tpu.assume_multiple %mul3A_247, 16 : i32
        %get3A_249 = arith.constant 9 : i32
        %get3A_250 = arith.index_cast %get3A_249 : i32 to index
        %get3A_251 = arith.index_cast %multiple_of3A_248 : i32 to index
        %get3A_252 = tpu.vector_load %arg7[%get3A_250, %get3A_251] {strides = array<i32>} : memref<16x1024xf32, #tpu.memory_space<vmem>>, vector<16xf32>,
        %add3A_253 = arith.constant 9 : i32
        %add3A_254 = vector.broadcast %add3A_253 : i32 to vector<16xi32>
        %add3A_255 = arith.addi %mul3A_156, %add3A_254 : vector<16xi32>
        tpu.vector_store_idx %arg9[%shift_right_logical3A_151, %add3A_255], %get3A_252 : memref<128x128xf32, #tpu.memory_space<vmem>>[vector<16xi32>, vector<16xi32>], vector<16xf32>,
        %mul3A_256 = arith.constant 16 : i32
        %mul3A_257 = arith.muli %scan3A_144, %mul3A_256 : i32
        %multiple_of3A_258 = tpu.assume_multiple %mul3A_257, 16 : i32
        %get3A_259 = arith.constant 10 : i32
        %get3A_260 = arith.index_cast %get3A_259 : i32 to index
        %get3A_261 = arith.index_cast %multiple_of3A_258 : i32 to index
        %get3A_262 = tpu.vector_load %arg7[%get3A_260, %get3A_261] {strides = array<i32>} : memref<16x1024xf32, #tpu.memory_space<vmem>>, vector<16xf32>,
        %add3A_263 = arith.constant 10 : i32
        %add3A_264 = vector.broadcast %add3A_263 : i32 to vector<16xi32>
        %add3A_265 = arith.addi %mul3A_156, %add3A_264 : vector<16xi32>
        tpu.vector_store_idx %arg9[%shift_right_logical3A_151, %add3A_265], %get3A_262 : memref<128x128xf32, #tpu.memory_space<vmem>>[vector<16xi32>, vector<16xi32>], vector<16xf32>,
        %mul3A_266 = arith.constant 16 : i32
        %mul3A_267 = arith.muli %scan3A_144, %mul3A_266 : i32
        %multiple_of3A_268 = tpu.assume_multiple %mul3A_267, 16 : i32
        %get3A_269 = arith.constant 11 : i32
        %get3A_270 = arith.index_cast %get3A_269 : i32 to index
        %get3A_271 = arith.index_cast %multiple_of3A_268 : i32 to index
        %get3A_272 = tpu.vector_load %arg7[%get3A_270, %get3A_271] {strides = array<i32>} : memref<16x1024xf32, #tpu.memory_space<vmem>>, vector<16xf32>,
        %add3A_273 = arith.constant 11 : i32
        %add3A_274 = vector.broadcast %add3A_273 : i32 to vector<16xi32>
        %add3A_275 = arith.addi %mul3A_156, %add3A_274 : vector<16xi32>
        tpu.vector_store_idx %arg9[%shift_right_logical3A_151, %add3A_275], %get3A_272 : memref<128x128xf32, #tpu.memory_space<vmem>>[vector<16xi32>, vector<16xi32>], vector<16xf32>,
        %mul3A_276 = arith.constant 16 : i32
        %mul3A_277 = arith.muli %scan3A_144, %mul3A_276 : i32
        %multiple_of3A_278 = tpu.assume_multiple %mul3A_277, 16 : i32
        %get3A_279 = arith.constant 12 : i32
        %get3A_280 = arith.index_cast %get3A_279 : i32 to index
        %get3A_281 = arith.index_cast %multiple_of3A_278 : i32 to index
        %get3A_282 = tpu.vector_load %arg7[%get3A_280, %get3A_281] {strides = array<i32>} : memref<16x1024xf32, #tpu.memory_space<vmem>>, vector<16xf32>,
        %add3A_283 = arith.constant 12 : i32
        %add3A_284 = vector.broadcast %add3A_283 : i32 to vector<16xi32>
        %add3A_285 = arith.addi %mul3A_156, %add3A_284 : vector<16xi32>
        tpu.vector_store_idx %arg9[%shift_right_logical3A_151, %add3A_285], %get3A_282 : memref<128x128xf32, #tpu.memory_space<vmem>>[vector<16xi32>, vector<16xi32>], vector<16xf32>,
        %mul3A_286 = arith.constant 16 : i32
        %mul3A_287 = arith.muli %scan3A_144, %mul3A_286 : i32
        %multiple_of3A_288 = tpu.assume_multiple %mul3A_287, 16 : i32
        %get3A_289 = arith.constant 13 : i32
        %get3A_290 = arith.index_cast %get3A_289 : i32 to index
        %get3A_291 = arith.index_cast %multiple_of3A_288 : i32 to index
        %get3A_292 = tpu.vector_load %arg7[%get3A_290, %get3A_291] {strides = array<i32>} : memref<16x1024xf32, #tpu.memory_space<vmem>>, vector<16xf32>,
        %add3A_293 = arith.constant 13 : i32
        %add3A_294 = vector.broadcast %add3A_293 : i32 to vector<16xi32>
        %add3A_295 = arith.addi %mul3A_156, %add3A_294 : vector<16xi32>
        tpu.vector_store_idx %arg9[%shift_right_logical3A_151, %add3A_295], %get3A_292 : memref<128x128xf32, #tpu.memory_space<vmem>>[vector<16xi32>, vector<16xi32>], vector<16xf32>,
        %mul3A_296 = arith.constant 16 : i32
        %mul3A_297 = arith.muli %scan3A_144, %mul3A_296 : i32
        %multiple_of3A_298 = tpu.assume_multiple %mul3A_297, 16 : i32
        %get3A_299 = arith.constant 14 : i32
        %get3A_300 = arith.index_cast %get3A_299 : i32 to index
        %get3A_301 = arith.index_cast %multiple_of3A_298 : i32 to index
        %get3A_302 = tpu.vector_load %arg7[%get3A_300, %get3A_301] {strides = array<i32>} : memref<16x1024xf32, #tpu.memory_space<vmem>>, vector<16xf32>,
        %add3A_303 = arith.constant 14 : i32
        %add3A_304 = vector.broadcast %add3A_303 : i32 to vector<16xi32>
        %add3A_305 = arith.addi %mul3A_156, %add3A_304 : vector<16xi32>
        tpu.vector_store_idx %arg9[%shift_right_logical3A_151, %add3A_305], %get3A_302 : memref<128x128xf32, #tpu.memory_space<vmem>>[vector<16xi32>, vector<16xi32>], vector<16xf32>,
        %mul3A_306 = arith.constant 16 : i32
        %mul3A_307 = arith.muli %scan3A_144, %mul3A_306 : i32
        %multiple_of3A_308 = tpu.assume_multiple %mul3A_307, 16 : i32
        %get3A_309 = arith.constant 15 : i32
        %get3A_310 = arith.index_cast %get3A_309 : i32 to index
        %get3A_311 = arith.index_cast %multiple_of3A_308 : i32 to index
        %get3A_312 = tpu.vector_load %arg7[%get3A_310, %get3A_311] {strides = array<i32>} : memref<16x1024xf32, #tpu.memory_space<vmem>>, vector<16xf32>,
        %add3A_313 = arith.constant 15 : i32
        %add3A_314 = vector.broadcast %add3A_313 : i32 to vector<16xi32>
        %add3A_315 = arith.addi %mul3A_156, %add3A_314 : vector<16xi32>
        tpu.vector_store_idx %arg9[%shift_right_logical3A_151, %add3A_315], %get3A_312 : memref<128x128xf32, #tpu.memory_space<vmem>>[vector<16xi32>, vector<16xi32>], vector<16xf32>,
      }
      %scan3A_120 = arith.constant 64 : i32
      %mul3A_121 = arith.constant 32 : i32
      %mul3A_122 = arith.muli %add3A_114, %mul3A_121 : i32
      %add3A_123 = arith.addi %add3A, %mul3A_122 : i32
      %mul3A_124 = arith.constant 1024 : i32
      %mul3A_125 = arith.muli %add3A_123, %mul3A_124 : i32
      %min3A_126 = arith.constant 2598912 : i32
      %min3A_127 = arith.minsi %mul3A_125, %min3A_126 : i32
      %multiple_of3A_128 = tpu.assume_multiple %min3A_127, 128 : i32
      %shift_right_logical3A_129 = arith.constant 3 : i32
      %shift_right_logical3A_130 = arith.shrui %multiple_of3A_128, %shift_right_logical3A_129 : i32
      %multiple_of3A_131 = tpu.assume_multiple %shift_right_logical3A_130, 8 : i32
      "tpu.region"() ({
        %run_scoped3A = tpu.sem_alloc : memref<!tpu.dma_semaphore, #tpu.memory_space<semaphore_mem>>
        %dma_start3A_144 = arith.constant 0 : i32
        %dma_start3A_145 = tpu.memref_slice %arg4[%multiple_of3A_131, %dma_start3A_144] : memref<325000x128xf32, #tpu.memory_space<hbm>> -> memref<128x128xf32, #tpu.memory_space<hbm>>
        %dma_start3A_146 = arith.constant 0 : i32
        %dma_start3A_147 = tpu.memref_slice %arg4[%multiple_of3A_131, %dma_start3A_146] : memref<325000x128xf32, #tpu.memory_space<hbm>> -> memref<128x128xf32, #tpu.memory_space<hbm>>
        tpu.enqueue_dma source(%arg9 : memref<128x128xf32, #tpu.memory_space<vmem>>) target(%dma_start3A_147 : memref<128x128xf32, #tpu.memory_space<hbm>>) target_semaphore(%run_scoped3A : memref<!tpu.dma_semaphore, #tpu.memory_space<semaphore_mem>>)
        %dma_wait3A_148 = arith.constant 0 : i32
        %dma_wait3A_149 = tpu.memref_slice %arg4[%multiple_of3A_131, %dma_wait3A_148] : memref<325000x128xf32, #tpu.memory_space<hbm>> -> memref<128x128xf32, #tpu.memory_space<hbm>>
        %dma_wait3A_150 = arith.constant 0 : i32
        %dma_wait3A_151 = tpu.memref_slice %arg4[%multiple_of3A_131, %dma_wait3A_150] : memref<325000x128xf32, #tpu.memory_space<hbm>> -> memref<128x128xf32, #tpu.memory_space<hbm>>
        tpu.wait_dma2 semaphore(%run_scoped3A : memref<!tpu.dma_semaphore, #tpu.memory_space<semaphore_mem>>) src(%arg9 : memref<128x128xf32, #tpu.memory_space<vmem>>) dst(%dma_wait3A_151 : memref<128x128xf32, #tpu.memory_space<hbm>>)
        tpu.yield
      }) : () -> ()
      %eq3A = arith.constant 1 : i32
      %eq3A_132 = arith.cmpi eq, %scan3A_50, %eq3A : i32
      %convert_element_type3A = arith.extui %eq3A_132 : i1 to i32
      %cond3A = arith.constant 0 : i32
      %cond3A_133 = arith.cmpi ne, %convert_element_type3A, %cond3A : i32
      scf.if %cond3A_133 {
        %add3A_144 = arith.constant 0 : i32
        %add3A_145 = arith.addi %multiple_of3A, %add3A_144 : i32
        %multiple_of3A_146 = tpu.assume_multiple %add3A_145, 128 : i32
        %dma_wait3A_147 = arith.constant 0 : i32
        %dma_wait3A_148 = arith.constant 0 : i32
        %dma_wait3A_149 = tpu.memref_slice %arg10[%dma_wait3A_148] : memref<40960xf32, #tpu.memory_space<vmem>> -> memref<40960xf32, #tpu.memory_space<vmem>>
        %dma_wait3A_150 = tpu.memref_slice %arg3[%dma_wait3A_147, %multiple_of3A_146] : memref<1x2600000xf32, #tpu.memory_space<hbm>> -> memref<1x40960xf32, #tpu.memory_space<hbm>>
        %dma_wait3A_151 = tpu.memref_squeeze %dma_wait3A_150 : memref<1x40960xf32, #tpu.memory_space<hbm>> -> memref<40960xf32, #tpu.memory_space<hbm>>
        %dma_wait3A_152 = arith.constant 0 : i32
        %dma_wait3A_153 = tpu.memref_slice %arg10[%dma_wait3A_152] : memref<40960xf32, #tpu.memory_space<vmem>> -> memref<40960xf32, #tpu.memory_space<vmem>>
        %dma_wait3A_154 = tpu.memref_slice %arg3[%dma_wait3A_147, %multiple_of3A_146] : memref<1x2600000xf32, #tpu.memory_space<hbm>> -> memref<1x40960xf32, #tpu.memory_space<hbm>>
        %dma_wait3A_155 = tpu.memref_squeeze %dma_wait3A_154 : memref<1x40960xf32, #tpu.memory_space<hbm>> -> memref<40960xf32, #tpu.memory_space<hbm>>
        tpu.wait_dma2 semaphore(%arg13 : memref<!tpu.dma_semaphore, #tpu.memory_space<semaphore_mem>>) src(%dma_wait3A_155 : memref<40960xf32, #tpu.memory_space<hbm>>) dst(%dma_wait3A_153 : memref<40960xf32, #tpu.memory_space<vmem>>)
        %add3A_156 = arith.constant 0 : i32
        %add3A_157 = arith.addi %multiple_of3A, %add3A_156 : i32
        %multiple_of3A_158 = tpu.assume_multiple %add3A_157, 128 : i32
        %dma_start3A_159 = arith.constant 0 : i32
        %dma_start3A_160 = tpu.memref_slice %arg10[%dma_start3A_159] : memref<40960xf32, #tpu.memory_space<vmem>> -> memref<40960xf32, #tpu.memory_space<vmem>>
        %dma_start3A_161 = tpu.memref_slice %arg5[%multiple_of3A_158] : memref<2600000xf32, #tpu.memory_space<hbm>> -> memref<40960xf32, #tpu.memory_space<hbm>>
        %dma_start3A_162 = tpu.memref_slice %arg5[%multiple_of3A_158] : memref<2600000xf32, #tpu.memory_space<hbm>> -> memref<40960xf32, #tpu.memory_space<hbm>>
        %dma_start3A_163 = arith.constant 0 : i32
        %dma_start3A_164 = tpu.memref_slice %arg10[%dma_start3A_163] : memref<40960xf32, #tpu.memory_space<vmem>> -> memref<40960xf32, #tpu.memory_space<vmem>>
        tpu.enqueue_dma source(%dma_start3A_164 : memref<40960xf32, #tpu.memory_space<vmem>>) target(%dma_start3A_162 : memref<40960xf32, #tpu.memory_space<hbm>>) target_semaphore(%arg13 : memref<!tpu.dma_semaphore, #tpu.memory_space<semaphore_mem>>)
      } else {
      }
      %eq3A_134 = arith.constant 18 : i32
      %eq3A_135 = arith.cmpi eq, %scan3A_50, %eq3A_134 : i32
      %convert_element_type3A_136 = arith.extui %eq3A_135 : i1 to i32
      %cond3A_137 = arith.constant 0 : i32
      %cond3A_138 = arith.cmpi ne, %convert_element_type3A_136, %cond3A_137 : i32
      scf.if %cond3A_138 {
        %add3A_144 = arith.constant 0 : i32
        %add3A_145 = arith.addi %multiple_of3A, %add3A_144 : i32
        %multiple_of3A_146 = tpu.assume_multiple %add3A_145, 128 : i32
        %dma_wait3A_147 = arith.constant 0 : i32
        %dma_wait3A_148 = tpu.memref_slice %arg10[%dma_wait3A_147] : memref<40960xf32, #tpu.memory_space<vmem>> -> memref<40960xf32, #tpu.memory_space<vmem>>
        %dma_wait3A_149 = tpu.memref_slice %arg5[%multiple_of3A_146] : memref<2600000xf32, #tpu.memory_space<hbm>> -> memref<40960xf32, #tpu.memory_space<hbm>>
        %dma_wait3A_150 = tpu.memref_slice %arg5[%multiple_of3A_146] : memref<2600000xf32, #tpu.memory_space<hbm>> -> memref<40960xf32, #tpu.memory_space<hbm>>
        %dma_wait3A_151 = arith.constant 0 : i32
        %dma_wait3A_152 = tpu.memref_slice %arg10[%dma_wait3A_151] : memref<40960xf32, #tpu.memory_space<vmem>> -> memref<40960xf32, #tpu.memory_space<vmem>>
        tpu.wait_dma2 semaphore(%arg13 : memref<!tpu.dma_semaphore, #tpu.memory_space<semaphore_mem>>) src(%dma_wait3A_152 : memref<40960xf32, #tpu.memory_space<vmem>>) dst(%dma_wait3A_150 : memref<40960xf32, #tpu.memory_space<hbm>>)
        %add3A_153 = arith.constant 40960 : i32
        %add3A_154 = arith.addi %multiple_of3A, %add3A_153 : i32
        %multiple_of3A_155 = tpu.assume_multiple %add3A_154, 128 : i32
        %dma_start3A_156 = arith.constant 0 : i32
        %dma_start3A_157 = arith.constant 0 : i32
        %dma_start3A_158 = tpu.memref_slice %arg10[%dma_start3A_157] : memref<40960xf32, #tpu.memory_space<vmem>> -> memref<40320xf32, #tpu.memory_space<vmem>>
        %dma_start3A_159 = tpu.memref_slice %arg3[%dma_start3A_156, %multiple_of3A_155] : memref<1x2600000xf32, #tpu.memory_space<hbm>> -> memref<1x40320xf32, #tpu.memory_space<hbm>>
        %dma_start3A_160 = tpu.memref_squeeze %dma_start3A_159 : memref<1x40320xf32, #tpu.memory_space<hbm>> -> memref<40320xf32, #tpu.memory_space<hbm>>
        %dma_start3A_161 = arith.constant 0 : i32
        %dma_start3A_162 = tpu.memref_slice %arg10[%dma_start3A_161] : memref<40960xf32, #tpu.memory_space<vmem>> -> memref<40320xf32, #tpu.memory_space<vmem>>
        %dma_start3A_163 = tpu.memref_slice %arg3[%dma_start3A_156, %multiple_of3A_155] : memref<1x2600000xf32, #tpu.memory_space<hbm>> -> memref<1x40320xf32, #tpu.memory_space<hbm>>
        %dma_start3A_164 = tpu.memref_squeeze %dma_start3A_163 : memref<1x40320xf32, #tpu.memory_space<hbm>> -> memref<40320xf32, #tpu.memory_space<hbm>>
        tpu.enqueue_dma source(%dma_start3A_164 : memref<40320xf32, #tpu.memory_space<hbm>>) target(%dma_start3A_162 : memref<40320xf32, #tpu.memory_space<vmem>>) target_semaphore(%arg13 : memref<!tpu.dma_semaphore, #tpu.memory_space<semaphore_mem>>)
      } else {
      }
      %eq3A_139 = arith.constant 36 : i32
      %eq3A_140 = arith.cmpi eq, %scan3A_50, %eq3A_139 : i32
      %convert_element_type3A_141 = arith.extui %eq3A_140 : i1 to i32
      %cond3A_142 = arith.constant 0 : i32
      %cond3A_143 = arith.cmpi ne, %convert_element_type3A_141, %cond3A_142 : i32
      scf.if %cond3A_143 {
        %add3A_144 = arith.constant 40960 : i32
        %add3A_145 = arith.addi %multiple_of3A, %add3A_144 : i32
        %multiple_of3A_146 = tpu.assume_multiple %add3A_145, 128 : i32
        %dma_wait3A_147 = arith.constant 0 : i32
        %dma_wait3A_148 = arith.constant 0 : i32
        %dma_wait3A_149 = tpu.memref_slice %arg10[%dma_wait3A_148] : memref<40960xf32, #tpu.memory_space<vmem>> -> memref<40320xf32, #tpu.memory_space<vmem>>
        %dma_wait3A_150 = tpu.memref_slice %arg3[%dma_wait3A_147, %multiple_of3A_146] : memref<1x2600000xf32, #tpu.memory_space<hbm>> -> memref<1x40320xf32, #tpu.memory_space<hbm>>
        %dma_wait3A_151 = tpu.memref_squeeze %dma_wait3A_150 : memref<1x40320xf32, #tpu.memory_space<hbm>> -> memref<40320xf32, #tpu.memory_space<hbm>>
        %dma_wait3A_152 = arith.constant 0 : i32
        %dma_wait3A_153 = tpu.memref_slice %arg10[%dma_wait3A_152] : memref<40960xf32, #tpu.memory_space<vmem>> -> memref<40320xf32, #tpu.memory_space<vmem>>
        %dma_wait3A_154 = tpu.memref_slice %arg3[%dma_wait3A_147, %multiple_of3A_146] : memref<1x2600000xf32, #tpu.memory_space<hbm>> -> memref<1x40320xf32, #tpu.memory_space<hbm>>
        %dma_wait3A_155 = tpu.memref_squeeze %dma_wait3A_154 : memref<1x40320xf32, #tpu.memory_space<hbm>> -> memref<40320xf32, #tpu.memory_space<hbm>>
        tpu.wait_dma2 semaphore(%arg13 : memref<!tpu.dma_semaphore, #tpu.memory_space<semaphore_mem>>) src(%dma_wait3A_155 : memref<40320xf32, #tpu.memory_space<hbm>>) dst(%dma_wait3A_153 : memref<40320xf32, #tpu.memory_space<vmem>>)
        %add3A_156 = arith.constant 40960 : i32
        %add3A_157 = arith.addi %multiple_of3A, %add3A_156 : i32
        %multiple_of3A_158 = tpu.assume_multiple %add3A_157, 128 : i32
        %dma_start3A_159 = arith.constant 0 : i32
        %dma_start3A_160 = tpu.memref_slice %arg10[%dma_start3A_159] : memref<40960xf32, #tpu.memory_space<vmem>> -> memref<40320xf32, #tpu.memory_space<vmem>>
        %dma_start3A_161 = tpu.memref_slice %arg5[%multiple_of3A_158] : memref<2600000xf32, #tpu.memory_space<hbm>> -> memref<40320xf32, #tpu.memory_space<hbm>>
        %dma_start3A_162 = tpu.memref_slice %arg5[%multiple_of3A_158] : memref<2600000xf32, #tpu.memory_space<hbm>> -> memref<40320xf32, #tpu.memory_space<hbm>>
        %dma_start3A_163 = arith.constant 0 : i32
        %dma_start3A_164 = tpu.memref_slice %arg10[%dma_start3A_163] : memref<40960xf32, #tpu.memory_space<vmem>> -> memref<40320xf32, #tpu.memory_space<vmem>>
        tpu.enqueue_dma source(%dma_start3A_164 : memref<40320xf32, #tpu.memory_space<vmem>>) target(%dma_start3A_162 : memref<40320xf32, #tpu.memory_space<hbm>>) target_semaphore(%arg13 : memref<!tpu.dma_semaphore, #tpu.memory_space<semaphore_mem>>)
      } else {
      }
    }
    %scan3A_30 = arith.constant 40 : i32
    %add3A_31 = arith.constant 40960 : i32
    %add3A_32 = arith.addi %multiple_of3A, %add3A_31 : i32
    %multiple_of3A_33 = tpu.assume_multiple %add3A_32, 128 : i32
    %dma_wait3A = arith.constant 0 : i32
    %dma_wait3A_34 = tpu.memref_slice %arg10[%dma_wait3A] : memref<40960xf32, #tpu.memory_space<vmem>> -> memref<40320xf32, #tpu.memory_space<vmem>>
    %dma_wait3A_35 = tpu.memref_slice %arg5[%multiple_of3A_33] : memref<2600000xf32, #tpu.memory_space<hbm>> -> memref<40320xf32, #tpu.memory_space<hbm>>
    %dma_wait3A_36 = tpu.memref_slice %arg5[%multiple_of3A_33] : memref<2600000xf32, #tpu.memory_space<hbm>> -> memref<40320xf32, #tpu.memory_space<hbm>>
    %dma_wait3A_37 = arith.constant 0 : i32
    %dma_wait3A_38 = tpu.memref_slice %arg10[%dma_wait3A_37] : memref<40960xf32, #tpu.memory_space<vmem>> -> memref<40320xf32, #tpu.memory_space<vmem>>
    tpu.wait_dma2 semaphore(%arg13 : memref<!tpu.dma_semaphore, #tpu.memory_space<semaphore_mem>>) src(%dma_wait3A_38 : memref<40320xf32, #tpu.memory_space<vmem>>) dst(%dma_wait3A_36 : memref<40320xf32, #tpu.memory_space<hbm>>)
    %add3A_39 = arith.constant 2560 : i32
    %add3A_40 = arith.addi %add3A, %add3A_39 : i32
    %mul3A_41 = arith.constant 1024 : i32
    %mul3A_42 = arith.muli %add3A_40, %mul3A_41 : i32
    %min3A_43 = arith.constant 2598912 : i32
    %min3A_44 = arith.minsi %mul3A_42, %min3A_43 : i32
    %multiple_of3A_45 = tpu.assume_multiple %min3A_44, 128 : i32
    %dma_wait3A_46 = arith.constant 0 : i32
    %dma_wait3A_47 = tpu.memref_slice %arg2[%dma_wait3A_46, %multiple_of3A_45] : memref<16x2600000xf32, #tpu.memory_space<hbm>> -> memref<16x1024xf32, #tpu.memory_space<hbm>>
    %dma_wait3A_48 = arith.constant 0 : i32
    %dma_wait3A_49 = tpu.memref_slice %arg2[%dma_wait3A_48, %multiple_of3A_45] : memref<16x2600000xf32, #tpu.memory_space<hbm>> -> memref<16x1024xf32, #tpu.memory_space<hbm>>
    tpu.wait_dma2 semaphore(%arg11 : memref<!tpu.dma_semaphore, #tpu.memory_space<semaphore_mem>>) src(%dma_wait3A_49 : memref<16x1024xf32, #tpu.memory_space<hbm>>) dst(%arg6 : memref<16x1024xf32, #tpu.memory_space<vmem>>)
    return
  }
}

module attributes {stable_mosaic.version = 14 : i64} {
  func.func @_tc_body(%arg0: i32, %arg1: memref<1024x512xf32, #tpu.memory_space<vmem>>, %arg2: memref<512x256xf32, #tpu.memory_space<vmem>>, %arg3: memref<1x256xf32, #tpu.memory_space<vmem>>, %arg4: memref<256x128xf32, #tpu.memory_space<vmem>>, %arg5: memref<1x128xf32, #tpu.memory_space<vmem>>, %arg6: memref<128x1xf32, #tpu.memory_space<vmem>>, %arg7: memref<1x1xf32, #tpu.memory_space<vmem>>, %arg8: memref<512x16xf32, #tpu.memory_space<vmem>>, %arg9: memref<512x2xf32, #tpu.memory_space<vmem>>, %arg10: memref<1024x1xf32, #tpu.memory_space<vmem>>) attributes {dimension_semantics = [#tpu.dimension_semantics<arbitrary>], iteration_bounds = array<i64: 16>, scalar_prefetch = 0 : i64, scratch_operands = 0 : i64, tpu.core_type = #tpu.core_type<tc>, window_params = [{transform_indices = @transform_0, window_bounds = array<i64: 1024, 512>}, {pipeline_mode = #tpu.pipeline_mode<synchronous>, transform_indices = @transform_1, window_bounds = array<i64: 512, 256>}, {pipeline_mode = #tpu.pipeline_mode<synchronous>, transform_indices = @transform_2, window_bounds = array<i64: 1, 256>}, {pipeline_mode = #tpu.pipeline_mode<synchronous>, transform_indices = @transform_3, window_bounds = array<i64: 256, 128>}, {pipeline_mode = #tpu.pipeline_mode<synchronous>, transform_indices = @transform_4, window_bounds = array<i64: 1, 128>}, {pipeline_mode = #tpu.pipeline_mode<synchronous>, transform_indices = @transform_5, window_bounds = array<i64: 128, 1>}, {pipeline_mode = #tpu.pipeline_mode<synchronous>, transform_indices = @transform_6, window_bounds = array<i64: 1, 1>}, {pipeline_mode = #tpu.pipeline_mode<synchronous>, transform_indices = @transform_7, window_bounds = array<i64: 512, 16>}, {pipeline_mode = #tpu.pipeline_mode<synchronous>, transform_indices = @transform_8, window_bounds = array<i64: 512, 2>}, {transform_indices = @transform_9, window_bounds = array<i64: 1024, 1>}]} {
    %get3A = arith.constant 0 : index
    %get3A_0 = arith.constant 0 : index
    %get3A_1 = vector.load %arg1[%get3A, %get3A_0] : memref<1024x512xf32, #tpu.memory_space<vmem>>, vector<1024x512xf32>
    %get3A_2 = arith.constant 0 : index
    %get3A_3 = arith.constant 0 : index
    %get3A_4 = vector.load %arg8[%get3A_2, %get3A_3] : memref<512x16xf32, #tpu.memory_space<vmem>>, vector<512x16xf32>
    %dot_general3A = arith.constant dense<0.000000e+00> : vector<1024x16xf32>
    %dot_general3A_5 = tpu.matmul %get3A_1, %get3A_4, %dot_general3A {dimension_numbers = #tpu.dot_dimension_numbers<[1], [0], [0], [1], [0, 0, 1, 1], [], []>, transpose_lhs_hint = false} : vector<1024x512xf32>, vector<512x16xf32>, vector<1024x16xf32> -> vector<1024x16xf32>
    %mul3A = arith.mulf %get3A_1, %get3A_1 : vector<1024x512xf32>
    %get3A_6 = arith.constant 0 : index
    %get3A_7 = arith.constant 0 : index
    %get3A_8 = vector.load %arg9[%get3A_6, %get3A_7] : memref<512x2xf32, #tpu.memory_space<vmem>>, vector<512x2xf32>
    %dot_general3A_9 = arith.constant dense<0.000000e+00> : vector<1024x2xf32>
    %dot_general3A_10 = tpu.matmul %mul3A, %get3A_8, %dot_general3A_9 {dimension_numbers = #tpu.dot_dimension_numbers<[1], [0], [0], [1], [0, 0, 1, 1], [], []>, transpose_lhs_hint = false} : vector<1024x512xf32>, vector<512x2xf32>, vector<1024x2xf32> -> vector<1024x2xf32>
    %get3A_11 = arith.constant 0 : index
    %get3A_12 = arith.constant 0 : index
    %get3A_13 = vector.load %arg9[%get3A_11, %get3A_12] : memref<512x2xf32, #tpu.memory_space<vmem>>, vector<512x2xf32>
    %dot_general3A_14 = arith.constant dense<0.000000e+00> : vector<1024x2xf32>
    %dot_general3A_15 = tpu.matmul %get3A_1, %get3A_13, %dot_general3A_14 {dimension_numbers = #tpu.dot_dimension_numbers<[1], [0], [0], [1], [0, 0, 1, 1], [], []>, transpose_lhs_hint = false} : vector<1024x512xf32>, vector<512x2xf32>, vector<1024x2xf32> -> vector<1024x2xf32>
    %slice3A = vector.extract_strided_slice %dot_general3A_10 {offsets = [0, 0], sizes = [1024, 1], strides = [1, 1]} : vector<1024x2xf32> to vector<1024x1xf32>
    %slice3A_16 = vector.extract_strided_slice %dot_general3A_15 {offsets = [0, 1], sizes = [1024, 1], strides = [1, 1]} : vector<1024x2xf32> to vector<1024x1xf32>
    %mul3A_17 = arith.mulf %dot_general3A_5, %dot_general3A_5 : vector<1024x16xf32>
    %reduce_sum3A = arith.constant dense<0.000000e+00> : vector<1024xf32>
    %reduce_sum3A_18 = vector.multi_reduction <add>, %mul3A_17, %reduce_sum3A [1] : vector<1024x16xf32> to vector<1024xf32>
    %broadcast_in_dim3A = vector.shape_cast %reduce_sum3A_18 : vector<1024xf32> to vector<1024x1xf32>
    %sub3A = arith.subf %broadcast_in_dim3A, %slice3A : vector<1024x1xf32>
    %mul3A_19 = arith.constant 5.000000e-01 : f32
    %mul3A_20 = vector.broadcast %mul3A_19 : f32 to vector<1024x1xf32>
    %mul3A_21 = arith.mulf %mul3A_20, %sub3A : vector<1024x1xf32>
    %get3A_22 = arith.constant 0 : index
    %get3A_23 = arith.constant 0 : index
    %get3A_24 = vector.load %arg2[%get3A_22, %get3A_23] : memref<512x256xf32, #tpu.memory_space<vmem>>, vector<512x256xf32>
    %dot_general3A_25 = arith.constant dense<0.000000e+00> : vector<1024x256xf32>
    %dot_general3A_26 = tpu.matmul %get3A_1, %get3A_24, %dot_general3A_25 {dimension_numbers = #tpu.dot_dimension_numbers<[1], [0], [0], [1], [0, 0, 1, 1], [], []>, transpose_lhs_hint = false} : vector<1024x512xf32>, vector<512x256xf32>, vector<1024x256xf32> -> vector<1024x256xf32>
    %get3A_27 = arith.constant 0 : index
    %get3A_28 = arith.constant 0 : index
    %get3A_29 = vector.load %arg3[%get3A_27, %get3A_28] : memref<1x256xf32, #tpu.memory_space<vmem>>, vector<1x256xf32>
    %add3A = vector.broadcast %get3A_29 : vector<1x256xf32> to vector<1024x256xf32>
    %add3A_30 = arith.addf %dot_general3A_26, %add3A : vector<1024x256xf32>
    %max3A = arith.constant 0.000000e+00 : f32
    %max3A_31 = vector.broadcast %max3A : f32 to vector<1024x256xf32>
    %max3A_32 = arith.maximumf %add3A_30, %max3A_31 : vector<1024x256xf32>
    %get3A_33 = arith.constant 0 : index
    %get3A_34 = arith.constant 0 : index
    %get3A_35 = vector.load %arg4[%get3A_33, %get3A_34] : memref<256x128xf32, #tpu.memory_space<vmem>>, vector<256x128xf32>
    %dot_general3A_36 = arith.constant dense<0.000000e+00> : vector<1024x128xf32>
    %dot_general3A_37 = tpu.matmul %max3A_32, %get3A_35, %dot_general3A_36 {dimension_numbers = #tpu.dot_dimension_numbers<[1], [0], [0], [1], [0, 0, 1, 1], [], []>, transpose_lhs_hint = false} : vector<1024x256xf32>, vector<256x128xf32>, vector<1024x128xf32> -> vector<1024x128xf32>
    %get3A_38 = arith.constant 0 : index
    %get3A_39 = arith.constant 0 : index
    %get3A_40 = vector.load %arg5[%get3A_38, %get3A_39] : memref<1x128xf32, #tpu.memory_space<vmem>>, vector<1x128xf32>
    %add3A_41 = vector.broadcast %get3A_40 : vector<1x128xf32> to vector<1024x128xf32>
    %add3A_42 = arith.addf %dot_general3A_37, %add3A_41 : vector<1024x128xf32>
    %max3A_43 = arith.constant 0.000000e+00 : f32
    %max3A_44 = vector.broadcast %max3A_43 : f32 to vector<1024x128xf32>
    %max3A_45 = arith.maximumf %add3A_42, %max3A_44 : vector<1024x128xf32>
    %get3A_46 = arith.constant 0 : index
    %get3A_47 = arith.constant 0 : index
    %get3A_48 = vector.load %arg6[%get3A_46, %get3A_47] : memref<128x1xf32, #tpu.memory_space<vmem>>, vector<128x1xf32>
    %dot_general3A_49 = arith.constant dense<0.000000e+00> : vector<1024x1xf32>
    %dot_general3A_50 = tpu.matmul %max3A_45, %get3A_48, %dot_general3A_49 {dimension_numbers = #tpu.dot_dimension_numbers<[1], [0], [0], [1], [0, 0, 1, 1], [], []>, transpose_lhs_hint = false} : vector<1024x128xf32>, vector<128x1xf32>, vector<1024x1xf32> -> vector<1024x1xf32>
    %add3A_51 = arith.addf %dot_general3A_50, %mul3A_21 : vector<1024x1xf32>
    %add3A_52 = arith.addf %add3A_51, %slice3A_16 : vector<1024x1xf32>
    %get3A_53 = arith.constant 0 : index
    %get3A_54 = arith.constant 0 : index
    %get3A_55 = vector.load %arg7[%get3A_53, %get3A_54] : memref<1x1xf32, #tpu.memory_space<vmem>>, vector<1x1xf32>
    %add3A_56 = vector.broadcast %get3A_55 : vector<1x1xf32> to vector<1024x1xf32>
    %add3A_57 = arith.addf %add3A_52, %add3A_56 : vector<1024x1xf32>
    %swap3A = arith.constant 0 : index
    %swap3A_58 = arith.constant 0 : index
    %swap3A_59 = vector.load %arg10[%swap3A, %swap3A_58] : memref<1024x1xf32, #tpu.memory_space<vmem>>, vector<1024x1xf32>
    tpu.vector_store %arg10[%swap3A, %swap3A_58], %add3A_57 {strides = array<i32>} : memref<1024x1xf32, #tpu.memory_space<vmem>>, vector<1024x1xf32>,
    return
  }
  func.func @transform_0(%arg0: i32) -> (i32, i32) {
    %c0_i32 = arith.constant 0 : i32
    %c0_i32_0 = arith.constant 0 : i32
    return %arg0, %c0_i32 : i32, i32
  }
  func.func @transform_1(%arg0: i32) -> (i32, i32) {
    %c0_i32 = arith.constant 0 : i32
    %c0_i32_0 = arith.constant 0 : i32
    %c0_i32_1 = arith.constant 0 : i32
    return %c0_i32, %c0_i32_0 : i32, i32
  }
  func.func @transform_2(%arg0: i32) -> (i32, i32) {
    %c0_i32 = arith.constant 0 : i32
    %c0_i32_0 = arith.constant 0 : i32
    %c0_i32_1 = arith.constant 0 : i32
    return %c0_i32, %c0_i32_0 : i32, i32
  }
  func.func @transform_3(%arg0: i32) -> (i32, i32) {
    %c0_i32 = arith.constant 0 : i32
    %c0_i32_0 = arith.constant 0 : i32
    %c0_i32_1 = arith.constant 0 : i32
    return %c0_i32, %c0_i32_0 : i32, i32
  }
  func.func @transform_4(%arg0: i32) -> (i32, i32) {
    %c0_i32 = arith.constant 0 : i32
    %c0_i32_0 = arith.constant 0 : i32
    %c0_i32_1 = arith.constant 0 : i32
    return %c0_i32, %c0_i32_0 : i32, i32
  }
  func.func @transform_5(%arg0: i32) -> (i32, i32) {
    %c0_i32 = arith.constant 0 : i32
    %c0_i32_0 = arith.constant 0 : i32
    %c0_i32_1 = arith.constant 0 : i32
    return %c0_i32, %c0_i32_0 : i32, i32
  }
  func.func @transform_6(%arg0: i32) -> (i32, i32) {
    %c0_i32 = arith.constant 0 : i32
    %c0_i32_0 = arith.constant 0 : i32
    %c0_i32_1 = arith.constant 0 : i32
    return %c0_i32, %c0_i32_0 : i32, i32
  }
  func.func @transform_7(%arg0: i32) -> (i32, i32) {
    %c0_i32 = arith.constant 0 : i32
    %c0_i32_0 = arith.constant 0 : i32
    %c0_i32_1 = arith.constant 0 : i32
    return %c0_i32, %c0_i32_0 : i32, i32
  }
  func.func @transform_8(%arg0: i32) -> (i32, i32) {
    %c0_i32 = arith.constant 0 : i32
    %c0_i32_0 = arith.constant 0 : i32
    %c0_i32_1 = arith.constant 0 : i32
    return %c0_i32, %c0_i32_0 : i32, i32
  }
  func.func @transform_9(%arg0: i32) -> (i32, i32) {
    %c0_i32 = arith.constant 0 : i32
    %c0_i32_0 = arith.constant 0 : i32
    return %arg0, %c0_i32 : i32, i32
  }
}

</mosaic_0001>

<sc_bundles>
// kernel: kernel.5.cloned.1.call-start
scs
__scs_entry_jumppad:
0x0: {  	(pc) =	sbr.rel $0x88, $3  }
0x1: {  	(tag) =	ssettag $0x0;
	lr =	simm.s32 $0x1  }
0x2: {  	[smem:$0x3F97] =	sst lr;
	_ =	strace $0xD0000000  }
0x3: {  	_ = 	snop  }
0x4: {  	_ = 	snop  }
0x5: {  	_ = 	snop  }
0x6: {  	_ = 	snop  }
0x7: {  	_ = 	snop  }
__scs_overlays_trampoline_lowered:
0x8: {  	[smem:$0x3FA6] =	sst s0  }
0x9: {  	[smem:$0x3FA7] =	sst s1  }
0xa: {  	[smem:$0x3FA8] =	sst s2  }
0xb: {  	[smem:$0x3FA9] =	sst s3  }
0xc: {  	[smem:$0x3FAA] =	sst s4  }
0xd: {  	[smem:$0x3FAB] =	sst s5  }
0xe: {  	[smem:$0x3FAC] =	sst s6  }
0xf: {  	[smem:$0x3FAD] =	sst s7  }
0x10: {  	[smem:$0x3FAE] =	sst s8  }
0x11: {  	[smem:$0x3FAF] =	sst s9;
	s0 =	simm.s32 @!p0 $0x0  }
0x12: {  	s1 =	sld [smem:$0x3F95];
	s0 =	simm.s32 @p0 $0x1  }
0x13: {  	[smem:$0x3FB0] =	sst s0;
	s0 =	simm.s32 @!p1 $0x0  }
0x14: {  	s2 =	sld [smem:$0x3F94];
	s0 =	simm.s32 @p1 $0x1  }
0x15: {  	[smem:$0x3FB1] =	sst s0;
	s0 =	simm.s32 @!p2 $0x0  }
0x16: {  	s3 =	sld [smem:$0x3FDB];
	s0 =	simm.s32 @p2 $0x1  }
0x17: {  	s4 =	simm.s32 $0x1BF5;
	[smem:$0x3FB3] =	sst s0  }
0x18: {  	s0 =	sld [smem:$0x3F96];
	_ =	swait.ge [sflag:s4], $0x0  }
0x19: {  	s7 =	sld [smem:$0x3F97]  }
0x1a: {  	s8 =	sadd.s32 $0xFFFFE003, lr  }
0x1b: {  	s9 =	sadd.s32 $0xFFFFFEF7, lr;
	s5 =	simm.s32 $0xFFFFFFFF;
	p2 =	slt.u32 s8, $0xFFFFF086  }
0x1c: {  	p1 =	slt.u32 s9, $0xF7A;
	s5 =	simm.s32 @!p2 $0x0  }
0x1d: {  	s5 =	simm.s32 @p1 $0x1;
	p0 =	seq.s32 s7, s2  }
0x1e: {  	s7 =	smul.u32 @!p0 $0xF7A, s2;
	p2 =	seq.s32 @!p0 s5, $0x0  }
0x1f: {  	s9 =	smul.u32 $0xF7A, s1;
	s8 =	simm.s32 @!p0 $0x1BF5;
	p2 =	por !p2, p0  }
0x20: {  	[sflag:s8] =	ssyncset.s32 @!p0 $0xFFFFF086;
	s6 =	sadd.s32 @!p0 s3, s7;
	s7 =	simm.s32 @!p0 $0x108  }
0x21: {  	s3 =	sadd.s32 s3, s9;
	s6 =	sadd.s32 @!p0 $0x88, s6;
	s7 =	simm.s32 @p2 $0x1082  }
0x22: {  	[simem:s7], [sflag:s8] =	dma.local @!p0 [hbm:s6], $0xF7A  }
0x23: {  	s9 =	sor.u32 $0xD0000000, s2;
	s6 =	simm.s32 $0x108;
	_ =	swait.ge @!p0 [sflag:s8], $0x0  }
0x24: {  	s3 =	sadd.s32 $0x88, s3;
	s6 =	simm.s32 @!p1 $0x1082;
	[sflag:s4] =	ssyncset.s32 $0xFFFFF086  }
0x25: {  	[simem:s6], [sflag:s4] =	dma.local [hbm:s3], $0xF7A  }
0x26: {  	[smem:$0x3F97] =	sst s1;
	(tag) =	ssettag s2;
	_ =	strace s9  }
0x27: {  	s1 =	sld [smem:$0x3FA7]  }
0x28: {  	s2 =	sld [smem:$0x3FA8]  }
0x29: {  	s4 =	sld [smem:$0x3FAA]  }
0x2a: {  	p0 =	seq.s32 s5, $0x0;
	s5 =	sld [smem:$0x3FAB]  }
0x2b: {  	s6 =	sld [smem:$0x3FAC]  }
0x2c: {  	s7 =	sld [smem:$0x3FAD]  }
0x2d: {  	s3 =	simm.s32 $0x108;
	s8 =	sld [smem:$0x3FAE]  }
0x2e: {  	s3 =	simm.s32 @!p0 $0x1082;
	s9 =	sld [smem:$0x3FAF]  }
0x2f: {  	lr =	sadd.s32 s0, s3;
	s0 =	sld [smem:$0x3FA6]  }
0x30: {  	s3 =	sld [smem:$0x3FA9]  }
0x31: {  	[smem:$0x3FB2] =	sst s10  }
0x32: {  	s10 =	sld [smem:$0x3FB0];
	_ =	sdelay $0x3  }
0x33: {  	p0 =	seq.s32 s10, $0x1;
	s10 =	sld [smem:$0x3FB2];
	_ =	sdelay $0x3  }
0x34: {  	[smem:$0x3FB2] =	sst s10  }
0x35: {  	s10 =	sld [smem:$0x3FB1];
	_ =	sdelay $0x3  }
0x36: {  	p1 =	seq.s32 s10, $0x1;
	s10 =	sld [smem:$0x3FB2];
	_ =	sdelay $0x3  }
0x37: {  	[smem:$0x3FB2] =	sst s10  }
0x38: {  	s10 =	sld [smem:$0x3FB3]  }
0x39: {  	_ = 	snop;
	(pc) =	sbr.ind lr, $3  }
0x3a: {  	_ = 	snop  }
0x3b: {  	_ = 	snop  }
0x3c: {  	p2 =	seq.s32 s10, $0x1;
	s10 =	sld [smem:$0x3FB2]  }
0x3d: {  	_ =	shalt  }
0x3e: {  	_ =	shalt  }
0x3f: {  	_ =	shalt  }
0x40: {  	_ =	shalt  }
0x41: {  	_ =	shalt  }
0x42: {  	_ =	shalt  }
0x43: {  	_ =	shalt  }
0x44: {  	_ =	shalt  }
0x45: {  	_ =	shalt  }
0x46: {  	_ =	shalt  }
0x47: {  	_ =	shalt  }
0x48: {  	_ =	shalt  }
0x49: {  	_ =	shalt  }
0x4a: {  	_ =	shalt  }
0x4b: {  	_ =	shalt  }
0x4c: {  	_ =	shalt  }
0x4d: {  	_ =	shalt  }
0x4e: {  	_ =	shalt  }
0x4f: {  	_ =	shalt  }
0x50: {  	_ =	shalt  }
0x51: {  	_ =	shalt  }
0x52: {  	_ =	shalt  }
0x53: {  	_ =	shalt  }
0x54: {  	_ =	shalt  }
0x55: {  	_ =	shalt  }
0x56: {  	_ =	shalt  }
0x57: {  	_ =	shalt  }
0x58: {  	_ =	shalt  }
0x59: {  	_ =	shalt  }
0x5a: {  	_ =	shalt  }
0x5b: {  	_ =	shalt  }
0x5c: {  	_ =	shalt  }
0x5d: {  	_ =	shalt  }
0x5e: {  	_ =	shalt  }
0x5f: {  	_ =	shalt  }
0x60: {  	_ =	shalt  }
0x61: {  	_ =	shalt  }
0x62: {  	_ =	shalt  }
0x63: {  	_ =	shalt  }
0x64: {  	_ =	shalt  }
0x65: {  	_ =	shalt  }
0x66: {  	_ =	shalt  }
0x67: {  	_ =	shalt  }
0x68: {  	_ =	shalt  }
0x69: {  	_ =	shalt  }
0x6a: {  	_ =	shalt  }
0x6b: {  	_ =	shalt  }
0x6c: {  	_ =	shalt  }
0x6d: {  	_ =	shalt  }
0x6e: {  	_ =	shalt  }
0x6f: {  	_ =	shalt  }
0x70: {  	_ =	shalt  }
0x71: {  	_ =	shalt  }
0x72: {  	_ =	shalt  }
0x73: {  	_ =	shalt  }
0x74: {  	_ =	shalt  }
0x75: {  	_ =	shalt  }
0x76: {  	_ =	shalt  }
0x77: {  	_ =	shalt  }
0x78: {  	_ =	shalt  }
0x79: {  	_ =	shalt  }
0x7a: {  	_ =	shalt  }
0x7b: {  	_ =	shalt  }
0x7c: {  	_ =	shalt  }
0x7d: {  	_ =	shalt  }
0x7e: {  	_ =	shalt  }
0x7f: {  	_ =	shalt  }
0x80: {  	_ =	shalt  }
0x81: {  	_ =	shalt  }
0x82: {  	_ =	shalt  }
0x83: {  	_ =	shalt  }
0x84: {  	_ =	shalt  }
0x85: {  	_ =	shalt  }
0x86: {  	_ =	shalt  }
0x87: {  	_ =	shalt  }
.Lfunc_end0:
.L_simem_size_0:
called_computation_lowered:
.L_overlay_start_0:
0x88: {  	s2 =	sld [smem:$0x3FD9]  }
0x89: {  	s3 =	sld [smem:$0x3FFE];
	_ =	sdelay $0x1  }
0x8a: {  	s1 =	srdreg.scid  }
0x8b: {  	s0 =	sand.u32 $0x1, s1  }
0x8c: {  	s17 =	sshll.u32 s0, $0xA;
	s2 =	sadd.s32 s3, s2  }
0x8d: {  	s2 =	sadd.s32 s2, s17  }
0x8e: {  	[smem:$0x3FBE] =	sst s2  }
0x8f: {  	_ = 	snop  }
0x90: {  	s2 =	sld [smem:$0x3FC8]  }
0x91: {  	s18 =	sld [smem:$0x3FC7];
	(tm) =	ssettm $0x1  }
0x92: {  	s4 =	sld [smem:$0x3FFB];
	_ =	sdelay $0x3  }
0x93: {  	_ =	strace s4  }
0x94: {  	s4 =	sld [smem:$0x3FFC];
	_ =	sdelay $0x3  }
0x95: {  	_ =	strace s4  }
0x96: {  	s4 =	sld [smem:$0x3FFD];
	_ =	sdelay $0x3  }
0x97: {  	_ =	strace s4  }
0x98: {  	_ =	strace $0x8FFFFFFF  }
0x99: {  	s19 =	sld [smem:$0x3FDB];
	_ =	sdelay $0x1  }
0x9a: {  	s5 =	simm.s32 $_scs_section_size  }
0x9b: {  	s6 =	simm.s32 $_size__tile_overlayer_lowered;
	s7 =	simm.s32 $_tile_overlayer_lowered  }
0x9c: {  	s22 =	simm.s32 $0x1BFF;
	s21 =	sshll.u32 s7, $0x1;
	s4 =	sadd.s32 s5, s19  }
0x9d: {  	s8 =	simm.s32 $0x0;
	s20 =	sshll.u32 s6, $0x1;
	s6 =	sadd.s32 s21, s4  }
0x9e: {  	[timem:s8], [sflag:s22] =	dma.local [hbm:s6], s20  }
0x9f: {  	_ =	swait.ge [sflag:s22], s20  }
0xa0: {  	s5 =	ssub.s32 $0x0, s20;
	[sflag:s22] =	ssyncset.done $0x0  }
0xa1: {  	[sflag:s22] =	ssyncadd.s32 s5;
	_ =	sdelay $0x1  }
0xa2: {  	s23 =	simm.s32 $0x1B8B  }
0xa3: {  	_ =	swait.ge [sflag:s23], $0x1  }
0xa4: {  	[sflag:s23] =	ssyncset.done $0x0  }
0xa5: {  	s25 =	simm.s32 $0x1B8E;
	s24 =	sld [smem:$0x3FFE];
	[sflag:s23] =	ssyncadd.s32 $0xFFFFFFFF  }
0xa6: {  	s26 =	simm.s32 $execute0_lowered;
	[smem:$0x3FD2] =	sst s25  }
0xa7: {  	s6 =	sshll.u32 s26, $0x1;
	_ =	strace $0x80000046;
	[dreg:$0x1] =	wrdreg $0xFFFFFFFF  }
0xa8: {  	s28 =	simm.s32 $_size_execute0_lowered;
	s4 =	sadd.s32 s4, s6;
	[dreg:$0x0] =	wrdreg $0x0  }
0xa9: {  	s6 =	sshll.u32 s28, $0x1;
	[dreg:$0x2] =	wrdreg s4  }
0xaa: {  	[dreg:$0x3] =	wrdreg s6  }
0xab: {  	[dreg:$0x4] =	wrdreg $0xC0  }
0xac: {  	_ =	task [dreg:s8], $0x5FFFF  }
0xad: {  	[dreg:$0x1] =	wrdreg $0xFFFFFFFF  }
0xae: {  	[dreg:$0x0] =	wrdreg $0x60  }
0xaf: {  	[dreg:$0x2] =	wrdreg s2  }
0xb0: {  	[dreg:$0x3] =	wrdreg s18  }
0xb1: {  	[dreg:$0x4] =	wrdreg s24  }
0xb2: {  	[dreg:$0x5] =	wrdreg $0x9  }
0xb3: {  	_ =	task.clear_ibuf [dreg:s8], $0x6FFFF;
	_ =	strace $0x90000046  }
0xb4: {  	s29 =	simm.s32 $0x9;
	_ =	strace $0x80000048  }
0xb5: {  	_ =	swait.ge [sflag:s29], $0x1  }
0xb6: {  	[sflag:s29] =	ssyncadd.s32 $0xFFFFFFFF  }
0xb7: {  	_ =	strace $0x90000048  }
0xb8: {  	_ =	sfence  }
0xb9: {  	s30 =	sld [smem:$0x0];
	_ =	sdelay $0x2  }
0xba: {  	s31 =	sshll.u32 s1, $0xD;
	s1 =	sshrl.u32 s1, $0x2  }
0xbb: {  	s3 =	sand.u32 $0x4000, s31;
	s1 =	sadd.s32 s1, s30  }
0xbc: {  	s0 =	sor.u32 s3, s0;
	s1 =	sshll.u32 s1, $0x11  }
0xbd: {  	s0 =	sor.u32 s1, s0  }
0xbe: {  	s0 =	sadd.s32 $0x8F2B, s0  }
0xbf: {  	[sflag:s0] =	ssyncadd.remote.s32 $0x1  }
0xc0: {  	_ =	sfence.sel $0xFFFF  }
0xc1: {  	[dreg:$0x0] =	wrdreg $0xFFFFFFFF;
	(pc) =	sbr.abs _section_cstart, $3  }
0xc2: {  	[dreg:$0x1] =	wrdreg $0xFFFFFFFF  }
0xc3: {  	_ =	task.clear_ibuf [dreg:s8], $0x2FFFF;
	_ =	strace $0x9FFFFFFF  }
0xc4: {  	(tm) =	ssettm $0x7FFFFFFF  }
0xc5: {  	_ =	shalt  }
tec
execute0_lowered:
.L_overlay_start_1:
0x0: {  	(tag) =	ssettag $0x1  }
0x1: {  	s1 =	rddreg [dreg:$0x0]  }
0x2: {  	s2 =	rddreg [dreg:$0x1]  }
0x3: {  	s3 =	srdreg.scid;
	s0 =	stileid.u32  }
0x4: {  	s6 =	rddreg [dreg:$0x2];
	s14 =	simm.s32 $0x10000;
	s15 =	simm.s32 $0x2000  }
0x5: {  	s16 =	simm.s32 $0x13D6400;
	s17 =	simm.s32 $0x4000;
	s18 =	simm.s32 $0x1  }
0x6: {  	s19 =	simm.s32 $0x8000;
	s20 =	simm.s32 $0x4;
	s21 =	simm.s32 $0x2  }
0x7: {  	v1 =	vlaneseq.u32;
	s22 =	simm.s32 $0xC000;
	s5 =	sand.u32 $0x1, s3;
	s4 =	sshll.u32 s0, $0x1  }
0x8: {  	s23 =	simm.s32 $0x3;
	s24 =	simm.s32 $0x0;
	v0 =	vand.u32 $0x7, v1;
	s4 =	sor.u32 s5, s4  }
0x9: {  	s3 =	simm.s32 $0x0;
	s11 =	sadd.s32 $0x4F7400, s6;
	v0 =	vmul.u32 $0x10, v0;
	s7 =	smul.u32 $0x13D80, s4  }
0xa: {  	v1 =	vmul.u32 $0x10, v1;
	[smem:$0x7FF] =	sst s3;
	s8 =	ssub.s32 $0x2, s5;
	s5 =	sadd.s32 $0x1A00, s6  }
0xb: {  	_ =	strace $0x80000047;
	s9 =	sshrl.u32 s8, $0x1;
	v2 =	vor.u32 $0x1, v0;
	v3 =	vor.u32 $0x2, v0;
	v4 =	vor.u32 $0x3, v0;
	s7 =	smin.u32 s7, $0x266E80  }
0xc: {  	s31 =	sshll.u32 s4, $0xA;
	s12 =	ssub.s32 s8, s9;
	v5 =	vor.u32 $0x4, v0;
	v6 =	vor.u32 $0x5, v0;
	v7 =	vor.u32 $0x6, v0;
	s13 =	sshrl.u32 s7, $0x3  }
0xd: {  	s8 =	sor.u32 $0x40, s4;
	v8 =	vor.u32 $0x7, v0;
	v9 =	vor.u32 $0x8, v0;
	v10 =	vor.u32 $0x9, v0;
	s12 =	smax.u32 s12, $0x1;
	s10 =	sadd.s32 $0x1400, s13  }
0xe: {  	v11 =	vor.u32 $0xA, v0;
	v12 =	vor.u32 $0xB, v0;
	v13 =	vor.u32 $0xC, v0;
	s7 =	sadd.s32 s1, s31;
	s6 =	sadd.s32 s2, s13;
	s9 =	sadd.s32 s11, s10  }
0xf: {  	v14 =	vor.u32 $0xD, v0;
	v15 =	vor.u32 $0xE, v0;
	v16 =	vor.u32 $0xF, v0;
	s10 =	sadd.s32 s2, s10;
	s11 =	sadd.s32 s11, s13;
	s13 =	sshll.u32 s4, $0xB  }
.LBB2_1:
0x10: {  	[tilespmem:s14], [sflag:$0x3] =	stream.linear.gather [hbm4b:s6+s3], $0xA000, $0x38;
	[tilespmem:$0x1A000] =	vst v63  }
0x11: {  	s25 =	simm.s32 $0x0  }
0x12: {  	[tilespmem:s3], [sflag:$0x1] =	stream.strided.gather [hbm4b:s7+s15], $0x4000, s16, s15, $0x38;
	[tilespmem:$0x1A000] =	vst v63  }
.LBB2_2:
0x13: {  	s28 =	sshll.u32 s25, $0x6  }
0x14: {  	s2 =	sor.u32 s4, s28  }
0x15: {  	s2 =	sshll.u32 s2, $0xA  }
0x16: {  	s26 =	sor.u32 $0x8000, s2  }
0x17: {  	p0 =	slt.s32 s26, $0x27A800  }
0x18: {  	s26 =	simm.s32 @!p0 $0x27A800  }
0x19: {  	s29 =	simm.s32 $0x0;
	s0 =	sadd.s32 s1, s26  }
0x1a: {  	v17 =	vmov s29;
	[tilespmem:s17], [sflag:$0x2] =	stream.strided.gather [hbm4b:s0+s15], $0x4000, s16, s15, $0x38;
	[tilespmem:$0x1A000] =	vst v63  }
0x1b: {  	v17 =	vshll.u32 v17, $0x4;
	_ =	swait.ge [sflag:s18], $0x4000  }
0x1c: {  	s30 =	sand.u32 $0x1C00, s29;
	v17 =	vor.u32 v1, v17;
	s0 =	sand.u32 $0x70, s29;
	[sflag:s18] =	ssyncset.done $0x0  }
0x1d: {  	v17 =	vand.u32 $0x3F80, v17;
	s2 =	sor.u32 s0, s30;
	[sflag:s18] =	ssyncadd.s32 $0xFFFFC000  }
0x1e: {  	v19 =	vor.u32 v0, v17;
	v18 =	vld [tilespmem:s2+$0x0];
	_ =	sdelay $0x4  }
0x1f: {  	[tilespmem:v19+s19+$0x0] =	vst.idx.msk $0xffff, v18  }
0x20: {  	v19 =	vor.u32 v2, v17;
	v18 =	vld [tilespmem:s2+$0x80];
	_ =	sdelay $0x4  }
0x21: {  	[tilespmem:v19+s19+$0x0] =	vst.idx.msk $0xffff, v18  }
0x22: {  	v19 =	vor.u32 v3, v17;
	v18 =	vld [tilespmem:s2+$0x100];
	_ =	sdelay $0x4  }
0x23: {  	[tilespmem:v19+s19+$0x0] =	vst.idx.msk $0xffff, v18  }
0x24: {  	v19 =	vor.u32 v4, v17;
	v18 =	vld [tilespmem:s2+$0x180];
	_ =	sdelay $0x4  }
0x25: {  	[tilespmem:v19+s19+$0x0] =	vst.idx.msk $0xffff, v18  }
0x26: {  	v19 =	vor.u32 v5, v17;
	v18 =	vld [tilespmem:s2+$0x200];
	_ =	sdelay $0x4  }
0x27: {  	[tilespmem:v19+s19+$0x0] =	vst.idx.msk $0xffff, v18  }
0x28: {  	v19 =	vor.u32 v6, v17;
	v18 =	vld [tilespmem:s2+$0x280];
	_ =	sdelay $0x4  }
0x29: {  	[tilespmem:v19+s19+$0x0] =	vst.idx.msk $0xffff, v18  }
0x2a: {  	v19 =	vor.u32 v7, v17;
	v18 =	vld [tilespmem:s2+$0x300];
	_ =	sdelay $0x3  }
0x2b: {  	s30 =	sor.u32 s29, s29  }
0x2c: {  	s30 =	sor.u32 $0x380, s30;
	[tilespmem:v19+s19+$0x0] =	vst.idx.msk $0xffff, v18  }
0x2d: {  	v19 =	vor.u32 v8, v17;
	v18 =	vld [tilespmem:s30+$0x0];
	_ =	sdelay $0x4  }
0x2e: {  	[tilespmem:v19+s19+$0x0] =	vst.idx.msk $0xffff, v18  }
0x2f: {  	v19 =	vor.u32 v9, v17;
	v18 =	vld [tilespmem:s2+$0x2000];
	_ =	sdelay $0x4  }
0x30: {  	[tilespmem:v19+s19+$0x0] =	vst.idx.msk $0xffff, v18  }
0x31: {  	v19 =	vor.u32 v10, v17;
	v18 =	vld [tilespmem:s2+$0x2080];
	_ =	sdelay $0x4  }
0x32: {  	[tilespmem:v19+s19+$0x0] =	vst.idx.msk $0xffff, v18  }
0x33: {  	v19 =	vor.u32 v11, v17;
	v18 =	vld [tilespmem:s2+$0x2100];
	_ =	sdelay $0x4  }
0x34: {  	[tilespmem:v19+s19+$0x0] =	vst.idx.msk $0xffff, v18  }
0x35: {  	v19 =	vor.u32 v12, v17;
	v18 =	vld [tilespmem:s2+$0x2180];
	_ =	sdelay $0x4  }
0x36: {  	[tilespmem:v19+s19+$0x0] =	vst.idx.msk $0xffff, v18  }
0x37: {  	v19 =	vor.u32 v13, v17;
	v18 =	vld [tilespmem:s2+$0x2200];
	_ =	sdelay $0x4  }
0x38: {  	[tilespmem:v19+s19+$0x0] =	vst.idx.msk $0xffff, v18  }
0x39: {  	v19 =	vor.u32 v14, v17;
	v18 =	vld [tilespmem:s2+$0x2280];
	_ =	sdelay $0x4  }
0x3a: {  	[tilespmem:v19+s19+$0x0] =	vst.idx.msk $0xffff, v18  }
0x3b: {  	v19 =	vor.u32 v15, v17;
	v18 =	vld [tilespmem:s2+$0x2300];
	_ =	sdelay $0x4  }
0x3c: {  	[tilespmem:v19+s19+$0x0] =	vst.idx.msk $0xffff, v18  }
0x3d: {  	v19 =	vor.u32 v16, v17;
	v18 =	vld [tilespmem:s2+$0x2380]  }
0x3e: {  	s30 =	simm.s32 $0x10  }
0x3f: {  	s31 =	simm.s32 $0x20;
	v17 =	vmov s30  }
.LBB2_3:
0x40: {  	p0 =	sne.s32 s31, $0x3F0;
	v17 =	vshll.u32 v17, $0x4;
	s29 =	sadd.s32 $0x80, s29  }
0x41: {  	s2 =	sand.u32 $0x70, s30;
	s0 =	sand.u32 $0x1C00, s29;
	v17 =	vor.u32 v1, v17  }
0x42: {  	s2 =	sor.u32 s2, s0;
	v17 =	vand.u32 $0x3F80, v17;
	[tilespmem:v19+s19+$0x0] =	vst.idx.msk $0xffff, v18  }
0x43: {  	v18 =	vld [tilespmem:s2+$0x0];
	v19 =	vor.u32 v0, v17;
	_ =	sdelay $0x4  }
0x44: {  	[tilespmem:v19+s19+$0x0] =	vst.idx.msk $0xffff, v18  }
0x45: {  	v19 =	vor.u32 v2, v17;
	v18 =	vld [tilespmem:s2+$0x80];
	_ =	sdelay $0x4  }
0x46: {  	[tilespmem:v19+s19+$0x0] =	vst.idx.msk $0xffff, v18  }
0x47: {  	v19 =	vor.u32 v3, v17;
	v18 =	vld [tilespmem:s2+$0x100];
	_ =	sdelay $0x4  }
0x48: {  	[tilespmem:v19+s19+$0x0] =	vst.idx.msk $0xffff, v18  }
0x49: {  	v19 =	vor.u32 v4, v17;
	v18 =	vld [tilespmem:s2+$0x180];
	_ =	sdelay $0x4  }
0x4a: {  	[tilespmem:v19+s19+$0x0] =	vst.idx.msk $0xffff, v18  }
0x4b: {  	v19 =	vor.u32 v5, v17;
	v18 =	vld [tilespmem:s2+$0x200];
	_ =	sdelay $0x4  }
0x4c: {  	[tilespmem:v19+s19+$0x0] =	vst.idx.msk $0xffff, v18  }
0x4d: {  	v19 =	vor.u32 v6, v17;
	v18 =	vld [tilespmem:s2+$0x280];
	_ =	sdelay $0x4  }
0x4e: {  	[tilespmem:v19+s19+$0x0] =	vst.idx.msk $0xffff, v18  }
0x4f: {  	v19 =	vor.u32 v7, v17;
	v18 =	vld [tilespmem:s2+$0x300];
	_ =	sdelay $0x3  }
0x50: {  	s0 =	sor.u32 s29, s30;
	s30 =	smov.u32 s31  }
0x51: {  	s0 =	sor.u32 $0x380, s0;
	[tilespmem:v19+s19+$0x0] =	vst.idx.msk $0xffff, v18  }
0x52: {  	v19 =	vor.u32 v8, v17;
	v18 =	vld [tilespmem:s0+$0x0];
	_ =	sdelay $0x4  }
0x53: {  	[tilespmem:v19+s19+$0x0] =	vst.idx.msk $0xffff, v18  }
0x54: {  	v19 =	vor.u32 v9, v17;
	v18 =	vld [tilespmem:s2+$0x2000];
	_ =	sdelay $0x4  }
0x55: {  	[tilespmem:v19+s19+$0x0] =	vst.idx.msk $0xffff, v18  }
0x56: {  	v19 =	vor.u32 v10, v17;
	v18 =	vld [tilespmem:s2+$0x2080];
	_ =	sdelay $0x4  }
0x57: {  	[tilespmem:v19+s19+$0x0] =	vst.idx.msk $0xffff, v18  }
0x58: {  	v19 =	vor.u32 v11, v17;
	v18 =	vld [tilespmem:s2+$0x2100];
	_ =	sdelay $0x4  }
0x59: {  	[tilespmem:v19+s19+$0x0] =	vst.idx.msk $0xffff, v18  }
0x5a: {  	v19 =	vor.u32 v12, v17;
	v18 =	vld [tilespmem:s2+$0x2180];
	_ =	sdelay $0x4  }
0x5b: {  	[tilespmem:v19+s19+$0x0] =	vst.idx.msk $0xffff, v18  }
0x5c: {  	v19 =	vor.u32 v13, v17;
	v18 =	vld [tilespmem:s2+$0x2200];
	_ =	sdelay $0x4  }
0x5d: {  	[tilespmem:v19+s19+$0x0] =	vst.idx.msk $0xffff, v18  }
0x5e: {  	v19 =	vor.u32 v14, v17;
	v18 =	vld [tilespmem:s2+$0x2280];
	_ =	sdelay $0x4  }
0x5f: {  	[tilespmem:v19+s19+$0x0] =	vst.idx.msk $0xffff, v18  }
0x60: {  	v19 =	vor.u32 v15, v17;
	v18 =	vld [tilespmem:s2+$0x2300];
	_ =	sdelay $0x3  }
.Ltmp0:
0x61: {  	(pc) =	sbr.rel @p0 .LBB2_3-.Ltmp0, $3  }
0x62: {  	[tilespmem:v19+s19+$0x0] =	vst.idx.msk $0xffff, v18  }
0x63: {  	v19 =	vor.u32 v16, v17;
	v18 =	vld [tilespmem:s2+$0x2380];
	_ =	sdelay $0x1  }
0x64: {  	s31 =	sadd.s32 $0x10, s31;
	v17 =	vmov s30  }
0x65: {  	_ =	sdelay $0x1  }
0x66: {  	v17 =	vshll.u32 v17, $0x4;
	s0 =	sadd.s32 $0x80, s29  }
0x67: {  	s2 =	sand.u32 $0x70, s30;
	s29 =	sand.u32 $0x1C00, s0;
	v17 =	vor.u32 v1, v17  }
0x68: {  	s2 =	sor.u32 s2, s29;
	v17 =	vand.u32 $0x3F80, v17;
	[tilespmem:v19+s19+$0x0] =	vst.idx.msk $0xffff, v18  }
0x69: {  	v18 =	vld [tilespmem:s2+$0x0];
	v19 =	vor.u32 v0, v17;
	_ =	sdelay $0x4  }
0x6a: {  	[tilespmem:v19+s19+$0x0] =	vst.idx.msk $0xffff, v18  }
0x6b: {  	v19 =	vor.u32 v2, v17;
	v18 =	vld [tilespmem:s2+$0x80];
	_ =	sdelay $0x4  }
0x6c: {  	[tilespmem:v19+s19+$0x0] =	vst.idx.msk $0xffff, v18  }
0x6d: {  	v19 =	vor.u32 v3, v17;
	v18 =	vld [tilespmem:s2+$0x100];
	_ =	sdelay $0x4  }
0x6e: {  	[tilespmem:v19+s19+$0x0] =	vst.idx.msk $0xffff, v18  }
0x6f: {  	v19 =	vor.u32 v4, v17;
	v18 =	vld [tilespmem:s2+$0x180];
	_ =	sdelay $0x4  }
0x70: {  	[tilespmem:v19+s19+$0x0] =	vst.idx.msk $0xffff, v18  }
0x71: {  	v19 =	vor.u32 v5, v17;
	v18 =	vld [tilespmem:s2+$0x200];
	_ =	sdelay $0x4  }
0x72: {  	[tilespmem:v19+s19+$0x0] =	vst.idx.msk $0xffff, v18  }
0x73: {  	v19 =	vor.u32 v6, v17;
	v18 =	vld [tilespmem:s2+$0x280];
	_ =	sdelay $0x4  }
0x74: {  	[tilespmem:v19+s19+$0x0] =	vst.idx.msk $0xffff, v18  }
0x75: {  	v19 =	vor.u32 v7, v17;
	v18 =	vld [tilespmem:s2+$0x300];
	_ =	sdelay $0x3  }
0x76: {  	s0 =	sor.u32 s0, s30  }
0x77: {  	s0 =	sor.u32 $0x380, s0;
	[tilespmem:v19+s19+$0x0] =	vst.idx.msk $0xffff, v18  }
0x78: {  	v19 =	vor.u32 v8, v17;
	v18 =	vld [tilespmem:s0+$0x0];
	_ =	sdelay $0x4  }
0x79: {  	[tilespmem:v19+s19+$0x0] =	vst.idx.msk $0xffff, v18  }
0x7a: {  	v19 =	vor.u32 v9, v17;
	v18 =	vld [tilespmem:s2+$0x2000];
	_ =	sdelay $0x4  }
0x7b: {  	[tilespmem:v19+s19+$0x0] =	vst.idx.msk $0xffff, v18  }
0x7c: {  	v19 =	vor.u32 v10, v17;
	v18 =	vld [tilespmem:s2+$0x2080];
	_ =	sdelay $0x4  }
0x7d: {  	[tilespmem:v19+s19+$0x0] =	vst.idx.msk $0xffff, v18  }
0x7e: {  	v19 =	vor.u32 v11, v17;
	v18 =	vld [tilespmem:s2+$0x2100];
	_ =	sdelay $0x4  }
0x7f: {  	[tilespmem:v19+s19+$0x0] =	vst.idx.msk $0xffff, v18  }
0x80: {  	v19 =	vor.u32 v12, v17;
	v18 =	vld [tilespmem:s2+$0x2180];
	_ =	sdelay $0x4  }
0x81: {  	[tilespmem:v19+s19+$0x0] =	vst.idx.msk $0xffff, v18  }
0x82: {  	v19 =	vor.u32 v13, v17;
	v18 =	vld [tilespmem:s2+$0x2200];
	_ =	sdelay $0x4  }
0x83: {  	[tilespmem:v19+s19+$0x0] =	vst.idx.msk $0xffff, v18  }
0x84: {  	v19 =	vor.u32 v14, v17;
	v18 =	vld [tilespmem:s2+$0x2280];
	_ =	sdelay $0x4  }
0x85: {  	[tilespmem:v19+s19+$0x0] =	vst.idx.msk $0xffff, v18  }
0x86: {  	v19 =	vor.u32 v15, v17;
	v18 =	vld [tilespmem:s2+$0x2300];
	_ =	sdelay $0x4  }
0x87: {  	[tilespmem:v19+s19+$0x0] =	vst.idx.msk $0xffff, v18  }
0x88: {  	v17 =	vor.u32 v16, v17;
	v18 =	vld [tilespmem:s2+$0x2380];
	_ =	sdelay $0x2  }
0x89: {  	s2 =	sshll.u32 s25, $0x11  }
0x8a: {  	s0 =	sor.u32 s13, s2  }
0x8b: {  	s31 =	sadd.s32 s8, s28;
	s29 =	simm.s32 $0x0;
	s0 =	sadd.s32 s5, s0;
	[tilespmem:v17+s19+$0x0] =	vst.idx.msk $0xffff, v18  }
0x8c: {  	[hbm4b:s0+s29] =	stream.linear.scatter [tilespmem:s19], [sflag:$0x4], $0x4000, $0x38;
	[tilespmem:$0x1A000] =	vst v63  }
0x8d: {  	s0 =	sshll.u32 s31, $0xA;
	_ =	swait.ge [sflag:s20], $0x4000  }
0x8e: {  	s0 =	smin.u32 s0, $0x27A800;
	[sflag:s20] =	ssyncset.done $0x0  }
0x8f: {  	s0 =	sadd.s32 s1, s0;
	[sflag:s20] =	ssyncadd.s32 $0xFFFFC000  }
0x90: {  	v17 =	vmov s29;
	[tilespmem:s29], [sflag:$0x1] =	stream.strided.gather [hbm4b:s0+s15], $0x4000, s16, s15, $0x38;
	[tilespmem:$0x1A000] =	vst v63  }
0x91: {  	v17 =	vshll.u32 v17, $0x4;
	_ =	swait.ge [sflag:s21], $0x4000  }
0x92: {  	s2 =	sand.u32 $0x70, s29;
	s31 =	sand.u32 $0x1C00, s29;
	v17 =	vor.u32 v1, v17;
	[sflag:s21] =	ssyncset.done $0x0  }
0x93: {  	v17 =	vand.u32 $0x3F80, v17;
	s0 =	sor.u32 s2, s31;
	[sflag:s21] =	ssyncadd.s32 $0xFFFFC000  }
0x94: {  	v19 =	vor.u32 v0, v17;
	v18 =	vld [tilespmem:s0+$0x4000];
	_ =	sdelay $0x4  }
0x95: {  	[tilespmem:v19+s22+$0x0] =	vst.idx.msk $0xffff, v18  }
0x96: {  	v19 =	vor.u32 v2, v17;
	v18 =	vld [tilespmem:s0+$0x4080];
	_ =	sdelay $0x4  }
0x97: {  	[tilespmem:v19+s22+$0x0] =	vst.idx.msk $0xffff, v18  }
0x98: {  	v19 =	vor.u32 v3, v17;
	v18 =	vld [tilespmem:s0+$0x4100];
	_ =	sdelay $0x4  }
0x99: {  	[tilespmem:v19+s22+$0x0] =	vst.idx.msk $0xffff, v18  }
0x9a: {  	v19 =	vor.u32 v4, v17;
	v18 =	vld [tilespmem:s0+$0x4180];
	_ =	sdelay $0x4  }
0x9b: {  	[tilespmem:v19+s22+$0x0] =	vst.idx.msk $0xffff, v18  }
0x9c: {  	v19 =	vor.u32 v5, v17;
	v18 =	vld [tilespmem:s0+$0x4200];
	_ =	sdelay $0x4  }
0x9d: {  	[tilespmem:v19+s22+$0x0] =	vst.idx.msk $0xffff, v18  }
0x9e: {  	v19 =	vor.u32 v6, v17;
	v18 =	vld [tilespmem:s0+$0x4280];
	_ =	sdelay $0x4  }
0x9f: {  	[tilespmem:v19+s22+$0x0] =	vst.idx.msk $0xffff, v18  }
0xa0: {  	v19 =	vor.u32 v7, v17;
	v18 =	vld [tilespmem:s0+$0x4300];
	_ =	sdelay $0x3  }
0xa1: {  	s31 =	sor.u32 s29, s29  }
0xa2: {  	s2 =	sor.u32 $0x380, s31;
	[tilespmem:v19+s22+$0x0] =	vst.idx.msk $0xffff, v18  }
0xa3: {  	v19 =	vor.u32 v8, v17;
	v18 =	vld [tilespmem:s2+$0x4000];
	_ =	sdelay $0x4  }
0xa4: {  	[tilespmem:v19+s22+$0x0] =	vst.idx.msk $0xffff, v18  }
0xa5: {  	v19 =	vor.u32 v9, v17;
	v18 =	vld [tilespmem:s0+$0x6000];
	_ =	sdelay $0x4  }
0xa6: {  	[tilespmem:v19+s22+$0x0] =	vst.idx.msk $0xffff, v18  }
0xa7: {  	v19 =	vor.u32 v10, v17;
	v18 =	vld [tilespmem:s0+$0x6080];
	_ =	sdelay $0x4  }
0xa8: {  	[tilespmem:v19+s22+$0x0] =	vst.idx.msk $0xffff, v18  }
0xa9: {  	v19 =	vor.u32 v11, v17;
	v18 =	vld [tilespmem:s0+$0x6100];
	_ =	sdelay $0x4  }
0xaa: {  	[tilespmem:v19+s22+$0x0] =	vst.idx.msk $0xffff, v18  }
0xab: {  	v19 =	vor.u32 v12, v17;
	v18 =	vld [tilespmem:s0+$0x6180];
	_ =	sdelay $0x4  }
0xac: {  	[tilespmem:v19+s22+$0x0] =	vst.idx.msk $0xffff, v18  }
0xad: {  	v19 =	vor.u32 v13, v17;
	v18 =	vld [tilespmem:s0+$0x6200];
	_ =	sdelay $0x4  }
0xae: {  	[tilespmem:v19+s22+$0x0] =	vst.idx.msk $0xffff, v18  }
0xaf: {  	v19 =	vor.u32 v14, v17;
	v18 =	vld [tilespmem:s0+$0x6280];
	_ =	sdelay $0x4  }
0xb0: {  	[tilespmem:v19+s22+$0x0] =	vst.idx.msk $0xffff, v18  }
0xb1: {  	v19 =	vor.u32 v15, v17;
	v18 =	vld [tilespmem:s0+$0x6300];
	_ =	sdelay $0x4  }
0xb2: {  	[tilespmem:v19+s22+$0x0] =	vst.idx.msk $0xffff, v18  }
0xb3: {  	v19 =	vor.u32 v16, v17;
	v18 =	vld [tilespmem:s0+$0x6380]  }
0xb4: {  	s28 =	simm.s32 $0x10  }
0xb5: {  	s30 =	simm.s32 $0x20;
	v17 =	vmov s28  }
.LBB2_5:
0xb6: {  	p0 =	sne.s32 s30, $0x3F0;
	v17 =	vshll.u32 v17, $0x4;
	s29 =	sadd.s32 $0x80, s29  }
0xb7: {  	s0 =	sand.u32 $0x70, s28;
	s2 =	sand.u32 $0x1C00, s29;
	v17 =	vor.u32 v1, v17  }
0xb8: {  	s2 =	sor.u32 s0, s2;
	v17 =	vand.u32 $0x3F80, v17;
	[tilespmem:v19+s22+$0x0] =	vst.idx.msk $0xffff, v18  }
0xb9: {  	v18 =	vld [tilespmem:s2+$0x4000];
	v19 =	vor.u32 v0, v17;
	_ =	sdelay $0x4  }
0xba: {  	[tilespmem:v19+s22+$0x0] =	vst.idx.msk $0xffff, v18  }
0xbb: {  	v19 =	vor.u32 v2, v17;
	v18 =	vld [tilespmem:s2+$0x4080];
	_ =	sdelay $0x4  }
0xbc: {  	[tilespmem:v19+s22+$0x0] =	vst.idx.msk $0xffff, v18  }
0xbd: {  	v19 =	vor.u32 v3, v17;
	v18 =	vld [tilespmem:s2+$0x4100];
	_ =	sdelay $0x4  }
0xbe: {  	[tilespmem:v19+s22+$0x0] =	vst.idx.msk $0xffff, v18  }
0xbf: {  	v19 =	vor.u32 v4, v17;
	v18 =	vld [tilespmem:s2+$0x4180];
	_ =	sdelay $0x4  }
0xc0: {  	[tilespmem:v19+s22+$0x0] =	vst.idx.msk $0xffff, v18  }
0xc1: {  	v19 =	vor.u32 v5, v17;
	v18 =	vld [tilespmem:s2+$0x4200];
	_ =	sdelay $0x4  }
0xc2: {  	[tilespmem:v19+s22+$0x0] =	vst.idx.msk $0xffff, v18  }
0xc3: {  	v19 =	vor.u32 v6, v17;
	v18 =	vld [tilespmem:s2+$0x4280];
	_ =	sdelay $0x4  }
0xc4: {  	[tilespmem:v19+s22+$0x0] =	vst.idx.msk $0xffff, v18  }
0xc5: {  	v19 =	vor.u32 v7, v17;
	v18 =	vld [tilespmem:s2+$0x4300];
	_ =	sdelay $0x3  }
0xc6: {  	s0 =	sor.u32 s29, s28;
	s28 =	smov.u32 s30  }
0xc7: {  	s0 =	sor.u32 $0x380, s0;
	[tilespmem:v19+s22+$0x0] =	vst.idx.msk $0xffff, v18  }
0xc8: {  	v19 =	vor.u32 v8, v17;
	v18 =	vld [tilespmem:s0+$0x4000];
	_ =	sdelay $0x4  }
0xc9: {  	[tilespmem:v19+s22+$0x0] =	vst.idx.msk $0xffff, v18  }
0xca: {  	v19 =	vor.u32 v9, v17;
	v18 =	vld [tilespmem:s2+$0x6000];
	_ =	sdelay $0x4  }
0xcb: {  	[tilespmem:v19+s22+$0x0] =	vst.idx.msk $0xffff, v18  }
0xcc: {  	v19 =	vor.u32 v10, v17;
	v18 =	vld [tilespmem:s2+$0x6080];
	_ =	sdelay $0x4  }
0xcd: {  	[tilespmem:v19+s22+$0x0] =	vst.idx.msk $0xffff, v18  }
0xce: {  	v19 =	vor.u32 v11, v17;
	v18 =	vld [tilespmem:s2+$0x6100];
	_ =	sdelay $0x4  }
0xcf: {  	[tilespmem:v19+s22+$0x0] =	vst.idx.msk $0xffff, v18  }
0xd0: {  	v19 =	vor.u32 v12, v17;
	v18 =	vld [tilespmem:s2+$0x6180];
	_ =	sdelay $0x4  }
0xd1: {  	[tilespmem:v19+s22+$0x0] =	vst.idx.msk $0xffff, v18  }
0xd2: {  	v19 =	vor.u32 v13, v17;
	v18 =	vld [tilespmem:s2+$0x6200];
	_ =	sdelay $0x4  }
0xd3: {  	[tilespmem:v19+s22+$0x0] =	vst.idx.msk $0xffff, v18  }
0xd4: {  	v19 =	vor.u32 v14, v17;
	v18 =	vld [tilespmem:s2+$0x6280];
	_ =	sdelay $0x4  }
0xd5: {  	[tilespmem:v19+s22+$0x0] =	vst.idx.msk $0xffff, v18  }
0xd6: {  	v19 =	vor.u32 v15, v17;
	v18 =	vld [tilespmem:s2+$0x6300];
	_ =	sdelay $0x3  }
.Ltmp1:
0xd7: {  	(pc) =	sbr.rel @p0 .LBB2_5-.Ltmp1, $3  }
0xd8: {  	[tilespmem:v19+s22+$0x0] =	vst.idx.msk $0xffff, v18  }
0xd9: {  	v19 =	vor.u32 v16, v17;
	v18 =	vld [tilespmem:s2+$0x6380];
	_ =	sdelay $0x1  }
0xda: {  	s30 =	sadd.s32 $0x10, s30;
	v17 =	vmov s28  }
0xdb: {  	_ =	sdelay $0x1  }
0xdc: {  	v17 =	vshll.u32 v17, $0x4;
	s0 =	sadd.s32 $0x80, s29  }
0xdd: {  	s2 =	sand.u32 $0x70, s28;
	s29 =	sand.u32 $0x1C00, s0;
	v17 =	vor.u32 v1, v17  }
0xde: {  	s2 =	sor.u32 s2, s29;
	v17 =	vand.u32 $0x3F80, v17;
	[tilespmem:v19+s22+$0x0] =	vst.idx.msk $0xffff, v18  }
0xdf: {  	v18 =	vld [tilespmem:s2+$0x4000];
	v19 =	vor.u32 v0, v17;
	_ =	sdelay $0x4  }
0xe0: {  	[tilespmem:v19+s22+$0x0] =	vst.idx.msk $0xffff, v18  }
0xe1: {  	v19 =	vor.u32 v2, v17;
	v18 =	vld [tilespmem:s2+$0x4080];
	_ =	sdelay $0x4  }
0xe2: {  	[tilespmem:v19+s22+$0x0] =	vst.idx.msk $0xffff, v18  }
0xe3: {  	v19 =	vor.u32 v3, v17;
	v18 =	vld [tilespmem:s2+$0x4100];
	_ =	sdelay $0x4  }
0xe4: {  	[tilespmem:v19+s22+$0x0] =	vst.idx.msk $0xffff, v18  }
0xe5: {  	v19 =	vor.u32 v4, v17;
	v18 =	vld [tilespmem:s2+$0x4180];
	_ =	sdelay $0x4  }
0xe6: {  	[tilespmem:v19+s22+$0x0] =	vst.idx.msk $0xffff, v18  }
0xe7: {  	v19 =	vor.u32 v5, v17;
	v18 =	vld [tilespmem:s2+$0x4200];
	_ =	sdelay $0x4  }
0xe8: {  	[tilespmem:v19+s22+$0x0] =	vst.idx.msk $0xffff, v18  }
0xe9: {  	v19 =	vor.u32 v6, v17;
	v18 =	vld [tilespmem:s2+$0x4280];
	_ =	sdelay $0x4  }
0xea: {  	[tilespmem:v19+s22+$0x0] =	vst.idx.msk $0xffff, v18  }
0xeb: {  	v19 =	vor.u32 v7, v17;
	v18 =	vld [tilespmem:s2+$0x4300];
	_ =	sdelay $0x3  }
0xec: {  	s0 =	sor.u32 s0, s28  }
0xed: {  	s0 =	sor.u32 $0x380, s0;
	[tilespmem:v19+s22+$0x0] =	vst.idx.msk $0xffff, v18  }
0xee: {  	v19 =	vor.u32 v8, v17;
	v18 =	vld [tilespmem:s0+$0x4000];
	_ =	sdelay $0x4  }
0xef: {  	[tilespmem:v19+s22+$0x0] =	vst.idx.msk $0xffff, v18  }
0xf0: {  	v19 =	vor.u32 v9, v17;
	v18 =	vld [tilespmem:s2+$0x6000];
	_ =	sdelay $0x4  }
0xf1: {  	[tilespmem:v19+s22+$0x0] =	vst.idx.msk $0xffff, v18  }
0xf2: {  	v19 =	vor.u32 v10, v17;
	v18 =	vld [tilespmem:s2+$0x6080];
	_ =	sdelay $0x4  }
0xf3: {  	[tilespmem:v19+s22+$0x0] =	vst.idx.msk $0xffff, v18  }
0xf4: {  	v19 =	vor.u32 v11, v17;
	v18 =	vld [tilespmem:s2+$0x6100];
	_ =	sdelay $0x4  }
0xf5: {  	[tilespmem:v19+s22+$0x0] =	vst.idx.msk $0xffff, v18  }
0xf6: {  	v19 =	vor.u32 v12, v17;
	v18 =	vld [tilespmem:s2+$0x6180];
	_ =	sdelay $0x4  }
0xf7: {  	[tilespmem:v19+s22+$0x0] =	vst.idx.msk $0xffff, v18  }
0xf8: {  	v19 =	vor.u32 v13, v17;
	v18 =	vld [tilespmem:s2+$0x6200];
	_ =	sdelay $0x4  }
0xf9: {  	[tilespmem:v19+s22+$0x0] =	vst.idx.msk $0xffff, v18  }
0xfa: {  	v19 =	vor.u32 v14, v17;
	v18 =	vld [tilespmem:s2+$0x6280];
	_ =	sdelay $0x4  }
0xfb: {  	[tilespmem:v19+s22+$0x0] =	vst.idx.msk $0xffff, v18  }
0xfc: {  	v19 =	vor.u32 v15, v17;
	v18 =	vld [tilespmem:s2+$0x6300];
	_ =	sdelay $0x4  }
0xfd: {  	[tilespmem:v19+s22+$0x0] =	vst.idx.msk $0xffff, v18  }
0xfe: {  	v17 =	vor.u32 v16, v17;
	v18 =	vld [tilespmem:s2+$0x6380];
	_ =	sdelay $0x3  }
0xff: {  	s31 =	sshll.u32 s26, $0x1  }
0x100: {  	s0 =	sadd.s32 s5, s31;
	[tilespmem:v17+s22+$0x0] =	vst.idx.msk $0xffff, v18  }
0x101: {  	[hbm4b:s0+s3] =	stream.linear.scatter [tilespmem:s22], [sflag:$0x4], $0x4000, $0x38;
	[tilespmem:$0x1A000] =	vst v63  }
0x102: {  	_ =	swait.ge [sflag:s20], $0x4000  }
0x103: {  	p0 =	seq.s32 s25, $0x24;
	[sflag:s20] =	ssyncset.done $0x0  }
0x104: {  	s0 =	simm.s32 @p0 $0x3;
	[sflag:s20] =	ssyncadd.s32 $0xFFFFC000  }
0x105: {  	p1 =	seq.s32 @!p0 s25, $0x12;
	_ =	swait.ge @p0 [sflag:s0], $0x9D80  }
0x106: {  	p2 =	por !p1, p0;
	[sflag:s0] =	ssyncset.done @p0 $0x0  }
0x107: {  	s2 =	simm.s32 @p0 $0x10000;
	[sflag:s0] =	ssyncadd.s32 @p0 $0xFFFF6280;
	s0 =	simm.s32 @p0 $0x0  }
0x108: {  	[hbm4b:s9+s0] =	stream.linear.scatter @p0 [tilespmem:s2], [sflag:$0x3], $0x9D80, $0x38;
	[tilespmem:$0x1A000] =	vst v63  }
0x109: {  	s0 =	simm.s32 @!p2 $0x3  }
0x10a: {  	_ =	swait.ge @!p2 [sflag:s0], $0xA000  }
0x10b: {  	[sflag:s0] =	ssyncset.done @!p2 $0x0  }
0x10c: {  	s2 =	simm.s32 @!p2 $0x10000;
	[sflag:s0] =	ssyncadd.s32 @!p2 $0xFFFF6000;
	s0 =	simm.s32 @!p2 $0x0  }
0x10d: {  	[tilespmem:s2], [sflag:$0x3] =	stream.linear.gather @!p2 [hbm4b:s10+s0], $0x9D80, $0x38;
	[tilespmem:$0x1A000] =	vst v63  }
0x10e: {  	p2 =	por p1, p0  }
0x10f: {  	p2 =	sne.s32 @!p2 s25, $0x1  }
0x110: {  	p1 =	por @!p0 p2, p1  }
0x111: {  	p0 =	por p1, p0  }
0x112: {  	s0 =	simm.s32 @!p0 $0x3  }
0x113: {  	_ =	swait.ge @!p0 [sflag:s0], $0xA000  }
0x114: {  	s25 =	sadd.s32 $0x1, s25;
	[sflag:s0] =	ssyncset.done @!p0 $0x0  }
0x115: {  	s2 =	simm.s32 @!p0 $0x10000;
	[sflag:s0] =	ssyncadd.s32 @!p0 $0xFFFF6000;
	s0 =	simm.s32 @!p0 $0x0  }
0x116: {  	[hbm4b:s11+s0] =	stream.linear.scatter @!p0 [tilespmem:s2], [sflag:$0x3], $0xA000, $0x38;
	[tilespmem:$0x1A000] =	vst v63  }
0x117: {  	p0 =	sne.s32 s25, $0x28  }
.Ltmp2:
0x118: {  	_ = 	snop;
	(pc) =	sbr.rel @p0 .LBB2_2-.Ltmp2, $1  }
0x119: {  	_ =	sdelay $0x3  }
0x11a: {  	s24 =	sadd.s32 $0x1, s24  }
0x11b: {  	_ =	swait.ge [sflag:s23], $0x9D80;
	p0 =	sne.s32 s24, s12  }
.Ltmp3:
0x11c: {  	[sflag:s23] =	ssyncset.done $0x0;
	(pc) =	sbr.rel @p0 .LBB2_1-.Ltmp3, $4  }
0x11d: {  	[sflag:s23] =	ssyncadd.s32 $0xFFFF6280  }
0x11e: {  	_ =	swait.ge [sflag:s18], $0x4000  }
0x11f: {  	[sflag:s18] =	ssyncset.done $0x0  }
0x120: {  	[sflag:s18] =	ssyncadd.s32 $0xFFFFC000  }
0x121: {  	_ =	sfence.sel $0x180000  }
0x122: {  	[bflag:$0x0] =	sbarrier.arrive $0xFFFF  }
0x123: {  	_ =	strace $0x90000047  }
0x124: {  	s0 =	stileid.u32;
	[bflag:$0x2] =	sbarrier.arrive $0xFFFF  }
0x125: {  	p0 =	sne.s32 s0, $0x0;
	s0 =	rddreg [dreg:$0x3]  }
0x126: {  	s0 =	sadd.s32 @!p0 $0x100000, s0  }
0x127: {  	[sflag:s0] =	ssyncadd.tile.s32 @!p0 $0x1;
	_ =	shalt  }
.Lfunc_end2:
_tile_overlayer_lowered:
.L_overlay_start_2:
0x128: {  	(tag) =	ssettag $0x2  }
0x129: {  	s0 =	rddreg [dreg:$0x0];
	s2 =	stileid.u32  }
0x12a: {  	s1 =	rddreg [dreg:$0x1];
	p0 =	sne.s32 s2, $0x0  }
0x12b: {  	s3 =	rddreg [dreg:$0x2];
	[bflag:$0x3] =	sbarrier.arrive $0xFFFF;
	s2 =	simm.s32 @!p0 $0x1C04  }
0x12c: {  	[timem:s3], [sflag:s2] =	dma.local @!p0 [hbm:s0], s1  }
0x12d: {  	s0 =	simm.s32 @!p0 $0x4  }
0x12e: {  	_ =	swait.ge @!p0 [sflag:s0], s1  }
0x12f: {  	s1 =	ssub.s32 @!p0 $0x0, s1;
	[sflag:s0] =	ssyncset.done @!p0 $0x0  }
0x130: {  	[sflag:s0] =	ssyncadd.s32 @!p0 s1  }
0x131: {  	[bflag:$0x3] =	sbarrier.arrive $0xFFFF  }
0x132: {  	_ =	shalt  }

// kernel: kernel.8.cloned.1.call-start
scs
__scs_entry_jumppad:
0x0: {  	(pc) =	sbr.rel $0x88, $3  }
0x1: {  	(tag) =	ssettag $0x0;
	lr =	simm.s32 $0x1  }
0x2: {  	[smem:$0x3F97] =	sst lr;
	_ =	strace $0xD0000000  }
0x3: {  	_ = 	snop  }
0x4: {  	_ = 	snop  }
0x5: {  	_ = 	snop  }
0x6: {  	_ = 	snop  }
0x7: {  	_ = 	snop  }
__scs_overlays_trampoline_lowered:
0x8: {  	[smem:$0x3FA6] =	sst s0  }
0x9: {  	[smem:$0x3FA7] =	sst s1  }
0xa: {  	[smem:$0x3FA8] =	sst s2  }
0xb: {  	[smem:$0x3FA9] =	sst s3  }
0xc: {  	[smem:$0x3FAA] =	sst s4  }
0xd: {  	[smem:$0x3FAB] =	sst s5  }
0xe: {  	[smem:$0x3FAC] =	sst s6  }
0xf: {  	[smem:$0x3FAD] =	sst s7  }
0x10: {  	[smem:$0x3FAE] =	sst s8  }
0x11: {  	[smem:$0x3FAF] =	sst s9;
	s0 =	simm.s32 @!p0 $0x0  }
0x12: {  	s1 =	sld [smem:$0x3F95];
	s0 =	simm.s32 @p0 $0x1  }
0x13: {  	[smem:$0x3FB0] =	sst s0;
	s0 =	simm.s32 @!p1 $0x0  }
0x14: {  	s2 =	sld [smem:$0x3F94];
	s0 =	simm.s32 @p1 $0x1  }
0x15: {  	[smem:$0x3FB1] =	sst s0;
	s0 =	simm.s32 @!p2 $0x0  }
0x16: {  	s3 =	sld [smem:$0x3FDB];
	s0 =	simm.s32 @p2 $0x1  }
0x17: {  	s4 =	simm.s32 $0x1BF5;
	[smem:$0x3FB3] =	sst s0  }
0x18: {  	s0 =	sld [smem:$0x3F96];
	_ =	swait.ge [sflag:s4], $0x0  }
0x19: {  	s7 =	sld [smem:$0x3F97]  }
0x1a: {  	s8 =	sadd.s32 $0xFFFFE003, lr  }
0x1b: {  	s9 =	sadd.s32 $0xFFFFFEF7, lr;
	s5 =	simm.s32 $0xFFFFFFFF;
	p2 =	slt.u32 s8, $0xFFFFF086  }
0x1c: {  	p1 =	slt.u32 s9, $0xF7A;
	s5 =	simm.s32 @!p2 $0x0  }
0x1d: {  	s5 =	simm.s32 @p1 $0x1;
	p0 =	seq.s32 s7, s2  }
0x1e: {  	s7 =	smul.u32 @!p0 $0xF7A, s2;
	p2 =	seq.s32 @!p0 s5, $0x0  }
0x1f: {  	s9 =	smul.u32 $0xF7A, s1;
	s8 =	simm.s32 @!p0 $0x1BF5;
	p2 =	por !p2, p0  }
0x20: {  	[sflag:s8] =	ssyncset.s32 @!p0 $0xFFFFF086;
	s6 =	sadd.s32 @!p0 s3, s7;
	s7 =	simm.s32 @!p0 $0x108  }
0x21: {  	s3 =	sadd.s32 s3, s9;
	s6 =	sadd.s32 @!p0 $0x88, s6;
	s7 =	simm.s32 @p2 $0x1082  }
0x22: {  	[simem:s7], [sflag:s8] =	dma.local @!p0 [hbm:s6], $0xF7A  }
0x23: {  	s9 =	sor.u32 $0xD0000000, s2;
	s6 =	simm.s32 $0x108;
	_ =	swait.ge @!p0 [sflag:s8], $0x0  }
0x24: {  	s3 =	sadd.s32 $0x88, s3;
	s6 =	simm.s32 @!p1 $0x1082;
	[sflag:s4] =	ssyncset.s32 $0xFFFFF086  }
0x25: {  	[simem:s6], [sflag:s4] =	dma.local [hbm:s3], $0xF7A  }
0x26: {  	[smem:$0x3F97] =	sst s1;
	(tag) =	ssettag s2;
	_ =	strace s9  }
0x27: {  	s1 =	sld [smem:$0x3FA7]  }
0x28: {  	s2 =	sld [smem:$0x3FA8]  }
0x29: {  	s4 =	sld [smem:$0x3FAA]  }
0x2a: {  	p0 =	seq.s32 s5, $0x0;
	s5 =	sld [smem:$0x3FAB]  }
0x2b: {  	s6 =	sld [smem:$0x3FAC]  }
0x2c: {  	s7 =	sld [smem:$0x3FAD]  }
0x2d: {  	s3 =	simm.s32 $0x108;
	s8 =	sld [smem:$0x3FAE]  }
0x2e: {  	s3 =	simm.s32 @!p0 $0x1082;
	s9 =	sld [smem:$0x3FAF]  }
0x2f: {  	lr =	sadd.s32 s0, s3;
	s0 =	sld [smem:$0x3FA6]  }
0x30: {  	s3 =	sld [smem:$0x3FA9]  }
0x31: {  	[smem:$0x3FB2] =	sst s10  }
0x32: {  	s10 =	sld [smem:$0x3FB0];
	_ =	sdelay $0x3  }
0x33: {  	p0 =	seq.s32 s10, $0x1;
	s10 =	sld [smem:$0x3FB2];
	_ =	sdelay $0x3  }
0x34: {  	[smem:$0x3FB2] =	sst s10  }
0x35: {  	s10 =	sld [smem:$0x3FB1];
	_ =	sdelay $0x3  }
0x36: {  	p1 =	seq.s32 s10, $0x1;
	s10 =	sld [smem:$0x3FB2];
	_ =	sdelay $0x3  }
0x37: {  	[smem:$0x3FB2] =	sst s10  }
0x38: {  	s10 =	sld [smem:$0x3FB3]  }
0x39: {  	_ = 	snop;
	(pc) =	sbr.ind lr, $3  }
0x3a: {  	_ = 	snop  }
0x3b: {  	_ = 	snop  }
0x3c: {  	p2 =	seq.s32 s10, $0x1;
	s10 =	sld [smem:$0x3FB2]  }
0x3d: {  	_ =	shalt  }
0x3e: {  	_ =	shalt  }
0x3f: {  	_ =	shalt  }
0x40: {  	_ =	shalt  }
0x41: {  	_ =	shalt  }
0x42: {  	_ =	shalt  }
0x43: {  	_ =	shalt  }
0x44: {  	_ =	shalt  }
0x45: {  	_ =	shalt  }
0x46: {  	_ =	shalt  }
0x47: {  	_ =	shalt  }
0x48: {  	_ =	shalt  }
0x49: {  	_ =	shalt  }
0x4a: {  	_ =	shalt  }
0x4b: {  	_ =	shalt  }
0x4c: {  	_ =	shalt  }
0x4d: {  	_ =	shalt  }
0x4e: {  	_ =	shalt  }
0x4f: {  	_ =	shalt  }
0x50: {  	_ =	shalt  }
0x51: {  	_ =	shalt  }
0x52: {  	_ =	shalt  }
0x53: {  	_ =	shalt  }
0x54: {  	_ =	shalt  }
0x55: {  	_ =	shalt  }
0x56: {  	_ =	shalt  }
0x57: {  	_ =	shalt  }
0x58: {  	_ =	shalt  }
0x59: {  	_ =	shalt  }
0x5a: {  	_ =	shalt  }
0x5b: {  	_ =	shalt  }
0x5c: {  	_ =	shalt  }
0x5d: {  	_ =	shalt  }
0x5e: {  	_ =	shalt  }
0x5f: {  	_ =	shalt  }
0x60: {  	_ =	shalt  }
0x61: {  	_ =	shalt  }
0x62: {  	_ =	shalt  }
0x63: {  	_ =	shalt  }
0x64: {  	_ =	shalt  }
0x65: {  	_ =	shalt  }
0x66: {  	_ =	shalt  }
0x67: {  	_ =	shalt  }
0x68: {  	_ =	shalt  }
0x69: {  	_ =	shalt  }
0x6a: {  	_ =	shalt  }
0x6b: {  	_ =	shalt  }
0x6c: {  	_ =	shalt  }
0x6d: {  	_ =	shalt  }
0x6e: {  	_ =	shalt  }
0x6f: {  	_ =	shalt  }
0x70: {  	_ =	shalt  }
0x71: {  	_ =	shalt  }
0x72: {  	_ =	shalt  }
0x73: {  	_ =	shalt  }
0x74: {  	_ =	shalt  }
0x75: {  	_ =	shalt  }
0x76: {  	_ =	shalt  }
0x77: {  	_ =	shalt  }
0x78: {  	_ =	shalt  }
0x79: {  	_ =	shalt  }
0x7a: {  	_ =	shalt  }
0x7b: {  	_ =	shalt  }
0x7c: {  	_ =	shalt  }
0x7d: {  	_ =	shalt  }
0x7e: {  	_ =	shalt  }
0x7f: {  	_ =	shalt  }
0x80: {  	_ =	shalt  }
0x81: {  	_ =	shalt  }
0x82: {  	_ =	shalt  }
0x83: {  	_ =	shalt  }
0x84: {  	_ =	shalt  }
0x85: {  	_ =	shalt  }
0x86: {  	_ =	shalt  }
0x87: {  	_ =	shalt  }
.Lfunc_end0:
.L_simem_size_0:
called_computation.1_lowered:
.L_overlay_start_0:
0x88: {  	s2 =	sld [smem:$0x3FD9]  }
0x89: {  	s3 =	sld [smem:$0x3FFE];
	_ =	sdelay $0x1  }
0x8a: {  	s1 =	srdreg.scid  }
0x8b: {  	s0 =	sand.u32 $0x1, s1  }
0x8c: {  	s17 =	sshll.u32 s0, $0xA;
	s2 =	sadd.s32 s3, s2  }
0x8d: {  	s2 =	sadd.s32 s2, s17  }
0x8e: {  	[smem:$0x3FBE] =	sst s2  }
0x8f: {  	_ = 	snop  }
0x90: {  	s2 =	sld [smem:$0x3FD0];
	(tm) =	ssettm $0x1  }
0x91: {  	s18 =	sld [smem:$0x3FFB];
	_ =	sdelay $0x3  }
0x92: {  	_ =	strace s18  }
0x93: {  	s3 =	sld [smem:$0x3FFC];
	_ =	sdelay $0x3  }
0x94: {  	_ =	strace s3  }
0x95: {  	s3 =	sld [smem:$0x3FFD];
	_ =	sdelay $0x3  }
0x96: {  	_ =	strace s3  }
0x97: {  	_ =	strace $0x8FFFFFFF  }
0x98: {  	s19 =	sld [smem:$0x3FDB];
	_ =	sdelay $0x1  }
0x99: {  	s4 =	simm.s32 $_scs_section_size  }
0x9a: {  	s5 =	simm.s32 $_size__tile_overlayer_lowered;
	s6 =	simm.s32 $_tile_overlayer_lowered  }
0x9b: {  	s22 =	simm.s32 $0x1BFF;
	s21 =	sshll.u32 s6, $0x1;
	s3 =	sadd.s32 s4, s19  }
0x9c: {  	s7 =	simm.s32 $0x0;
	s20 =	sshll.u32 s5, $0x1;
	s5 =	sadd.s32 s21, s3  }
0x9d: {  	[timem:s7], [sflag:s22] =	dma.local [hbm:s5], s20  }
0x9e: {  	_ =	swait.ge [sflag:s22], s20  }
0x9f: {  	s4 =	ssub.s32 $0x0, s20;
	[sflag:s22] =	ssyncset.done $0x0  }
0xa0: {  	[sflag:s22] =	ssyncadd.s32 s4;
	_ =	sdelay $0x1  }
0xa1: {  	s23 =	simm.s32 $0x1B8B  }
0xa2: {  	_ =	swait.ge [sflag:s23], $0x1  }
0xa3: {  	[sflag:s23] =	ssyncset.done $0x0  }
0xa4: {  	s25 =	simm.s32 $0x1B8E;
	s24 =	sld [smem:$0x3FFE];
	[sflag:s23] =	ssyncadd.s32 $0xFFFFFFFF  }
0xa5: {  	s26 =	simm.s32 $execute0_lowered;
	[smem:$0x3FD2] =	sst s25  }
0xa6: {  	s5 =	sshll.u32 s26, $0x1;
	_ =	strace $0x80000049;
	[dreg:$0x1] =	wrdreg $0xFFFFFFFF  }
0xa7: {  	s28 =	simm.s32 $_size_execute0_lowered;
	s3 =	sadd.s32 s3, s5;
	[dreg:$0x0] =	wrdreg $0x0  }
0xa8: {  	s5 =	sshll.u32 s28, $0x1;
	[dreg:$0x2] =	wrdreg s3  }
0xa9: {  	[dreg:$0x3] =	wrdreg s5  }
0xaa: {  	[dreg:$0x4] =	wrdreg $0xC0  }
0xab: {  	_ =	task [dreg:s7], $0x5FFFF  }
0xac: {  	[dreg:$0x1] =	wrdreg $0xFFFFFFFF  }
0xad: {  	[dreg:$0x0] =	wrdreg $0x60  }
0xae: {  	[dreg:$0x2] =	wrdreg s24  }
0xaf: {  	[dreg:$0x3] =	wrdreg s2  }
0xb0: {  	[dreg:$0x4] =	wrdreg $0x9  }
0xb1: {  	_ =	task.clear_ibuf [dreg:s7], $0x5FFFF;
	_ =	strace $0x90000049  }
0xb2: {  	s29 =	simm.s32 $0x9;
	_ =	strace $0x8000004B  }
0xb3: {  	_ =	swait.ge [sflag:s29], $0x1  }
0xb4: {  	[sflag:s29] =	ssyncadd.s32 $0xFFFFFFFF  }
0xb5: {  	_ =	strace $0x9000004B  }
0xb6: {  	_ =	sfence  }
0xb7: {  	s30 =	sld [smem:$0x0];
	_ =	sdelay $0x2  }
0xb8: {  	s31 =	sshll.u32 s1, $0xD;
	s1 =	sshrl.u32 s1, $0x2  }
0xb9: {  	s3 =	sand.u32 $0x4000, s31;
	s1 =	sadd.s32 s1, s30  }
0xba: {  	s0 =	sor.u32 s3, s0;
	s1 =	sshll.u32 s1, $0x11  }
0xbb: {  	s0 =	sor.u32 s1, s0  }
0xbc: {  	s0 =	sadd.s32 $0x8F2B, s0  }
0xbd: {  	[sflag:s0] =	ssyncadd.remote.s32 $0x1  }
0xbe: {  	_ =	sfence.sel $0xFFFF  }
0xbf: {  	[dreg:$0x0] =	wrdreg $0xFFFFFFFF;
	(pc) =	sbr.abs _section_cstart, $3  }
0xc0: {  	[dreg:$0x1] =	wrdreg $0xFFFFFFFF  }
0xc1: {  	_ =	task.clear_ibuf [dreg:s7], $0x2FFFF;
	_ =	strace $0x9FFFFFFF  }
0xc2: {  	(tm) =	ssettm $0x7FFFFFFF  }
0xc3: {  	_ =	shalt  }
tec
execute0_lowered:
.L_overlay_start_1:
0x0: {  	(tag) =	ssettag $0x1  }
0x1: {  	s0 =	rddreg [dreg:$0x0];
	s3 =	simm.s32 $0x0  }
0x2: {  	s1 =	srdreg.scid;
	s2 =	stileid.u32;
	s14 =	simm.s32 $0x5  }
0x3: {  	s15 =	simm.s32 $0x12040;
	s16 =	simm.s32 $0x340;
	s17 =	simm.s32 $0x1040  }
0x4: {  	s18 =	simm.s32 $0x680;
	s19 =	simm.s32 $0x7840;
	s20 =	simm.s32 $0x4440  }
0x5: {  	s21 =	simm.s32 $0x9C0;
	s22 =	simm.s32 $0xAC40;
	s23 =	simm.s32 $0x1  }
0x6: {  	s24 =	simm.s32 $0x3;
	s25 =	simm.s32 $0xE040;
	s26 =	simm.s32 $0x2  }
0x7: {  	s28 =	simm.s32 $0x4;
	s29 =	simm.s32 $0x0;
	s30 =	simm.s32 $0x0  }
0x8: {  	[smem:$0x7FF] =	sst s3;
	s1 =	sand.u32 $0x1, s1;
	s4 =	sadd.s32 $0x546A00, s0  }
0x9: {  	s2 =	sshll.u32 s2, $0x1;
	s5 =	sadd.s32 $0x1A00, s0;
	s6 =	sadd.s32 $0x4F7400, s0  }
.Ltmp0:
0xa: {  	s8 =	sadd.s32 $0x553A00, s0;
	s2 =	sor.u32 s1, s2;
	(pc) =	sbr.rel .LBB2_1-.Ltmp0, $4  }
0xb: {  	s1 =	ssub.s32 $0x2, s1;
	s7 =	smul.u32 $0x3400, s2;
	s2 =	sshll.u32 s2, $0xF  }
0xc: {  	_ =	strace $0x8000004A;
	s31 =	sshrl.u32 s1, $0x1;
	s0 =	sadd.s32 s2, s0  }
0xd: {  	s1 =	ssub.s32 s1, s31;
	s9 =	sshrl.u32 s7, $0x3;
	s10 =	sadd.s32 $0x553C00, s0  }
0xe: {  	v0 =	vimm.f32 $0.0e+00;
	v1 =	vlaneseq.u32;
	v2 =	vimm.s32 $0x0;
	s11 =	sadd.s32 $0x680, s7;
	s12 =	smax.u32 s1, $0x1;
	s9 =	sadd.s32 s4, s9  }
.LBB2_27:
0xf: {  	s29 =	sadd.s32 $0x1, s29  }
0x10: {  	_ =	swait.ge [sflag:s23], $0x3400;
	p0 =	sne.s32 s29, s12  }
.Ltmp1:
0x11: {  	[sflag:s23] =	ssyncset.done $0x0;
	(pc) =	sbr.rel @!p0 .LBB2_28-.Ltmp1, $4  }
0x12: {  	[sflag:s23] =	ssyncadd.s32 $0xFFFFCC00  }
0x13: {  	_ =	swait.ge [sflag:s24], $0x3400  }
0x14: {  	[sflag:s24] =	ssyncset.done $0x0  }
0x15: {  	[sflag:s24] =	ssyncadd.s32 $0xFFFFCC00  }
.LBB2_1:
0x16: {  	s0 =	simm.s32 $0xD00  }
0x17: {  	[tilespmem:s0], [sflag:$0x5] =	stream.linear.gather [hbm4b:s8+s3], $0x340, $0x38;
	[tilespmem:$0x12640] =	vst v63  }
0x18: {  	_ =	swait.ge [sflag:s14], $0x340  }
0x19: {  	[sflag:s14] =	ssyncset.done $0x0  }
0x1a: {  	[sflag:s14] =	ssyncadd.s32 $0xFFFFFCC0  }
0x1b: {  	s31 =	rddreg [dreg:$0x1]  }
0x1c: {  	[tilespmem:s15], [sflag:$0x5] =	stream.linear.gather [hbm4b:s31+s3], $0x600, $0x38;
	[tilespmem:$0x12640] =	vst v63  }
0x1d: {  	_ =	swait.ge [sflag:s14], $0x600  }
0x1e: {  	[sflag:s14] =	ssyncset.done $0x0  }
0x1f: {  	s0 =	simm.s32 $0x0;
	[sflag:s14] =	ssyncadd.s32 $0xFFFFFA00  }
0x20: {  	[tilespmem:s0+$0xE230] =	vst v0  }
0x21: {  	[tilespmem:s0+$0xE1E0] =	vst v0  }
0x22: {  	[tilespmem:s0+$0xE1F0] =	vst v0  }
0x23: {  	[tilespmem:s0+$0xE200] =	vst v0  }
0x24: {  	s1 =	simm.s32 $0x800;
	[tilespmem:s0+$0xE210] =	vst v0  }
.LBB2_2:
0x25: {  	p0 =	sne.s32 s1, $0xF800;
	[tilespmem:s0+$0xE220] =	vst v0;
	s0 =	sshra.s32 s1, $0x2;
	s1 =	sadd.s32 $0x800, s1  }
.Ltmp2:
0x26: {  	[tilespmem:s0+$0xE230] =	vst v0;
	(pc) =	sbr.rel @p0 .LBB2_2-.Ltmp2, $4  }
0x27: {  	[tilespmem:s0+$0xE1E0] =	vst v0  }
0x28: {  	[tilespmem:s0+$0xE1F0] =	vst v0  }
0x29: {  	[tilespmem:s0+$0xE200] =	vst v0  }
0x2a: {  	[tilespmem:s0+$0xE210] =	vst v0  }
0x2b: {  	[tilespmem:s0+$0xE220] =	vst v0;
	s31 =	simm.s32 $0x0  }
0x2c: {  	[tilespmem:s31], [sflag:$0x5] =	stream.linear.gather [hbm4b:s9+s31], $0x340, $0x38;
	[tilespmem:$0x12640] =	vst v63  }
0x2d: {  	_ =	swait.ge [sflag:s14], $0x340  }
0x2e: {  	[sflag:s14] =	ssyncset.done $0x0  }
0x2f: {  	s0 =	simm.s32 $0x0;
	[sflag:s14] =	ssyncadd.s32 $0xFFFFFCC0  }
0x30: {  	v3 =	vld [tilespmem:s0+$0xD00]  }
0x31: {  	v4 =	vld [tilespmem:s0+$0x0];
	_ =	sdelay $0x4  }
0x32: {  	s1 =	simm.s32 $0x10;
	s2 =	simm.s32 $0x80;
	v3 =	vadd.s32 v4, v3  }
.LBB2_4:
0x33: {  	p0 =	sne.s32 s2, $0xCC0;
	v4 =	vld [tilespmem:s1+$0xD00];
	[tilespmem:s0+$0x0] =	vst v3;
	v3 =	vshrl.u32 v3, $0x4  }
0x34: {  	v5 =	vld [tilespmem:s1+$0x0];
	[tilespmem:s0+$0x680] =	vst v3;
	s0 =	smov.u32 s1  }
.Ltmp3:
0x35: {  	(pc) =	sbr.rel @p0 .LBB2_4-.Ltmp3, $2  }
0x36: {  	_ =	sdelay $0x2  }
0x37: {  	s1 =	sshra.s32 s2, $0x2;
	s2 =	sadd.s32 $0x40, s2;
	v3 =	vadd.s32 v5, v4  }
0x38: {  	v4 =	vld [tilespmem:s1+$0xD00];
	[tilespmem:s0+$0x0] =	vst v3  }
0x39: {  	v5 =	vld [tilespmem:s1+$0x0];
	_ =	sdelay $0x3  }
0x3a: {  	v3 =	vshrl.u32 v3, $0x4  }
0x3b: {  	[tilespmem:s0+$0x680] =	vst v3;
	v3 =	vadd.s32 v5, v4  }
.Ltmp4:
0x3c: {  	[tilespmem:s1+$0x0] =	vst v3;
	v3 =	vshrl.u32 v3, $0x4;
	(pc) =	sbr.rel .LBB2_6-.Ltmp4, $4  }
0x3d: {  	[tilespmem:s1+$0x680] =	vst v3  }
0x3e: {  	[tilespmem:s17], [sflag:$0x1] =	stream.indirect.gather [hbm4b:s5+s16], $0x10, s30, s16, $0xb8;
	[tilespmem:$0x12640] =	vst v63  }
0x3f: {  	s31 =	simm.s32 $0x0  }
0x40: {  	[tilespmem:s19], [sflag:$0x3] =	stream.indirect.gather [hbm4b:s6+s16], $0x10, s18, s16, $0xb8;
	[tilespmem:$0x12640] =	vst v63  }
.LBB2_26:
0x41: {  	s31 =	sadd.s32 $0x1, s31  }
0x42: {  	s0 =	sshll.u32 s0, $0xB;
	p0 =	sne.s32 s31, $0x8  }
.Ltmp5:
0x43: {  	s0 =	sadd.s32 s0, s10;
	(pc) =	sbr.rel @!p0 .LBB2_27-.Ltmp5, $4  }
0x44: {  	[hbm4b:s0+s3] =	stream.linear.scatter [tilespmem:s25], [sflag:$0x5], $0x4000, $0x38;
	[tilespmem:$0x12640] =	vst v63  }
0x45: {  	_ =	swait.ge [sflag:s14], $0x4000  }
0x46: {  	[sflag:s14] =	ssyncset.done $0x0  }
0x47: {  	[sflag:s14] =	ssyncadd.s32 $0xFFFFC000  }
.LBB2_6:
0x48: {  	s0 =	sshllo.u32 s31, $0x1  }
0x49: {  	s1 =	smul.u32 $0x340, s0;
	_ =	sdelay $0x1  }
0x4a: {  	s1 =	sadd.s32 s7, s1  }
0x4b: {  	s1 =	sshrl.u32 s1, $0x3  }
0x4c: {  	s1 =	sadd.s32 s4, s1  }
0x4d: {  	[tilespmem:s16], [sflag:$0x5] =	stream.linear.gather [hbm4b:s1+s30], $0x340, $0x38;
	[tilespmem:$0x12640] =	vst v63  }
0x4e: {  	_ =	swait.ge [sflag:s14], $0x340  }
0x4f: {  	[sflag:s14] =	ssyncset.done $0x0  }
0x50: {  	s1 =	simm.s32 $0x0;
	[sflag:s14] =	ssyncadd.s32 $0xFFFFFCC0  }
0x51: {  	v3 =	vld [tilespmem:s1+$0xD00]  }
0x52: {  	v4 =	vld [tilespmem:s1+$0x340];
	_ =	sdelay $0x4  }
0x53: {  	s2 =	simm.s32 $0x10;
	s13 =	simm.s32 $0x80;
	v3 =	vadd.s32 v4, v3  }
.LBB2_7:
0x54: {  	p0 =	sne.s32 s13, $0xCC0;
	v4 =	vld [tilespmem:s2+$0xD00];
	[tilespmem:s1+$0x340] =	vst v3;
	v3 =	vshrl.u32 v3, $0x4  }
0x55: {  	v5 =	vld [tilespmem:s2+$0x340];
	[tilespmem:s1+$0x9C0] =	vst v3;
	s1 =	smov.u32 s2  }
.Ltmp6:
0x56: {  	(pc) =	sbr.rel @p0 .LBB2_7-.Ltmp6, $2  }
0x57: {  	_ =	sdelay $0x2  }
0x58: {  	s2 =	sshra.s32 s13, $0x2;
	s13 =	sadd.s32 $0x40, s13;
	v3 =	vadd.s32 v5, v4  }
0x59: {  	v4 =	vld [tilespmem:s2+$0xD00];
	[tilespmem:s1+$0x340] =	vst v3  }
0x5a: {  	v5 =	vld [tilespmem:s2+$0x340];
	_ =	sdelay $0x3  }
0x5b: {  	v3 =	vshrl.u32 v3, $0x4  }
0x5c: {  	[tilespmem:s1+$0x9C0] =	vst v3;
	v3 =	vadd.s32 v5, v4  }
0x5d: {  	[tilespmem:s2+$0x340] =	vst v3;
	v3 =	vshrl.u32 v3, $0x4  }
0x5e: {  	[tilespmem:s2+$0x9C0] =	vst v3  }
0x5f: {  	[tilespmem:s20], [sflag:$0x2] =	stream.indirect.gather [hbm4b:s5+s16], $0x10, s16, s16, $0xb8;
	[tilespmem:$0x12640] =	vst v63  }
0x60: {  	_ = 	snop  }
0x61: {  	[tilespmem:s22], [sflag:$0x4] =	stream.indirect.gather [hbm4b:s6+s16], $0x10, s21, s16, $0xb8;
	[tilespmem:$0x12640] =	vst v63  }
0x62: {  	_ =	swait.ge [sflag:s23], $0x3400  }
0x63: {  	[sflag:s23] =	ssyncset.done $0x0  }
0x64: {  	[sflag:s23] =	ssyncadd.s32 $0xFFFFCC00  }
0x65: {  	_ =	swait.ge [sflag:s24], $0x3400  }
0x66: {  	[sflag:s24] =	ssyncset.done $0x0  }
0x67: {  	s1 =	simm.s32 $0x0;
	s2 =	simm.s32 $0x0;
	[sflag:s24] =	ssyncadd.s32 $0xFFFFCC00  }
.LBB2_9:
0x68: {  	v3 =	vld [tilespmem:s1+$0x0]  }
0x69: {  	v4 =	vor.u32 s2, v1  }
0x6a: {  	v5 =	vmulhi.u32 $0x4EC4EC4F, v4;
	_ =	sdelay $0x1  }
0x6b: {  	v5 =	vshrl.u32 v5, $0x3  }
0x6c: {  	v6 =	vshll.u32 v4, $0x4;
	v7 =	vmul.u32 $0xFFFFFFE6, v5;
	v3 =	vand.u32 $0xF, v3  }
0x6d: {  	v3 =	vor.u32 v6, v3  }
0x6e: {  	v4 =	vadd.s32 v4, v7  }
0x6f: {  	v5 =	vshll.u32 v5, $0x9;
	v63 =	vand.u32 $0x18, v4  }
0x70: {  	v4 =	vand.u32 $0x7, v4;
	v5 =	vor.u32 v5, v63  }
0x71: {  	v4 =	vor.u32 v4, v5  }
0x72: {  	p0 =	sne.s32 s2, $0x330;
	v4 =	vor.u32 $0x1A0, v4;
	v3 =	vld.idx.msk [tilespmem:v3+s19+$0x0], $0xffff  }
.Ltmp7:
0x73: {  	_ = 	snop;
	(pc) =	sbr.rel @p0 .LBB2_9-.Ltmp7, $2  }
0x74: {  	_ =	sdelay $0x2  }
0x75: {  	s1 =	sadd.s32 $0x10, s1;
	s2 =	sadd.s32 $0x10, s2;
	[tilespmem:v4+s25+$0x0] =	vst.idx.msk $0xffff, v3  }
0x76: {  	s2 =	simm.s32 $0x0  }
0x77: {  	v3 =	vld [tilespmem:s2+$0x1040];
	_ =	sdelay $0x3  }
0x78: {  	s1 =	simm.s32 $0xE110  }
0x79: {  	[tilespmem:s1+$0xFFFFFF30] =	vst v3  }
0x7a: {  	v3 =	vld [tilespmem:s2+$0x1050];
	_ =	sdelay $0x4  }
0x7b: {  	[tilespmem:s1+$0xFFFFFF40] =	vst v3  }
0x7c: {  	v3 =	vld [tilespmem:s2+$0x1060];
	_ =	sdelay $0x4  }
0x7d: {  	[tilespmem:s1+$0xFFFFFF50] =	vst v3  }
0x7e: {  	v3 =	vld [tilespmem:s2+$0x1070];
	_ =	sdelay $0x4  }
0x7f: {  	[tilespmem:s1+$0xFFFFFF60] =	vst v3  }
0x80: {  	v3 =	vld [tilespmem:s2+$0x1080];
	_ =	sdelay $0x4  }
0x81: {  	[tilespmem:s1+$0xFFFFFF70] =	vst v3  }
0x82: {  	v3 =	vld [tilespmem:s2+$0x1090];
	_ =	sdelay $0x4  }
0x83: {  	[tilespmem:s1+$0xFFFFFF80] =	vst v3  }
0x84: {  	v3 =	vld [tilespmem:s2+$0x10A0];
	_ =	sdelay $0x4  }
0x85: {  	[tilespmem:s1+$0xFFFFFF90] =	vst v3  }
0x86: {  	v3 =	vld [tilespmem:s2+$0x10B0];
	_ =	sdelay $0x4  }
0x87: {  	[tilespmem:s1+$0xFFFFFFA0] =	vst v3  }
0x88: {  	v3 =	vld [tilespmem:s2+$0x10C0];
	_ =	sdelay $0x4  }
0x89: {  	[tilespmem:s1+$0xFFFFFFB0] =	vst v3  }
0x8a: {  	v3 =	vld [tilespmem:s2+$0x10D0];
	_ =	sdelay $0x4  }
0x8b: {  	[tilespmem:s1+$0xFFFFFFC0] =	vst v3  }
0x8c: {  	v3 =	vld [tilespmem:s2+$0x10E0];
	_ =	sdelay $0x4  }
0x8d: {  	[tilespmem:s1+$0xFFFFFFD0] =	vst v3  }
0x8e: {  	v3 =	vld [tilespmem:s2+$0x10F0];
	_ =	sdelay $0x4  }
0x8f: {  	[tilespmem:s1+$0xFFFFFFE0] =	vst v3  }
0x90: {  	v3 =	vld [tilespmem:s2+$0x1100];
	_ =	sdelay $0x4  }
0x91: {  	[tilespmem:s1+$0xFFFFFFF0] =	vst v3  }
0x92: {  	v3 =	vld [tilespmem:s2+$0x1110];
	_ =	sdelay $0x4  }
0x93: {  	[tilespmem:s1+$0x0] =	vst v3  }
0x94: {  	v3 =	vld [tilespmem:s2+$0x1120];
	_ =	sdelay $0x4  }
0x95: {  	[tilespmem:s1+$0x10] =	vst v3  }
0x96: {  	v3 =	vld [tilespmem:s2+$0x1130];
	_ =	sdelay $0x4  }
0x97: {  	[tilespmem:s1+$0x20] =	vst v3  }
0x98: {  	v3 =	vld [tilespmem:s2+$0x1140];
	_ =	sdelay $0x4  }
0x99: {  	[tilespmem:s1+$0x30] =	vst v3  }
0x9a: {  	v3 =	vld [tilespmem:s2+$0x1150];
	_ =	sdelay $0x4  }
0x9b: {  	[tilespmem:s1+$0x40] =	vst v3  }
0x9c: {  	v3 =	vld [tilespmem:s2+$0x1160];
	_ =	sdelay $0x4  }
0x9d: {  	[tilespmem:s1+$0x50] =	vst v3  }
0x9e: {  	v3 =	vld [tilespmem:s2+$0x1170];
	_ =	sdelay $0x4  }
0x9f: {  	[tilespmem:s1+$0x60] =	vst v3  }
0xa0: {  	v3 =	vld [tilespmem:s2+$0x1180];
	_ =	sdelay $0x4  }
0xa1: {  	[tilespmem:s1+$0x70] =	vst v3  }
0xa2: {  	v3 =	vld [tilespmem:s2+$0x1190];
	_ =	sdelay $0x4  }
0xa3: {  	[tilespmem:s1+$0x80] =	vst v3  }
0xa4: {  	v3 =	vld [tilespmem:s2+$0x11A0];
	_ =	sdelay $0x4  }
0xa5: {  	[tilespmem:s1+$0x90] =	vst v3  }
0xa6: {  	v3 =	vld [tilespmem:s2+$0x11B0];
	_ =	sdelay $0x4  }
0xa7: {  	[tilespmem:s1+$0xA0] =	vst v3  }
0xa8: {  	v3 =	vld [tilespmem:s2+$0x11C0];
	_ =	sdelay $0x4  }
0xa9: {  	[tilespmem:s1+$0xB0] =	vst v3  }
0xaa: {  	v3 =	vld [tilespmem:s2+$0x11D0];
	_ =	sdelay $0x4  }
0xab: {  	s13 =	simm.s32 $0xD00;
	s2 =	simm.s32 $0x1A0;
	[tilespmem:s1+$0xC0] =	vst v3  }
.LBB2_11:
0xac: {  	p0 =	sne.s32 s13, $0xC980;
	v3 =	vld [tilespmem:s2+$0x1040];
	_ =	sdelay $0x3  }
0xad: {  	s1 =	sadd.s32 $0x200, s1  }
0xae: {  	[tilespmem:s1+$0xFFFFFF30] =	vst v3  }
0xaf: {  	v3 =	vld [tilespmem:s2+$0x1050];
	_ =	sdelay $0x4  }
0xb0: {  	[tilespmem:s1+$0xFFFFFF40] =	vst v3  }
0xb1: {  	v3 =	vld [tilespmem:s2+$0x1060];
	_ =	sdelay $0x4  }
0xb2: {  	[tilespmem:s1+$0xFFFFFF50] =	vst v3  }
0xb3: {  	v3 =	vld [tilespmem:s2+$0x1070];
	_ =	sdelay $0x4  }
0xb4: {  	[tilespmem:s1+$0xFFFFFF60] =	vst v3  }
0xb5: {  	v3 =	vld [tilespmem:s2+$0x1080];
	_ =	sdelay $0x4  }
0xb6: {  	[tilespmem:s1+$0xFFFFFF70] =	vst v3  }
0xb7: {  	v3 =	vld [tilespmem:s2+$0x1090];
	_ =	sdelay $0x4  }
0xb8: {  	[tilespmem:s1+$0xFFFFFF80] =	vst v3  }
0xb9: {  	v3 =	vld [tilespmem:s2+$0x10A0];
	_ =	sdelay $0x4  }
0xba: {  	[tilespmem:s1+$0xFFFFFF90] =	vst v3  }
0xbb: {  	v3 =	vld [tilespmem:s2+$0x10B0];
	_ =	sdelay $0x4  }
0xbc: {  	[tilespmem:s1+$0xFFFFFFA0] =	vst v3  }
0xbd: {  	v3 =	vld [tilespmem:s2+$0x10C0];
	_ =	sdelay $0x4  }
0xbe: {  	[tilespmem:s1+$0xFFFFFFB0] =	vst v3  }
0xbf: {  	v3 =	vld [tilespmem:s2+$0x10D0];
	_ =	sdelay $0x4  }
0xc0: {  	[tilespmem:s1+$0xFFFFFFC0] =	vst v3  }
0xc1: {  	v3 =	vld [tilespmem:s2+$0x10E0];
	_ =	sdelay $0x4  }
0xc2: {  	[tilespmem:s1+$0xFFFFFFD0] =	vst v3  }
0xc3: {  	v3 =	vld [tilespmem:s2+$0x10F0];
	_ =	sdelay $0x4  }
0xc4: {  	[tilespmem:s1+$0xFFFFFFE0] =	vst v3  }
0xc5: {  	v3 =	vld [tilespmem:s2+$0x1100];
	_ =	sdelay $0x4  }
0xc6: {  	[tilespmem:s1+$0xFFFFFFF0] =	vst v3  }
0xc7: {  	v3 =	vld [tilespmem:s2+$0x1110];
	_ =	sdelay $0x4  }
0xc8: {  	[tilespmem:s1+$0x0] =	vst v3  }
0xc9: {  	v3 =	vld [tilespmem:s2+$0x1120];
	_ =	sdelay $0x4  }
0xca: {  	[tilespmem:s1+$0x10] =	vst v3  }
0xcb: {  	v3 =	vld [tilespmem:s2+$0x1130];
	_ =	sdelay $0x4  }
0xcc: {  	[tilespmem:s1+$0x20] =	vst v3  }
0xcd: {  	v3 =	vld [tilespmem:s2+$0x1140];
	_ =	sdelay $0x4  }
0xce: {  	[tilespmem:s1+$0x30] =	vst v3  }
0xcf: {  	v3 =	vld [tilespmem:s2+$0x1150];
	_ =	sdelay $0x4  }
0xd0: {  	[tilespmem:s1+$0x40] =	vst v3  }
0xd1: {  	v3 =	vld [tilespmem:s2+$0x1160];
	_ =	sdelay $0x4  }
0xd2: {  	[tilespmem:s1+$0x50] =	vst v3  }
0xd3: {  	v3 =	vld [tilespmem:s2+$0x1170];
	_ =	sdelay $0x4  }
0xd4: {  	[tilespmem:s1+$0x60] =	vst v3  }
0xd5: {  	v3 =	vld [tilespmem:s2+$0x1180];
	_ =	sdelay $0x4  }
0xd6: {  	[tilespmem:s1+$0x70] =	vst v3  }
0xd7: {  	v3 =	vld [tilespmem:s2+$0x1190];
	_ =	sdelay $0x4  }
0xd8: {  	[tilespmem:s1+$0x80] =	vst v3  }
0xd9: {  	v3 =	vld [tilespmem:s2+$0x11A0];
	_ =	sdelay $0x4  }
0xda: {  	[tilespmem:s1+$0x90] =	vst v3  }
0xdb: {  	v3 =	vld [tilespmem:s2+$0x11B0];
	_ =	sdelay $0x4  }
0xdc: {  	[tilespmem:s1+$0xA0] =	vst v3  }
0xdd: {  	v3 =	vld [tilespmem:s2+$0x11C0];
	_ =	sdelay $0x4  }
0xde: {  	[tilespmem:s1+$0xB0] =	vst v3  }
0xdf: {  	v3 =	vld [tilespmem:s2+$0x11D0]  }
.Ltmp8:
0xe0: {  	(pc) =	sbr.rel @p0 .LBB2_11-.Ltmp8, $2  }
0xe1: {  	_ =	sdelay $0x2  }
0xe2: {  	s2 =	sshra.s32 s13, $0x2;
	s13 =	sadd.s32 $0x680, s13;
	[tilespmem:s1+$0xC0] =	vst v3  }
0xe3: {  	v3 =	vld [tilespmem:s2+$0x1040];
	_ =	sdelay $0x3  }
0xe4: {  	s1 =	sadd.s32 $0x200, s1  }
0xe5: {  	[tilespmem:s1+$0xFFFFFF30] =	vst v3  }
0xe6: {  	v3 =	vld [tilespmem:s2+$0x1050];
	_ =	sdelay $0x4  }
0xe7: {  	[tilespmem:s1+$0xFFFFFF40] =	vst v3  }
0xe8: {  	v3 =	vld [tilespmem:s2+$0x1060];
	_ =	sdelay $0x4  }
0xe9: {  	[tilespmem:s1+$0xFFFFFF50] =	vst v3  }
0xea: {  	v3 =	vld [tilespmem:s2+$0x1070];
	_ =	sdelay $0x4  }
0xeb: {  	[tilespmem:s1+$0xFFFFFF60] =	vst v3  }
0xec: {  	v3 =	vld [tilespmem:s2+$0x1080];
	_ =	sdelay $0x4  }
0xed: {  	[tilespmem:s1+$0xFFFFFF70] =	vst v3  }
0xee: {  	v3 =	vld [tilespmem:s2+$0x1090];
	_ =	sdelay $0x4  }
0xef: {  	[tilespmem:s1+$0xFFFFFF80] =	vst v3  }
0xf0: {  	v3 =	vld [tilespmem:s2+$0x10A0];
	_ =	sdelay $0x4  }
0xf1: {  	[tilespmem:s1+$0xFFFFFF90] =	vst v3  }
0xf2: {  	v3 =	vld [tilespmem:s2+$0x10B0];
	_ =	sdelay $0x4  }
0xf3: {  	[tilespmem:s1+$0xFFFFFFA0] =	vst v3  }
0xf4: {  	v3 =	vld [tilespmem:s2+$0x10C0];
	_ =	sdelay $0x4  }
0xf5: {  	[tilespmem:s1+$0xFFFFFFB0] =	vst v3  }
0xf6: {  	v3 =	vld [tilespmem:s2+$0x10D0];
	_ =	sdelay $0x4  }
0xf7: {  	[tilespmem:s1+$0xFFFFFFC0] =	vst v3  }
0xf8: {  	v3 =	vld [tilespmem:s2+$0x10E0];
	_ =	sdelay $0x4  }
0xf9: {  	[tilespmem:s1+$0xFFFFFFD0] =	vst v3  }
0xfa: {  	v3 =	vld [tilespmem:s2+$0x10F0];
	_ =	sdelay $0x4  }
0xfb: {  	[tilespmem:s1+$0xFFFFFFE0] =	vst v3  }
0xfc: {  	v3 =	vld [tilespmem:s2+$0x1100];
	_ =	sdelay $0x4  }
0xfd: {  	[tilespmem:s1+$0xFFFFFFF0] =	vst v3  }
0xfe: {  	v3 =	vld [tilespmem:s2+$0x1110];
	_ =	sdelay $0x4  }
0xff: {  	[tilespmem:s1+$0x0] =	vst v3  }
0x100: {  	v3 =	vld [tilespmem:s2+$0x1120];
	_ =	sdelay $0x4  }
0x101: {  	[tilespmem:s1+$0x10] =	vst v3  }
0x102: {  	v3 =	vld [tilespmem:s2+$0x1130];
	_ =	sdelay $0x4  }
0x103: {  	[tilespmem:s1+$0x20] =	vst v3  }
0x104: {  	v3 =	vld [tilespmem:s2+$0x1140];
	_ =	sdelay $0x4  }
0x105: {  	[tilespmem:s1+$0x30] =	vst v3  }
0x106: {  	v3 =	vld [tilespmem:s2+$0x1150];
	_ =	sdelay $0x4  }
0x107: {  	[tilespmem:s1+$0x40] =	vst v3  }
0x108: {  	v3 =	vld [tilespmem:s2+$0x1160];
	_ =	sdelay $0x4  }
0x109: {  	[tilespmem:s1+$0x50] =	vst v3  }
0x10a: {  	v3 =	vld [tilespmem:s2+$0x1170];
	_ =	sdelay $0x4  }
0x10b: {  	[tilespmem:s1+$0x60] =	vst v3  }
0x10c: {  	v3 =	vld [tilespmem:s2+$0x1180];
	_ =	sdelay $0x4  }
0x10d: {  	[tilespmem:s1+$0x70] =	vst v3  }
0x10e: {  	v3 =	vld [tilespmem:s2+$0x1190];
	_ =	sdelay $0x4  }
0x10f: {  	[tilespmem:s1+$0x80] =	vst v3  }
0x110: {  	v3 =	vld [tilespmem:s2+$0x11A0];
	_ =	sdelay $0x4  }
0x111: {  	[tilespmem:s1+$0x90] =	vst v3  }
0x112: {  	v3 =	vld [tilespmem:s2+$0x11B0];
	_ =	sdelay $0x4  }
0x113: {  	[tilespmem:s1+$0xA0] =	vst v3  }
0x114: {  	v3 =	vld [tilespmem:s2+$0x11C0];
	_ =	sdelay $0x4  }
0x115: {  	[tilespmem:s1+$0xB0] =	vst v3  }
0x116: {  	v3 =	vld [tilespmem:s2+$0x11D0]  }
.Ltmp9:
0x117: {  	_ = 	snop;
	(pc) =	sbr.rel .LBB2_13-.Ltmp9, $2  }
0x118: {  	_ =	sdelay $0x2  }
0x119: {  	s2 =	simm.s32 $0x0;
	[tilespmem:s1+$0xC0] =	vst v3;
	s1 =	simm.s32 $0x0  }
.LBB2_15:
0x11a: {  	s2 =	sadd.s32 $0x10, s2  }
0x11b: {  	p0 =	sne.s32 s2, $0x340  }
.Ltmp10:
0x11c: {  	_ = 	snop;
	(pc) =	sbr.rel @!p0 .LBB2_16-.Ltmp10, $2  }
0x11d: {  	_ =	sdelay $0x2  }
0x11e: {  	s1 =	sadd.s32 $0x10, s1  }
.LBB2_13:
0x11f: {  	v3 =	vld [tilespmem:s1+$0x0];
	_ =	sdelay $0x4  }
0x120: {  	vm0 =	vgt.s32 v3, $0x27ABFF  }
0x121: {  	v4 =	vsel vm0, $0x1, v2  }
0x122: {  	v4 =	vor.u32 $0x80000000, v4  }
0x123: {  	(xrf0) =	vmax.scan.msk.u32 $0xffff, v4;
	_ =	sdelay $0x5  }
0x124: {  	v4, _, _ =	vpop (xrf0)  }
0x125: {  	(v2sf) =	vpush v4, $0xF;
	_ =	sdelay $0xe  }
0x126: {  	s13 =	spop (v2sf)  }
0x127: {  	p0 =	slt.u32 s13, $0x80000001  }
.Ltmp11:
0x128: {  	_ = 	snop;
	(pc) =	sbr.rel @p0 .LBB2_15-.Ltmp11, $1  }
0x129: {  	_ =	sdelay $0x3  }
0x12a: {  	v3 =	vadd.s32 $0xFFD85400, v3  }
0x12b: {  	vm1 =	vgt.s32 v3, $0x0  }
0x12c: {  	v4 =	vor.u32 s2, v1;
	v3 =	vnsel vm1, $0x0, v3  }
0x12d: {  	v5 =	vmulhi.u32 $0x4EC4EC4F, v4;
	v3 =	vmin.u32 v3, $0x3F  }
0x12e: {  	v3 =	vmul.u32 $0x18, v3  }
0x12f: {  	v5 =	vshrl.u32 v5, $0x3  }
0x130: {  	v6 =	vmul.u32 $0xFFFFFFE6, v5;
	_ =	sdelay $0x1  }
0x131: {  	v4 =	vadd.s32 v4, v6  }
0x132: {  	v5 =	vshll.u32 v5, $0x9;
	v6 =	vshll.u32 v4, $0x4  }
0x133: {  	v6 =	vor.u32 v6, v5;
	v7 =	vld.idx.msk [tilespmem:v3+s15+$0x0], vm0  }
0x134: {  	v8 =	vor.u32 $0x1, v3;
	_ =	sdelay $0x3  }
0x135: {  	[tilespmem:v6+s25+$0x0] =	vst.idx.msk vm0, v7  }
0x136: {  	v37 =	vor.u32 $0x1, v6;
	v7 =	vld.idx.msk [tilespmem:v8+s15+$0x0], vm0  }
0x137: {  	v9 =	vor.u32 $0x2, v3;
	_ =	sdelay $0x3  }
0x138: {  	[tilespmem:v37+s25+$0x0] =	vst.idx.msk vm0, v7  }
0x139: {  	v38 =	vor.u32 $0x2, v6;
	v7 =	vld.idx.msk [tilespmem:v9+s15+$0x0], vm0  }
0x13a: {  	v39 =	vor.u32 $0x3, v3;
	_ =	sdelay $0x3  }
0x13b: {  	[tilespmem:v38+s25+$0x0] =	vst.idx.msk vm0, v7  }
0x13c: {  	v40 =	vor.u32 $0x3, v6;
	v7 =	vld.idx.msk [tilespmem:v39+s15+$0x0], vm0  }
0x13d: {  	v41 =	vor.u32 $0x4, v3;
	_ =	sdelay $0x3  }
0x13e: {  	[tilespmem:v40+s25+$0x0] =	vst.idx.msk vm0, v7  }
0x13f: {  	v42 =	vor.u32 $0x4, v6;
	v7 =	vld.idx.msk [tilespmem:v41+s15+$0x0], vm0  }
0x140: {  	v43 =	vor.u32 $0x5, v3;
	_ =	sdelay $0x3  }
0x141: {  	[tilespmem:v42+s25+$0x0] =	vst.idx.msk vm0, v7  }
0x142: {  	v44 =	vor.u32 $0x5, v6;
	v7 =	vld.idx.msk [tilespmem:v43+s15+$0x0], vm0  }
0x143: {  	v45 =	vor.u32 $0x6, v3;
	_ =	sdelay $0x3  }
0x144: {  	[tilespmem:v44+s25+$0x0] =	vst.idx.msk vm0, v7  }
0x145: {  	v46 =	vor.u32 $0x6, v6;
	v7 =	vld.idx.msk [tilespmem:v45+s15+$0x0], vm0  }
0x146: {  	v47 =	vor.u32 $0x7, v3;
	_ =	sdelay $0x3  }
0x147: {  	[tilespmem:v46+s25+$0x0] =	vst.idx.msk vm0, v7  }
0x148: {  	v48 =	vor.u32 $0x7, v6;
	v7 =	vld.idx.msk [tilespmem:v47+s15+$0x0], vm0  }
0x149: {  	v49 =	vadd.s32 $0x8, v3;
	_ =	sdelay $0x3  }
0x14a: {  	[tilespmem:v48+s25+$0x0] =	vst.idx.msk vm0, v7  }
0x14b: {  	v50 =	vor.u32 $0x8, v6;
	v7 =	vld.idx.msk [tilespmem:v49+s15+$0x0], vm0  }
0x14c: {  	v51 =	vadd.s32 $0x9, v3;
	_ =	sdelay $0x3  }
0x14d: {  	[tilespmem:v50+s25+$0x0] =	vst.idx.msk vm0, v7  }
0x14e: {  	v52 =	vor.u32 $0x9, v6;
	v7 =	vld.idx.msk [tilespmem:v51+s15+$0x0], vm0  }
0x14f: {  	v53 =	vadd.s32 $0xA, v3;
	_ =	sdelay $0x3  }
0x150: {  	[tilespmem:v52+s25+$0x0] =	vst.idx.msk vm0, v7  }
0x151: {  	v54 =	vor.u32 $0xA, v6;
	v7 =	vld.idx.msk [tilespmem:v53+s15+$0x0], vm0  }
0x152: {  	v55 =	vadd.s32 $0xB, v3;
	_ =	sdelay $0x3  }
0x153: {  	[tilespmem:v54+s25+$0x0] =	vst.idx.msk vm0, v7  }
0x154: {  	v56 =	vor.u32 $0xB, v6;
	v7 =	vld.idx.msk [tilespmem:v55+s15+$0x0], vm0  }
0x155: {  	v57 =	vadd.s32 $0xC, v3;
	_ =	sdelay $0x3  }
0x156: {  	[tilespmem:v56+s25+$0x0] =	vst.idx.msk vm0, v7  }
0x157: {  	v58 =	vor.u32 $0xC, v6;
	v7 =	vld.idx.msk [tilespmem:v57+s15+$0x0], vm0  }
0x158: {  	v59 =	vadd.s32 $0xD, v3;
	_ =	sdelay $0x3  }
0x159: {  	[tilespmem:v58+s25+$0x0] =	vst.idx.msk vm0, v7  }
0x15a: {  	v60 =	vor.u32 $0xD, v6;
	v7 =	vld.idx.msk [tilespmem:v59+s15+$0x0], vm0  }
0x15b: {  	v61 =	vadd.s32 $0xE, v3;
	_ =	sdelay $0x3  }
0x15c: {  	[tilespmem:v60+s25+$0x0] =	vst.idx.msk vm0, v7  }
0x15d: {  	v62 =	vor.u32 $0xE, v6;
	v7 =	vld.idx.msk [tilespmem:v61+s15+$0x0], vm0  }
0x15e: {  	v63 =	vadd.s32 $0xF, v3;
	_ =	sdelay $0x3  }
0x15f: {  	[tilespmem:v62+s25+$0x0] =	vst.idx.msk vm0, v7  }
0x160: {  	v6 =	vor.u32 $0xF, v6;
	v7 =	vld.idx.msk [tilespmem:v63+s15+$0x0], vm0  }
0x161: {  	v3 =	vadd.s32 $0x10, v3;
	_ =	sdelay $0x3  }
0x162: {  	v4 =	vor.u32 v5, v4;
	[tilespmem:v6+s25+$0x0] =	vst.idx.msk vm0, v7  }
0x163: {  	v4 =	vor.u32 $0x1A0, v4;
	v3 =	vld.idx.msk [tilespmem:v3+s15+$0x0], vm0  }
.Ltmp12:
0x164: {  	_ = 	snop;
	(pc) =	sbr.rel .LBB2_15-.Ltmp12, $2  }
0x165: {  	_ =	sdelay $0x2  }
0x166: {  	[tilespmem:v4+s25+$0x0] =	vst.idx.msk vm0, v3  }
.LBB2_16:
0x167: {  	s1 =	sshll.u32 s31, $0xC  }
0x168: {  	s2 =	simm.s32 $0x0;
	s13 =	smul.u32 $0x680, s31;
	s1 =	sadd.s32 s1, s10  }
0x169: {  	[hbm4b:s1+s2] =	stream.linear.scatter [tilespmem:s25], [sflag:$0x5], $0x4000, $0x38;
	[tilespmem:$0x12640] =	vst v63  }
0x16a: {  	s1 =	sadd.s32 s13, s11  }
0x16b: {  	p0 =	slt.s32 s1, $0x67CC0  }
0x16c: {  	_ =	swait.ge [sflag:s14], $0x4000;
	s1 =	simm.s32 @!p0 $0x67CC0  }
0x16d: {  	[sflag:s14] =	ssyncset.done $0x0;
	s1 =	sshrl.u32 s1, $0x3  }
0x16e: {  	[sflag:s14] =	ssyncadd.s32 $0xFFFFC000;
	s1 =	sadd.s32 s4, s1  }
0x16f: {  	[tilespmem:s2], [sflag:$0x5] =	stream.linear.gather [hbm4b:s1+s2], $0x340, $0x38;
	[tilespmem:$0x12640] =	vst v63  }
0x170: {  	_ =	swait.ge [sflag:s14], $0x340  }
0x171: {  	[sflag:s14] =	ssyncset.done $0x0  }
0x172: {  	s1 =	simm.s32 $0x0;
	[sflag:s14] =	ssyncadd.s32 $0xFFFFFCC0  }
0x173: {  	v3 =	vld [tilespmem:s1+$0xD00]  }
0x174: {  	v4 =	vld [tilespmem:s1+$0x0];
	_ =	sdelay $0x4  }
0x175: {  	s13 =	simm.s32 $0x80;
	s2 =	simm.s32 $0x10;
	v3 =	vadd.s32 v4, v3  }
.LBB2_17:
0x176: {  	p0 =	sne.s32 s13, $0xCC0;
	v4 =	vld [tilespmem:s2+$0xD00];
	[tilespmem:s1+$0x0] =	vst v3;
	v3 =	vshrl.u32 v3, $0x4  }
0x177: {  	v5 =	vld [tilespmem:s2+$0x0];
	[tilespmem:s1+$0x680] =	vst v3;
	s1 =	smov.u32 s2  }
.Ltmp13:
0x178: {  	(pc) =	sbr.rel @p0 .LBB2_17-.Ltmp13, $2  }
0x179: {  	_ =	sdelay $0x2  }
0x17a: {  	s2 =	sshra.s32 s13, $0x2;
	s13 =	sadd.s32 $0x40, s13;
	v3 =	vadd.s32 v5, v4  }
0x17b: {  	v4 =	vld [tilespmem:s2+$0xD00];
	[tilespmem:s1+$0x0] =	vst v3  }
0x17c: {  	v5 =	vld [tilespmem:s2+$0x0];
	_ =	sdelay $0x3  }
0x17d: {  	v3 =	vshrl.u32 v3, $0x4  }
0x17e: {  	[tilespmem:s1+$0x680] =	vst v3;
	v3 =	vadd.s32 v5, v4  }
0x17f: {  	[tilespmem:s2+$0x0] =	vst v3;
	v3 =	vshrl.u32 v3, $0x4  }
0x180: {  	s1 =	simm.s32 $0x340;
	[tilespmem:s2+$0x680] =	vst v3;
	s2 =	simm.s32 $0x0  }
0x181: {  	[tilespmem:s17], [sflag:$0x1] =	stream.indirect.gather [hbm4b:s5+s1], $0x10, s2, s1, $0xb8;
	[tilespmem:$0x12640] =	vst v63  }
0x182: {  	_ = 	snop  }
0x183: {  	[tilespmem:s19], [sflag:$0x3] =	stream.indirect.gather [hbm4b:s6+s1], $0x10, s18, s1, $0xb8;
	[tilespmem:$0x12640] =	vst v63  }
0x184: {  	_ =	swait.ge [sflag:s26], $0x3400  }
0x185: {  	[sflag:s26] =	ssyncset.done $0x0  }
0x186: {  	[sflag:s26] =	ssyncadd.s32 $0xFFFFCC00  }
0x187: {  	_ =	swait.ge [sflag:s28], $0x3400  }
0x188: {  	[sflag:s28] =	ssyncset.done $0x0  }
0x189: {  	[sflag:s28] =	ssyncadd.s32 $0xFFFFCC00  }
.LBB2_19:
0x18a: {  	v3 =	vld [tilespmem:s1+$0x0]  }
0x18b: {  	v4 =	vor.u32 s2, v1  }
0x18c: {  	v5 =	vmulhi.u32 $0x4EC4EC4F, v4;
	_ =	sdelay $0x1  }
0x18d: {  	v5 =	vshrl.u32 v5, $0x3  }
0x18e: {  	v6 =	vshll.u32 v4, $0x4;
	v7 =	vmul.u32 $0xFFFFFFE6, v5;
	v3 =	vand.u32 $0xF, v3  }
0x18f: {  	v3 =	vor.u32 v6, v3  }
0x190: {  	v4 =	vadd.s32 v4, v7  }
0x191: {  	v5 =	vshll.u32 v5, $0x9;
	v63 =	vand.u32 $0x18, v4  }
0x192: {  	v4 =	vand.u32 $0x7, v4;
	v5 =	vor.u32 v5, v63  }
0x193: {  	v4 =	vor.u32 v4, v5  }
0x194: {  	p0 =	sne.s32 s2, $0x330;
	v4 =	vor.u32 $0x1A0, v4;
	v3 =	vld.idx.msk [tilespmem:v3+s22+$0x0], $0xffff  }
.Ltmp14:
0x195: {  	_ = 	snop;
	(pc) =	sbr.rel @p0 .LBB2_19-.Ltmp14, $2  }
0x196: {  	_ =	sdelay $0x2  }
0x197: {  	s1 =	sadd.s32 $0x10, s1;
	s2 =	sadd.s32 $0x10, s2;
	[tilespmem:v4+s25+$0x0] =	vst.idx.msk $0xffff, v3  }
0x198: {  	s2 =	simm.s32 $0x0  }
0x199: {  	v3 =	vld [tilespmem:s2+$0x4440];
	_ =	sdelay $0x3  }
0x19a: {  	s1 =	simm.s32 $0xE110  }
0x19b: {  	[tilespmem:s1+$0xFFFFFF30] =	vst v3  }
0x19c: {  	v3 =	vld [tilespmem:s2+$0x4450];
	_ =	sdelay $0x4  }
0x19d: {  	[tilespmem:s1+$0xFFFFFF40] =	vst v3  }
0x19e: {  	v3 =	vld [tilespmem:s2+$0x4460];
	_ =	sdelay $0x4  }
0x19f: {  	[tilespmem:s1+$0xFFFFFF50] =	vst v3  }
0x1a0: {  	v3 =	vld [tilespmem:s2+$0x4470];
	_ =	sdelay $0x4  }
0x1a1: {  	[tilespmem:s1+$0xFFFFFF60] =	vst v3  }
0x1a2: {  	v3 =	vld [tilespmem:s2+$0x4480];
	_ =	sdelay $0x4  }
0x1a3: {  	[tilespmem:s1+$0xFFFFFF70] =	vst v3  }
0x1a4: {  	v3 =	vld [tilespmem:s2+$0x4490];
	_ =	sdelay $0x4  }
0x1a5: {  	[tilespmem:s1+$0xFFFFFF80] =	vst v3  }
0x1a6: {  	v3 =	vld [tilespmem:s2+$0x44A0];
	_ =	sdelay $0x4  }
0x1a7: {  	[tilespmem:s1+$0xFFFFFF90] =	vst v3  }
0x1a8: {  	v3 =	vld [tilespmem:s2+$0x44B0];
	_ =	sdelay $0x4  }
0x1a9: {  	[tilespmem:s1+$0xFFFFFFA0] =	vst v3  }
0x1aa: {  	v3 =	vld [tilespmem:s2+$0x44C0];
	_ =	sdelay $0x4  }
0x1ab: {  	[tilespmem:s1+$0xFFFFFFB0] =	vst v3  }
0x1ac: {  	v3 =	vld [tilespmem:s2+$0x44D0];
	_ =	sdelay $0x4  }
0x1ad: {  	[tilespmem:s1+$0xFFFFFFC0] =	vst v3  }
0x1ae: {  	v3 =	vld [tilespmem:s2+$0x44E0];
	_ =	sdelay $0x4  }
0x1af: {  	[tilespmem:s1+$0xFFFFFFD0] =	vst v3  }
0x1b0: {  	v3 =	vld [tilespmem:s2+$0x44F0];
	_ =	sdelay $0x4  }
0x1b1: {  	[tilespmem:s1+$0xFFFFFFE0] =	vst v3  }
0x1b2: {  	v3 =	vld [tilespmem:s2+$0x4500];
	_ =	sdelay $0x4  }
0x1b3: {  	[tilespmem:s1+$0xFFFFFFF0] =	vst v3  }
0x1b4: {  	v3 =	vld [tilespmem:s2+$0x4510];
	_ =	sdelay $0x4  }
0x1b5: {  	[tilespmem:s1+$0x0] =	vst v3  }
0x1b6: {  	v3 =	vld [tilespmem:s2+$0x4520];
	_ =	sdelay $0x4  }
0x1b7: {  	[tilespmem:s1+$0x10] =	vst v3  }
0x1b8: {  	v3 =	vld [tilespmem:s2+$0x4530];
	_ =	sdelay $0x4  }
0x1b9: {  	[tilespmem:s1+$0x20] =	vst v3  }
0x1ba: {  	v3 =	vld [tilespmem:s2+$0x4540];
	_ =	sdelay $0x4  }
0x1bb: {  	[tilespmem:s1+$0x30] =	vst v3  }
0x1bc: {  	v3 =	vld [tilespmem:s2+$0x4550];
	_ =	sdelay $0x4  }
0x1bd: {  	[tilespmem:s1+$0x40] =	vst v3  }
0x1be: {  	v3 =	vld [tilespmem:s2+$0x4560];
	_ =	sdelay $0x4  }
0x1bf: {  	[tilespmem:s1+$0x50] =	vst v3  }
0x1c0: {  	v3 =	vld [tilespmem:s2+$0x4570];
	_ =	sdelay $0x4  }
0x1c1: {  	[tilespmem:s1+$0x60] =	vst v3  }
0x1c2: {  	v3 =	vld [tilespmem:s2+$0x4580];
	_ =	sdelay $0x4  }
0x1c3: {  	[tilespmem:s1+$0x70] =	vst v3  }
0x1c4: {  	v3 =	vld [tilespmem:s2+$0x4590];
	_ =	sdelay $0x4  }
0x1c5: {  	[tilespmem:s1+$0x80] =	vst v3  }
0x1c6: {  	v3 =	vld [tilespmem:s2+$0x45A0];
	_ =	sdelay $0x4  }
0x1c7: {  	[tilespmem:s1+$0x90] =	vst v3  }
0x1c8: {  	v3 =	vld [tilespmem:s2+$0x45B0];
	_ =	sdelay $0x4  }
0x1c9: {  	[tilespmem:s1+$0xA0] =	vst v3  }
0x1ca: {  	v3 =	vld [tilespmem:s2+$0x45C0];
	_ =	sdelay $0x4  }
0x1cb: {  	[tilespmem:s1+$0xB0] =	vst v3  }
0x1cc: {  	v3 =	vld [tilespmem:s2+$0x45D0];
	_ =	sdelay $0x4  }
0x1cd: {  	s13 =	simm.s32 $0xD00;
	s2 =	simm.s32 $0x1A0;
	[tilespmem:s1+$0xC0] =	vst v3  }
.LBB2_21:
0x1ce: {  	p0 =	sne.s32 s13, $0xC980;
	v3 =	vld [tilespmem:s2+$0x4440];
	_ =	sdelay $0x3  }
0x1cf: {  	s1 =	sadd.s32 $0x200, s1  }
0x1d0: {  	[tilespmem:s1+$0xFFFFFF30] =	vst v3  }
0x1d1: {  	v3 =	vld [tilespmem:s2+$0x4450];
	_ =	sdelay $0x4  }
0x1d2: {  	[tilespmem:s1+$0xFFFFFF40] =	vst v3  }
0x1d3: {  	v3 =	vld [tilespmem:s2+$0x4460];
	_ =	sdelay $0x4  }
0x1d4: {  	[tilespmem:s1+$0xFFFFFF50] =	vst v3  }
0x1d5: {  	v3 =	vld [tilespmem:s2+$0x4470];
	_ =	sdelay $0x4  }
0x1d6: {  	[tilespmem:s1+$0xFFFFFF60] =	vst v3  }
0x1d7: {  	v3 =	vld [tilespmem:s2+$0x4480];
	_ =	sdelay $0x4  }
0x1d8: {  	[tilespmem:s1+$0xFFFFFF70] =	vst v3  }
0x1d9: {  	v3 =	vld [tilespmem:s2+$0x4490];
	_ =	sdelay $0x4  }
0x1da: {  	[tilespmem:s1+$0xFFFFFF80] =	vst v3  }
0x1db: {  	v3 =	vld [tilespmem:s2+$0x44A0];
	_ =	sdelay $0x4  }
0x1dc: {  	[tilespmem:s1+$0xFFFFFF90] =	vst v3  }
0x1dd: {  	v3 =	vld [tilespmem:s2+$0x44B0];
	_ =	sdelay $0x4  }
0x1de: {  	[tilespmem:s1+$0xFFFFFFA0] =	vst v3  }
0x1df: {  	v3 =	vld [tilespmem:s2+$0x44C0];
	_ =	sdelay $0x4  }
0x1e0: {  	[tilespmem:s1+$0xFFFFFFB0] =	vst v3  }
0x1e1: {  	v3 =	vld [tilespmem:s2+$0x44D0];
	_ =	sdelay $0x4  }
0x1e2: {  	[tilespmem:s1+$0xFFFFFFC0] =	vst v3  }
0x1e3: {  	v3 =	vld [tilespmem:s2+$0x44E0];
	_ =	sdelay $0x4  }
0x1e4: {  	[tilespmem:s1+$0xFFFFFFD0] =	vst v3  }
0x1e5: {  	v3 =	vld [tilespmem:s2+$0x44F0];
	_ =	sdelay $0x4  }
0x1e6: {  	[tilespmem:s1+$0xFFFFFFE0] =	vst v3  }
0x1e7: {  	v3 =	vld [tilespmem:s2+$0x4500];
	_ =	sdelay $0x4  }
0x1e8: {  	[tilespmem:s1+$0xFFFFFFF0] =	vst v3  }
0x1e9: {  	v3 =	vld [tilespmem:s2+$0x4510];
	_ =	sdelay $0x4  }
0x1ea: {  	[tilespmem:s1+$0x0] =	vst v3  }
0x1eb: {  	v3 =	vld [tilespmem:s2+$0x4520];
	_ =	sdelay $0x4  }
0x1ec: {  	[tilespmem:s1+$0x10] =	vst v3  }
0x1ed: {  	v3 =	vld [tilespmem:s2+$0x4530];
	_ =	sdelay $0x4  }
0x1ee: {  	[tilespmem:s1+$0x20] =	vst v3  }
0x1ef: {  	v3 =	vld [tilespmem:s2+$0x4540];
	_ =	sdelay $0x4  }
0x1f0: {  	[tilespmem:s1+$0x30] =	vst v3  }
0x1f1: {  	v3 =	vld [tilespmem:s2+$0x4550];
	_ =	sdelay $0x4  }
0x1f2: {  	[tilespmem:s1+$0x40] =	vst v3  }
0x1f3: {  	v3 =	vld [tilespmem:s2+$0x4560];
	_ =	sdelay $0x4  }
0x1f4: {  	[tilespmem:s1+$0x50] =	vst v3  }
0x1f5: {  	v3 =	vld [tilespmem:s2+$0x4570];
	_ =	sdelay $0x4  }
0x1f6: {  	[tilespmem:s1+$0x60] =	vst v3  }
0x1f7: {  	v3 =	vld [tilespmem:s2+$0x4580];
	_ =	sdelay $0x4  }
0x1f8: {  	[tilespmem:s1+$0x70] =	vst v3  }
0x1f9: {  	v3 =	vld [tilespmem:s2+$0x4590];
	_ =	sdelay $0x4  }
0x1fa: {  	[tilespmem:s1+$0x80] =	vst v3  }
0x1fb: {  	v3 =	vld [tilespmem:s2+$0x45A0];
	_ =	sdelay $0x4  }
0x1fc: {  	[tilespmem:s1+$0x90] =	vst v3  }
0x1fd: {  	v3 =	vld [tilespmem:s2+$0x45B0];
	_ =	sdelay $0x4  }
0x1fe: {  	[tilespmem:s1+$0xA0] =	vst v3  }
0x1ff: {  	v3 =	vld [tilespmem:s2+$0x45C0];
	_ =	sdelay $0x4  }
0x200: {  	[tilespmem:s1+$0xB0] =	vst v3  }
0x201: {  	v3 =	vld [tilespmem:s2+$0x45D0]  }
.Ltmp15:
0x202: {  	(pc) =	sbr.rel @p0 .LBB2_21-.Ltmp15, $2  }
0x203: {  	_ =	sdelay $0x2  }
0x204: {  	s2 =	sshra.s32 s13, $0x2;
	s13 =	sadd.s32 $0x680, s13;
	[tilespmem:s1+$0xC0] =	vst v3  }
0x205: {  	v3 =	vld [tilespmem:s2+$0x4440];
	_ =	sdelay $0x3  }
0x206: {  	s1 =	sadd.s32 $0x200, s1  }
0x207: {  	[tilespmem:s1+$0xFFFFFF30] =	vst v3  }
0x208: {  	v3 =	vld [tilespmem:s2+$0x4450];
	_ =	sdelay $0x4  }
0x209: {  	[tilespmem:s1+$0xFFFFFF40] =	vst v3  }
0x20a: {  	v3 =	vld [tilespmem:s2+$0x4460];
	_ =	sdelay $0x4  }
0x20b: {  	[tilespmem:s1+$0xFFFFFF50] =	vst v3  }
0x20c: {  	v3 =	vld [tilespmem:s2+$0x4470];
	_ =	sdelay $0x4  }
0x20d: {  	[tilespmem:s1+$0xFFFFFF60] =	vst v3  }
0x20e: {  	v3 =	vld [tilespmem:s2+$0x4480];
	_ =	sdelay $0x4  }
0x20f: {  	[tilespmem:s1+$0xFFFFFF70] =	vst v3  }
0x210: {  	v3 =	vld [tilespmem:s2+$0x4490];
	_ =	sdelay $0x4  }
0x211: {  	[tilespmem:s1+$0xFFFFFF80] =	vst v3  }
0x212: {  	v3 =	vld [tilespmem:s2+$0x44A0];
	_ =	sdelay $0x4  }
0x213: {  	[tilespmem:s1+$0xFFFFFF90] =	vst v3  }
0x214: {  	v3 =	vld [tilespmem:s2+$0x44B0];
	_ =	sdelay $0x4  }
0x215: {  	[tilespmem:s1+$0xFFFFFFA0] =	vst v3  }
0x216: {  	v3 =	vld [tilespmem:s2+$0x44C0];
	_ =	sdelay $0x4  }
0x217: {  	[tilespmem:s1+$0xFFFFFFB0] =	vst v3  }
0x218: {  	v3 =	vld [tilespmem:s2+$0x44D0];
	_ =	sdelay $0x4  }
0x219: {  	[tilespmem:s1+$0xFFFFFFC0] =	vst v3  }
0x21a: {  	v3 =	vld [tilespmem:s2+$0x44E0];
	_ =	sdelay $0x4  }
0x21b: {  	[tilespmem:s1+$0xFFFFFFD0] =	vst v3  }
0x21c: {  	v3 =	vld [tilespmem:s2+$0x44F0];
	_ =	sdelay $0x4  }
0x21d: {  	[tilespmem:s1+$0xFFFFFFE0] =	vst v3  }
0x21e: {  	v3 =	vld [tilespmem:s2+$0x4500];
	_ =	sdelay $0x4  }
0x21f: {  	[tilespmem:s1+$0xFFFFFFF0] =	vst v3  }
0x220: {  	v3 =	vld [tilespmem:s2+$0x4510];
	_ =	sdelay $0x4  }
0x221: {  	[tilespmem:s1+$0x0] =	vst v3  }
0x222: {  	v3 =	vld [tilespmem:s2+$0x4520];
	_ =	sdelay $0x4  }
0x223: {  	[tilespmem:s1+$0x10] =	vst v3  }
0x224: {  	v3 =	vld [tilespmem:s2+$0x4530];
	_ =	sdelay $0x4  }
0x225: {  	[tilespmem:s1+$0x20] =	vst v3  }
0x226: {  	v3 =	vld [tilespmem:s2+$0x4540];
	_ =	sdelay $0x4  }
0x227: {  	[tilespmem:s1+$0x30] =	vst v3  }
0x228: {  	v3 =	vld [tilespmem:s2+$0x4550];
	_ =	sdelay $0x4  }
0x229: {  	[tilespmem:s1+$0x40] =	vst v3  }
0x22a: {  	v3 =	vld [tilespmem:s2+$0x4560];
	_ =	sdelay $0x4  }
0x22b: {  	[tilespmem:s1+$0x50] =	vst v3  }
0x22c: {  	v3 =	vld [tilespmem:s2+$0x4570];
	_ =	sdelay $0x4  }
0x22d: {  	[tilespmem:s1+$0x60] =	vst v3  }
0x22e: {  	v3 =	vld [tilespmem:s2+$0x4580];
	_ =	sdelay $0x4  }
0x22f: {  	[tilespmem:s1+$0x70] =	vst v3  }
0x230: {  	v3 =	vld [tilespmem:s2+$0x4590];
	_ =	sdelay $0x4  }
0x231: {  	[tilespmem:s1+$0x80] =	vst v3  }
0x232: {  	v3 =	vld [tilespmem:s2+$0x45A0];
	_ =	sdelay $0x4  }
0x233: {  	[tilespmem:s1+$0x90] =	vst v3  }
0x234: {  	v3 =	vld [tilespmem:s2+$0x45B0];
	_ =	sdelay $0x4  }
0x235: {  	[tilespmem:s1+$0xA0] =	vst v3  }
0x236: {  	v3 =	vld [tilespmem:s2+$0x45C0];
	_ =	sdelay $0x4  }
0x237: {  	[tilespmem:s1+$0xB0] =	vst v3  }
0x238: {  	v3 =	vld [tilespmem:s2+$0x45D0]  }
.Ltmp16:
0x239: {  	_ = 	snop;
	(pc) =	sbr.rel .LBB2_23-.Ltmp16, $2  }
0x23a: {  	_ =	sdelay $0x2  }
0x23b: {  	s2 =	simm.s32 $0x340;
	[tilespmem:s1+$0xC0] =	vst v3;
	s1 =	simm.s32 $0x0  }
.LBB2_25:
0x23c: {  	s1 =	sadd.s32 $0x10, s1  }
0x23d: {  	p0 =	sne.s32 s1, $0x340  }
.Ltmp17:
0x23e: {  	_ = 	snop;
	(pc) =	sbr.rel @!p0 .LBB2_26-.Ltmp17, $2  }
0x23f: {  	_ =	sdelay $0x2  }
0x240: {  	s2 =	sadd.s32 $0x10, s2  }
.LBB2_23:
0x241: {  	v3 =	vld [tilespmem:s2+$0x0];
	_ =	sdelay $0x4  }
0x242: {  	vm0 =	vgt.s32 v3, $0x27ABFF  }
0x243: {  	v4 =	vsel vm0, $0x1, v2  }
0x244: {  	v4 =	vor.u32 $0x80000000, v4  }
0x245: {  	(xrf0) =	vmax.scan.msk.u32 $0xffff, v4;
	_ =	sdelay $0x5  }
0x246: {  	v4, _, _ =	vpop (xrf0)  }
0x247: {  	(v2sf) =	vpush v4, $0xF;
	_ =	sdelay $0xe  }
0x248: {  	s13 =	spop (v2sf)  }
0x249: {  	p0 =	slt.u32 s13, $0x80000001  }
.Ltmp18:
0x24a: {  	_ = 	snop;
	(pc) =	sbr.rel @p0 .LBB2_25-.Ltmp18, $1  }
0x24b: {  	_ =	sdelay $0x3  }
0x24c: {  	v3 =	vadd.s32 $0xFFD85400, v3  }
0x24d: {  	vm1 =	vgt.s32 v3, $0x0  }
0x24e: {  	v4 =	vor.u32 s1, v1;
	v3 =	vnsel vm1, $0x0, v3  }
0x24f: {  	v5 =	vmulhi.u32 $0x4EC4EC4F, v4;
	v3 =	vmin.u32 v3, $0x3F  }
0x250: {  	v3 =	vmul.u32 $0x18, v3  }
0x251: {  	v5 =	vshrl.u32 v5, $0x3  }
0x252: {  	v6 =	vmul.u32 $0xFFFFFFE6, v5;
	_ =	sdelay $0x1  }
0x253: {  	v4 =	vadd.s32 v4, v6  }
0x254: {  	v5 =	vshll.u32 v5, $0x9;
	v6 =	vshll.u32 v4, $0x4  }
0x255: {  	v6 =	vor.u32 v6, v5;
	v7 =	vld.idx.msk [tilespmem:v3+s15+$0x0], vm0  }
0x256: {  	v8 =	vor.u32 $0x1, v3;
	_ =	sdelay $0x3  }
0x257: {  	[tilespmem:v6+s25+$0x0] =	vst.idx.msk vm0, v7  }
0x258: {  	v37 =	vor.u32 $0x1, v6;
	v7 =	vld.idx.msk [tilespmem:v8+s15+$0x0], vm0  }
0x259: {  	v9 =	vor.u32 $0x2, v3;
	_ =	sdelay $0x3  }
0x25a: {  	[tilespmem:v37+s25+$0x0] =	vst.idx.msk vm0, v7  }
0x25b: {  	v38 =	vor.u32 $0x2, v6;
	v7 =	vld.idx.msk [tilespmem:v9+s15+$0x0], vm0  }
0x25c: {  	v39 =	vor.u32 $0x3, v3;
	_ =	sdelay $0x3  }
0x25d: {  	[tilespmem:v38+s25+$0x0] =	vst.idx.msk vm0, v7  }
0x25e: {  	v40 =	vor.u32 $0x3, v6;
	v7 =	vld.idx.msk [tilespmem:v39+s15+$0x0], vm0  }
0x25f: {  	v41 =	vor.u32 $0x4, v3;
	_ =	sdelay $0x3  }
0x260: {  	[tilespmem:v40+s25+$0x0] =	vst.idx.msk vm0, v7  }
0x261: {  	v42 =	vor.u32 $0x4, v6;
	v7 =	vld.idx.msk [tilespmem:v41+s15+$0x0], vm0  }
0x262: {  	v43 =	vor.u32 $0x5, v3;
	_ =	sdelay $0x3  }
0x263: {  	[tilespmem:v42+s25+$0x0] =	vst.idx.msk vm0, v7  }
0x264: {  	v44 =	vor.u32 $0x5, v6;
	v7 =	vld.idx.msk [tilespmem:v43+s15+$0x0], vm0  }
0x265: {  	v45 =	vor.u32 $0x6, v3;
	_ =	sdelay $0x3  }
0x266: {  	[tilespmem:v44+s25+$0x0] =	vst.idx.msk vm0, v7  }
0x267: {  	v46 =	vor.u32 $0x6, v6;
	v7 =	vld.idx.msk [tilespmem:v45+s15+$0x0], vm0  }
0x268: {  	v47 =	vor.u32 $0x7, v3;
	_ =	sdelay $0x3  }
0x269: {  	[tilespmem:v46+s25+$0x0] =	vst.idx.msk vm0, v7  }
0x26a: {  	v48 =	vor.u32 $0x7, v6;
	v7 =	vld.idx.msk [tilespmem:v47+s15+$0x0], vm0  }
0x26b: {  	v49 =	vadd.s32 $0x8, v3;
	_ =	sdelay $0x3  }
0x26c: {  	[tilespmem:v48+s25+$0x0] =	vst.idx.msk vm0, v7  }
0x26d: {  	v50 =	vor.u32 $0x8, v6;
	v7 =	vld.idx.msk [tilespmem:v49+s15+$0x0], vm0  }
0x26e: {  	v51 =	vadd.s32 $0x9, v3;
	_ =	sdelay $0x3  }
0x26f: {  	[tilespmem:v50+s25+$0x0] =	vst.idx.msk vm0, v7  }
0x270: {  	v52 =	vor.u32 $0x9, v6;
	v7 =	vld.idx.msk [tilespmem:v51+s15+$0x0], vm0  }
0x271: {  	v53 =	vadd.s32 $0xA, v3;
	_ =	sdelay $0x3  }
0x272: {  	[tilespmem:v52+s25+$0x0] =	vst.idx.msk vm0, v7  }
0x273: {  	v54 =	vor.u32 $0xA, v6;
	v7 =	vld.idx.msk [tilespmem:v53+s15+$0x0], vm0  }
0x274: {  	v55 =	vadd.s32 $0xB, v3;
	_ =	sdelay $0x3  }
0x275: {  	[tilespmem:v54+s25+$0x0] =	vst.idx.msk vm0, v7  }
0x276: {  	v56 =	vor.u32 $0xB, v6;
	v7 =	vld.idx.msk [tilespmem:v55+s15+$0x0], vm0  }
0x277: {  	v57 =	vadd.s32 $0xC, v3;
	_ =	sdelay $0x3  }
0x278: {  	[tilespmem:v56+s25+$0x0] =	vst.idx.msk vm0, v7  }
0x279: {  	v58 =	vor.u32 $0xC, v6;
	v7 =	vld.idx.msk [tilespmem:v57+s15+$0x0], vm0  }
0x27a: {  	v59 =	vadd.s32 $0xD, v3;
	_ =	sdelay $0x3  }
0x27b: {  	[tilespmem:v58+s25+$0x0] =	vst.idx.msk vm0, v7  }
0x27c: {  	v60 =	vor.u32 $0xD, v6;
	v7 =	vld.idx.msk [tilespmem:v59+s15+$0x0], vm0  }
0x27d: {  	v61 =	vadd.s32 $0xE, v3;
	_ =	sdelay $0x3  }
0x27e: {  	[tilespmem:v60+s25+$0x0] =	vst.idx.msk vm0, v7  }
0x27f: {  	v62 =	vor.u32 $0xE, v6;
	v7 =	vld.idx.msk [tilespmem:v61+s15+$0x0], vm0  }
0x280: {  	v63 =	vadd.s32 $0xF, v3;
	_ =	sdelay $0x3  }
0x281: {  	[tilespmem:v62+s25+$0x0] =	vst.idx.msk vm0, v7  }
0x282: {  	v6 =	vor.u32 $0xF, v6;
	v7 =	vld.idx.msk [tilespmem:v63+s15+$0x0], vm0  }
0x283: {  	v3 =	vadd.s32 $0x10, v3;
	_ =	sdelay $0x3  }
0x284: {  	v4 =	vor.u32 v5, v4;
	[tilespmem:v6+s25+$0x0] =	vst.idx.msk vm0, v7  }
0x285: {  	v4 =	vor.u32 $0x1A0, v4;
	v3 =	vld.idx.msk [tilespmem:v3+s15+$0x0], vm0  }
.Ltmp19:
0x286: {  	_ = 	snop;
	(pc) =	sbr.rel .LBB2_25-.Ltmp19, $2  }
0x287: {  	_ =	sdelay $0x2  }
0x288: {  	[tilespmem:v4+s25+$0x0] =	vst.idx.msk vm0, v3  }
.LBB2_28:
0x289: {  	_ =	sfence.sel $0x180000  }
0x28a: {  	[bflag:$0x0] =	sbarrier.arrive $0xFFFF  }
0x28b: {  	_ =	strace $0x9000004A  }
0x28c: {  	s0 =	stileid.u32;
	[bflag:$0x2] =	sbarrier.arrive $0xFFFF  }
0x28d: {  	p0 =	sne.s32 s0, $0x0;
	s0 =	rddreg [dreg:$0x2]  }
0x28e: {  	s0 =	sadd.s32 @!p0 $0x100000, s0  }
0x28f: {  	[sflag:s0] =	ssyncadd.tile.s32 @!p0 $0x1;
	_ =	shalt  }
.Lfunc_end2:
_tile_overlayer_lowered:
.L_overlay_start_2:
0x290: {  	(tag) =	ssettag $0x2  }
0x291: {  	s0 =	rddreg [dreg:$0x0];
	s2 =	stileid.u32  }
0x292: {  	s1 =	rddreg [dreg:$0x1];
	p0 =	sne.s32 s2, $0x0  }
0x293: {  	s3 =	rddreg [dreg:$0x2];
	[bflag:$0x3] =	sbarrier.arrive $0xFFFF;
	s2 =	simm.s32 @!p0 $0x1C05  }
0x294: {  	[timem:s3], [sflag:s2] =	dma.local @!p0 [hbm:s0], s1  }
0x295: {  	s0 =	simm.s32 @!p0 $0x5  }
0x296: {  	_ =	swait.ge @!p0 [sflag:s0], s1  }
0x297: {  	s1 =	ssub.s32 @!p0 $0x0, s1;
	[sflag:s0] =	ssyncset.done @!p0 $0x0  }
0x298: {  	[sflag:s0] =	ssyncadd.s32 @!p0 s1  }
0x299: {  	[bflag:$0x3] =	sbarrier.arrive $0xFFFF  }
0x29a: {  	_ =	shalt  }

</sc_bundles>
